<compile_context>
chip_gen: v7x
topology: tpu7x:2x2x1
jax: 0.10.2.dev20260603
libtpu: 0.0.44.dev20260713+nightly
codegen_flags: <defaults>
</compile_context>

<pallas_src>
import functools

import jax
import jax.numpy as jnp
from jax import lax
from jax.experimental import pallas as pl
from jax.experimental.pallas import tpu as pltpu
from jax.experimental.pallas import tpu_sc as plsc

N = 10000
D = 128
E = 320000
NC = 2
NS = 16
NW = NC * NS
EPW = E // NW
C = 80
CH = EPW // C

NP_DEG = 10240
DEG_CH = NP_DEG // NS

ROW_CH = 200
N_ROW_CH = N // ROW_CH
ROUNDS = 4


def _sc_mesh():
    return plsc.VectorSubcoreMesh(core_axis_name="c", subcore_axis_name="s")


def _sc_deg(dst_r):
    @functools.partial(
        pl.kernel,
        mesh=_sc_mesh(),
        out_type=jax.ShapeDtypeStruct((NC * NP_DEG,), jnp.float32),
        scratch_types=[
            pltpu.VMEM((CH, C), jnp.int32),
            pltpu.VMEM((C,), jnp.float32),
            pltpu.VMEM((DEG_CH,), jnp.float32),
            pltpu.VMEM_SHARED((NP_DEG,), jnp.float32),
            pltpu.SemaphoreType.DMA,
        ],
    )
    def k(dst_hbm, out_hbm, idx_v, ones_v, zer_v, acc_sh, sem):
        c = lax.axis_index("c")
        s = lax.axis_index("s")
        w = c * NS + s
        for i in range(C // 16):
            ones_v[pl.ds(i * 16, 16)] = jnp.ones((16,), jnp.float32)
        for i in range(DEG_CH // 16):
            zer_v[pl.ds(i * 16, 16)] = jnp.zeros((16,), jnp.float32)
        pltpu.sync_copy(zer_v, acc_sh.at[pl.ds(s * DEG_CH, DEG_CH)])
        pltpu.sync_copy(dst_hbm.at[w], idx_v)
        plsc.subcore_barrier()

        def step(i, carry):
            pltpu.async_copy(ones_v, acc_sh.at[idx_v.at[i]], sem, add=True)
            return carry

        lax.fori_loop(0, CH, step, 0)

        def drain(i, carry):
            pltpu.make_async_copy(ones_v, acc_sh.at[idx_v.at[i]], sem).wait()
            return carry

        lax.fori_loop(0, CH, drain, 0)
        plsc.subcore_barrier()
        pltpu.sync_copy(
            acc_sh.at[pl.ds(s * DEG_CH, DEG_CH)],
            out_hbm.at[pl.ds(c * NP_DEG + s * DEG_CH, DEG_CH)],
        )

    return k(dst_r)


def _sc_msg(src_r, dst_r, h):
    @functools.partial(
        pl.kernel,
        mesh=_sc_mesh(),
        out_type=jax.ShapeDtypeStruct((NC, N, D), jnp.float32),
        scratch_types=[
            pltpu.VMEM((CH, C), jnp.int32),
            pltpu.VMEM((C,), jnp.int32),
            pltpu.VMEM((C,), jnp.int32),
            pltpu.VMEM((C,), jnp.int32),
            pltpu.VMEM((C, D), jnp.float32),
            pltpu.VMEM((C, D), jnp.float32),
            pltpu.VMEM((C, D), jnp.float32),
            pltpu.VMEM_SHARED((N, D), jnp.float32),
            pltpu.SemaphoreType.DMA,
            pltpu.SemaphoreType.DMA,
            pltpu.SemaphoreType.DMA,
            pltpu.SemaphoreType.DMA,
            pltpu.SemaphoreType.DMA,
            pltpu.SemaphoreType.DMA,
            pltpu.SemaphoreType.DMA,
            pltpu.SemaphoreType.DMA,
            pltpu.SemaphoreType.DMA,
        ],
    )
    def k(src_hbm, dst_hbm, h_hbm, out_hbm, src_v, dst_c0, dst_c1, dst_c2,
          rows0, rows1, rows2, acc_sh,
          semi0, semi1, semi2, semg0, semg1, semg2, sems0, sems1, sems2):
        c = lax.axis_index("c")
        s = lax.axis_index("s")
        w = c * NS + s
        for j in range(ROUNDS):
            q = s + j * NS

            @pl.when(q < N_ROW_CH)
            def _():
                r0 = q * ROW_CH
                pltpu.sync_copy(
                    h_hbm.at[pl.ds(r0, ROW_CH)], acc_sh.at[pl.ds(r0, ROW_CH)]
                )

        pltpu.sync_copy(src_hbm.at[w], src_v)
        plsc.subcore_barrier()

        bufs = (
            (dst_c0, rows0, semi0, semg0, sems0),
            (dst_c1, rows1, semi1, semg1, sems1),
            (dst_c2, rows2, semi2, semg2, sems2),
        )

        def _start(i, b):
            dstb, rowsb, semi, semg, _ = bufs[b]
            pltpu.async_copy(dst_hbm.at[w, i, 0], dstb, semi)
            pltpu.async_copy(h_hbm.at[src_v.at[i]], rowsb, semg)

        def _wait_scat(b):
            dstb, rowsb, _, _, sems = bufs[b]
            pltpu.make_async_copy(rowsb, acc_sh.at[dstb], sems).wait()

        def _step(i, b, first, last):
            dstb, rowsb, semi, semg, sems = bufs[b]
            if not first:

                @pl.when(i >= 1)
                def _():
                    _wait_scat((b + 2) % 3)

            if not last:

                @pl.when(i + 2 < CH)
                def _():
                    _start(i + 2, (b + 2) % 3)

            pltpu.make_async_copy(dst_hbm.at[w, i, 0], dstb, semi).wait()
            pltpu.make_async_copy(h_hbm.at[src_v.at[i]], rowsb, semg).wait()
            pltpu.async_copy(rowsb, acc_sh.at[dstb], sems, add=True)

        _start(0, 0)
        _start(1, 1)
        _step(0, 0, True, False)

        def step(j, carry):
            i0 = 3 * j + 1
            _step(i0, 1, False, False)
            _step(i0 + 1, 2, False, False)
            _step(i0 + 2, 0, False, False)
            return carry

        lax.fori_loop(0, (CH - 2) // 3, step, 0)
        _step(CH - 1, (CH - 1) % 3, False, True)
        _wait_scat((CH - 1) % 3)
        plsc.subcore_barrier()
        for j in range(ROUNDS):
            q = s + j * NS

            @pl.when(q < N_ROW_CH)
            def _():
                r0 = q * ROW_CH
                pltpu.sync_copy(
                    acc_sh.at[pl.ds(r0, ROW_CH)], out_hbm.at[c, pl.ds(r0, ROW_CH)]
                )

    return k(src_r, dst_r, h)


BR = 2000


def _dis(deg_ref):
    return lax.rsqrt(deg_ref[:, 0:1] + deg_ref[:, 1:2] + 1.0)


def _tc1_body(x_ref, w_ref, deg_ref, out_ref):
    mm = jnp.dot(x_ref[...], w_ref[...], preferred_element_type=jnp.float32)
    out_ref[...] = mm * _dis(deg_ref)


def _tc1(x, W0, degT):
    return pl.pallas_call(
        _tc1_body,
        grid=(N // BR,),
        in_specs=[
            pl.BlockSpec((BR, D), lambda i: (i, 0)),
            pl.BlockSpec((D, D), lambda i: (0, 0)),
            pl.BlockSpec((BR, 2), lambda i: (i, 0)),
        ],
        out_specs=pl.BlockSpec((BR, D), lambda i: (i, 0)),
        out_shape=jax.ShapeDtypeStruct((N, D), jnp.float32),
    )(x, W0, degT)


def _tc2_body(p_ref, h_ref, deg_ref, b0_ref, g_ref, be_ref, w1_ref, out_ref):
    dis = _dis(deg_ref)
    t = (p_ref[0] + p_ref[1] - h_ref[...]) * dis + b0_ref[...]
    mu = jnp.mean(t, axis=1, keepdims=True)
    var = jnp.mean((t - mu) ** 2, axis=1, keepdims=True)
    tn = (t - mu) * lax.rsqrt(var + 1e-5) * g_ref[...] + be_ref[...]
    tr = jnp.maximum(tn, 0.0)
    out_ref[...] = (
        jnp.dot(tr, w1_ref[...], preferred_element_type=jnp.float32) * dis
    )


def _tc2(p, h0p, degT, b0, gamma, beta, W1):
    return pl.pallas_call(
        _tc2_body,
        grid=(N // BR,),
        in_specs=[
            pl.BlockSpec((NC, BR, D), lambda i: (0, i, 0)),
            pl.BlockSpec((BR, D), lambda i: (i, 0)),
            pl.BlockSpec((BR, 2), lambda i: (i, 0)),
            pl.BlockSpec((1, D), lambda i: (0, 0)),
            pl.BlockSpec((1, D), lambda i: (0, 0)),
            pl.BlockSpec((1, D), lambda i: (0, 0)),
            pl.BlockSpec((D, D), lambda i: (0, 0)),
        ],
        out_specs=pl.BlockSpec((BR, D), lambda i: (i, 0)),
        out_shape=jax.ShapeDtypeStruct((N, D), jnp.float32),
    )(p, h0p, degT, b0, gamma, beta, W1)


def _tc3_body(p_ref, h_ref, deg_ref, b1_ref, out_ref):
    out_ref[...] = (p_ref[0] + p_ref[1] - h_ref[...]) * _dis(deg_ref) + b1_ref[...]


def _tc3(p, h1p, degT, b1):
    return pl.pallas_call(
        _tc3_body,
        grid=(N // BR,),
        in_specs=[
            pl.BlockSpec((NC, BR, D), lambda i: (0, i, 0)),
            pl.BlockSpec((BR, D), lambda i: (i, 0)),
            pl.BlockSpec((BR, 2), lambda i: (i, 0)),
            pl.BlockSpec((1, D), lambda i: (0, 0)),
        ],
        out_specs=pl.BlockSpec((BR, D), lambda i: (i, 0)),
        out_shape=jax.ShapeDtypeStruct((N, D), jnp.float32),
    )(p, h1p, degT, b1)


def kernel(x, edge_index, W0, b0, gamma, beta, W1, b1):
    ei = edge_index.astype(jnp.int32)
    src_r = ei[0].reshape(NW, CH, C)
    dst_r = ei[1].reshape(NW, CH, C)
    dst_r4 = ei[1].reshape(NW, CH, 1, C)
    b0r = b0.reshape(1, D)
    b1r = b1.reshape(1, D)
    gr = gamma.reshape(1, D)
    ber = beta.reshape(1, D)

    degf = _sc_deg(dst_r)
    degT = jnp.stack([degf[:N], degf[NP_DEG : NP_DEG + N]], axis=1)
    h0p = _tc1(x, W0, degT)
    p0 = _sc_msg(src_r, dst_r4, h0p)
    h1p = _tc2(p0, h0p, degT, b0r, gr, ber, W1)
    p1 = _sc_msg(src_r, dst_r4, h1p)
    out = _tc3(p1, h1p, degT, b1r)
    return out

# --- scband reference (transcript-rebuilt; emitter-appended) ---
"""Pipeline reference for scband-static-graph-gnn-16475494547669 (READ-ONLY COPY).

The authoritative reference and input builder live on the scoring server;
editing this copy changes nothing except your own understanding.
"""

import jax, jax.numpy as jnp
import numpy as np

N_NODES = 10000
D = 128


def gcn_conv(x, edge_index, W, b):
    n = x.shape[0]
    src = edge_index[0]
    dst = edge_index[1]
    loop = jnp.arange(n, dtype=edge_index.dtype)
    src = jnp.concatenate([src, loop])
    dst = jnp.concatenate([dst, loop])
    deg = jnp.zeros((n,), dtype=x.dtype).at[dst].add(1.0)
    deg_inv_sqrt = jnp.where(deg > 0, deg ** -0.5, 0.0)
    norm = deg_inv_sqrt[src] * deg_inv_sqrt[dst]
    h = x @ W
    msgs = h[src] * norm[:, None]
    out = jnp.zeros((n, h.shape[1]), dtype=x.dtype).at[dst].add(msgs)
    return out + b


def layer_norm(h, gamma, beta, eps=1e-5):
    mu = jnp.mean(h, axis=-1, keepdims=True)
    var = jnp.var(h, axis=-1, keepdims=True)
    return (h - mu) / jnp.sqrt(var + eps) * gamma + beta


def setup_inputs(seed: int = 0) -> dict:
    key = jax.random.key(seed)
    ks = jax.random.split(key, 8)
    x = jax.random.normal(ks[0], (N_NODES, D), dtype=jnp.float32)
    edge_index = jax.random.randint(ks[1], (2, 320000), 0, N_NODES, dtype=jnp.int64)
    s = 1.0 / np.sqrt(D)
    W0 = jax.random.uniform(ks[2], (D, D), minval=-s, maxval=s, dtype=jnp.float32)
    b0 = jnp.zeros((D,), dtype=jnp.float32)
    gamma = jnp.ones((D,), dtype=jnp.float32)
    beta = jnp.zeros((D,), dtype=jnp.float32)
    W1 = jax.random.uniform(ks[3], (D, D), minval=-s, maxval=s, dtype=jnp.float32)
    b1 = jnp.zeros((D,), dtype=jnp.float32)
    return {"x": x, "edge_index": edge_index, "W0": W0, "b0": b0, "gamma": gamma, "beta": beta, "W1": W1, "b1": b1}


def reference(x, edge_index, W0, b0, gamma, beta, W1, b1):
    # layer 0: GCNConv -> LayerNorm -> ReLU -> (dropout = identity at eval)
    h = gcn_conv(x, edge_index, W0, b0)
    h = layer_norm(h, gamma, beta)
    h = jax.nn.relu(h)
    # final layer: GCNConv (no norm/act)
    out = gcn_conv(h, edge_index, W1, b1)
    return out

if __name__ == "__main__":
    import jax
    _d = setup_inputs()
    print(jax.jit(kernel)(*tuple(_d.values())))

</pallas_src>

<mosaic_0001>
#map = affine_map<(d0, d1) -> (0, 0, 0)>
#map1 = affine_map<(d0, d1) -> (0)>
module attributes {stable_mosaic.version = 14 : i64} {
  func.func @k(%arg0: i32, %arg1: i32, %arg2: memref<32x125x80xi32, #tpu.memory_space<hbm>>, %arg3: memref<20480xf32, #tpu.memory_space<hbm>>, %arg4: memref<125x80xi32, #tpu.memory_space<vmem>>, %arg5: memref<80xf32, #tpu.memory_space<vmem>>, %arg6: memref<640xf32, #tpu.memory_space<vmem>>, %arg7: memref<10240xf32, #tpu.memory_space<vmem_shared>>, %arg8: memref<!tpu.dma_semaphore, #tpu.memory_space<semaphore_mem>>) attributes {dimension_semantics = [#tpu.dimension_semantics<core_parallel>, #tpu.dimension_semantics<subcore_parallel>], iteration_bounds = array<i64: 2, 16>, scalar_prefetch = 0 : i64, scratch_operands = 5 : i64, tpu.core_type = #tpu.core_type<sc_vector_subcore>, window_params = [{transform_indices = #map}, {transform_indices = #map1}]} {
    %mul3A = arith.constant 16 : i32
    %mul3A_0 = arith.muli %arg0, %mul3A : i32
    %add3A = arith.addi %mul3A_0, %arg1 : i32
    %broadcast_in_dim3A = arith.constant 1.000000e+00 : f32
    %broadcast_in_dim3A_1 = vector.broadcast %broadcast_in_dim3A : f32 to vector<16xf32>
    %swap3A = arith.constant 0 : index
    %swap3A_2 = tpu.vector_load %arg5[%swap3A] {strides = array<i32>} : memref<80xf32, #tpu.memory_space<vmem>>, vector<16xf32>,
    %swap3A_3 = vector.shape_cast %swap3A_2 : vector<16xf32> to vector<16xf32>
    %swap3A_4 = vector.shape_cast %broadcast_in_dim3A_1 : vector<16xf32> to vector<16xf32>
    tpu.vector_store %arg5[%swap3A], %swap3A_4 {strides = array<i32>} : memref<80xf32, #tpu.memory_space<vmem>>, vector<16xf32>,
    %broadcast_in_dim3A_5 = arith.constant 1.000000e+00 : f32
    %broadcast_in_dim3A_6 = vector.broadcast %broadcast_in_dim3A_5 : f32 to vector<16xf32>
    %swap3A_7 = arith.constant 16 : index
    %swap3A_8 = tpu.vector_load %arg5[%swap3A_7] {strides = array<i32>} : memref<80xf32, #tpu.memory_space<vmem>>, vector<16xf32>,
    %swap3A_9 = vector.shape_cast %swap3A_8 : vector<16xf32> to vector<16xf32>
    %swap3A_10 = vector.shape_cast %broadcast_in_dim3A_6 : vector<16xf32> to vector<16xf32>
    tpu.vector_store %arg5[%swap3A_7], %swap3A_10 {strides = array<i32>} : memref<80xf32, #tpu.memory_space<vmem>>, vector<16xf32>,
    %broadcast_in_dim3A_11 = arith.constant 1.000000e+00 : f32
    %broadcast_in_dim3A_12 = vector.broadcast %broadcast_in_dim3A_11 : f32 to vector<16xf32>
    %swap3A_13 = arith.constant 32 : index
    %swap3A_14 = tpu.vector_load %arg5[%swap3A_13] {strides = array<i32>} : memref<80xf32, #tpu.memory_space<vmem>>, vector<16xf32>,
    %swap3A_15 = vector.shape_cast %swap3A_14 : vector<16xf32> to vector<16xf32>
    %swap3A_16 = vector.shape_cast %broadcast_in_dim3A_12 : vector<16xf32> to vector<16xf32>
    tpu.vector_store %arg5[%swap3A_13], %swap3A_16 {strides = array<i32>} : memref<80xf32, #tpu.memory_space<vmem>>, vector<16xf32>,
    %broadcast_in_dim3A_17 = arith.constant 1.000000e+00 : f32
    %broadcast_in_dim3A_18 = vector.broadcast %broadcast_in_dim3A_17 : f32 to vector<16xf32>
    %swap3A_19 = arith.constant 48 : index
    %swap3A_20 = tpu.vector_load %arg5[%swap3A_19] {strides = array<i32>} : memref<80xf32, #tpu.memory_space<vmem>>, vector<16xf32>,
    %swap3A_21 = vector.shape_cast %swap3A_20 : vector<16xf32> to vector<16xf32>
    %swap3A_22 = vector.shape_cast %broadcast_in_dim3A_18 : vector<16xf32> to vector<16xf32>
    tpu.vector_store %arg5[%swap3A_19], %swap3A_22 {strides = array<i32>} : memref<80xf32, #tpu.memory_space<vmem>>, vector<16xf32>,
    %broadcast_in_dim3A_23 = arith.constant 1.000000e+00 : f32
    %broadcast_in_dim3A_24 = vector.broadcast %broadcast_in_dim3A_23 : f32 to vector<16xf32>
    %swap3A_25 = arith.constant 64 : index
    %swap3A_26 = tpu.vector_load %arg5[%swap3A_25] {strides = array<i32>} : memref<80xf32, #tpu.memory_space<vmem>>, vector<16xf32>,
    %swap3A_27 = vector.shape_cast %swap3A_26 : vector<16xf32> to vector<16xf32>
    %swap3A_28 = vector.shape_cast %broadcast_in_dim3A_24 : vector<16xf32> to vector<16xf32>
    tpu.vector_store %arg5[%swap3A_25], %swap3A_28 {strides = array<i32>} : memref<80xf32, #tpu.memory_space<vmem>>, vector<16xf32>,
    %broadcast_in_dim3A_29 = arith.constant 0.000000e+00 : f32
    %broadcast_in_dim3A_30 = vector.broadcast %broadcast_in_dim3A_29 : f32 to vector<16xf32>
    %swap3A_31 = arith.constant 0 : index
    %swap3A_32 = tpu.vector_load %arg6[%swap3A_31] {strides = array<i32>} : memref<640xf32, #tpu.memory_space<vmem>>, vector<16xf32>,
    %swap3A_33 = vector.shape_cast %swap3A_32 : vector<16xf32> to vector<16xf32>
    %swap3A_34 = vector.shape_cast %broadcast_in_dim3A_30 : vector<16xf32> to vector<16xf32>
    tpu.vector_store %arg6[%swap3A_31], %swap3A_34 {strides = array<i32>} : memref<640xf32, #tpu.memory_space<vmem>>, vector<16xf32>,
    %broadcast_in_dim3A_35 = arith.constant 0.000000e+00 : f32
    %broadcast_in_dim3A_36 = vector.broadcast %broadcast_in_dim3A_35 : f32 to vector<16xf32>
    %swap3A_37 = arith.constant 16 : index
    %swap3A_38 = tpu.vector_load %arg6[%swap3A_37] {strides = array<i32>} : memref<640xf32, #tpu.memory_space<vmem>>, vector<16xf32>,
    %swap3A_39 = vector.shape_cast %swap3A_38 : vector<16xf32> to vector<16xf32>
    %swap3A_40 = vector.shape_cast %broadcast_in_dim3A_36 : vector<16xf32> to vector<16xf32>
    tpu.vector_store %arg6[%swap3A_37], %swap3A_40 {strides = array<i32>} : memref<640xf32, #tpu.memory_space<vmem>>, vector<16xf32>,
    %broadcast_in_dim3A_41 = arith.constant 0.000000e+00 : f32
    %broadcast_in_dim3A_42 = vector.broadcast %broadcast_in_dim3A_41 : f32 to vector<16xf32>
    %swap3A_43 = arith.constant 32 : index
    %swap3A_44 = tpu.vector_load %arg6[%swap3A_43] {strides = array<i32>} : memref<640xf32, #tpu.memory_space<vmem>>, vector<16xf32>,
    %swap3A_45 = vector.shape_cast %swap3A_44 : vector<16xf32> to vector<16xf32>
    %swap3A_46 = vector.shape_cast %broadcast_in_dim3A_42 : vector<16xf32> to vector<16xf32>
    tpu.vector_store %arg6[%swap3A_43], %swap3A_46 {strides = array<i32>} : memref<640xf32, #tpu.memory_space<vmem>>, vector<16xf32>,
    %broadcast_in_dim3A_47 = arith.constant 0.000000e+00 : f32
    %broadcast_in_dim3A_48 = vector.broadcast %broadcast_in_dim3A_47 : f32 to vector<16xf32>
    %swap3A_49 = arith.constant 48 : index
    %swap3A_50 = tpu.vector_load %arg6[%swap3A_49] {strides = array<i32>} : memref<640xf32, #tpu.memory_space<vmem>>, vector<16xf32>,
    %swap3A_51 = vector.shape_cast %swap3A_50 : vector<16xf32> to vector<16xf32>
    %swap3A_52 = vector.shape_cast %broadcast_in_dim3A_48 : vector<16xf32> to vector<16xf32>
    tpu.vector_store %arg6[%swap3A_49], %swap3A_52 {strides = array<i32>} : memref<640xf32, #tpu.memory_space<vmem>>, vector<16xf32>,
    %broadcast_in_dim3A_53 = arith.constant 0.000000e+00 : f32
    %broadcast_in_dim3A_54 = vector.broadcast %broadcast_in_dim3A_53 : f32 to vector<16xf32>
    %swap3A_55 = arith.constant 64 : index
    %swap3A_56 = tpu.vector_load %arg6[%swap3A_55] {strides = array<i32>} : memref<640xf32, #tpu.memory_space<vmem>>, vector<16xf32>,
    %swap3A_57 = vector.shape_cast %swap3A_56 : vector<16xf32> to vector<16xf32>
    %swap3A_58 = vector.shape_cast %broadcast_in_dim3A_54 : vector<16xf32> to vector<16xf32>
    tpu.vector_store %arg6[%swap3A_55], %swap3A_58 {strides = array<i32>} : memref<640xf32, #tpu.memory_space<vmem>>, vector<16xf32>,
    %broadcast_in_dim3A_59 = arith.constant 0.000000e+00 : f32
    %broadcast_in_dim3A_60 = vector.broadcast %broadcast_in_dim3A_59 : f32 to vector<16xf32>
    %swap3A_61 = arith.constant 80 : index
    %swap3A_62 = tpu.vector_load %arg6[%swap3A_61] {strides = array<i32>} : memref<640xf32, #tpu.memory_space<vmem>>, vector<16xf32>,
    %swap3A_63 = vector.shape_cast %swap3A_62 : vector<16xf32> to vector<16xf32>
    %swap3A_64 = vector.shape_cast %broadcast_in_dim3A_60 : vector<16xf32> to vector<16xf32>
    tpu.vector_store %arg6[%swap3A_61], %swap3A_64 {strides = array<i32>} : memref<640xf32, #tpu.memory_space<vmem>>, vector<16xf32>,
    %broadcast_in_dim3A_65 = arith.constant 0.000000e+00 : f32
    %broadcast_in_dim3A_66 = vector.broadcast %broadcast_in_dim3A_65 : f32 to vector<16xf32>
    %swap3A_67 = arith.constant 96 : index
    %swap3A_68 = tpu.vector_load %arg6[%swap3A_67] {strides = array<i32>} : memref<640xf32, #tpu.memory_space<vmem>>, vector<16xf32>,
    %swap3A_69 = vector.shape_cast %swap3A_68 : vector<16xf32> to vector<16xf32>
    %swap3A_70 = vector.shape_cast %broadcast_in_dim3A_66 : vector<16xf32> to vector<16xf32>
    tpu.vector_store %arg6[%swap3A_67], %swap3A_70 {strides = array<i32>} : memref<640xf32, #tpu.memory_space<vmem>>, vector<16xf32>,
    %broadcast_in_dim3A_71 = arith.constant 0.000000e+00 : f32
    %broadcast_in_dim3A_72 = vector.broadcast %broadcast_in_dim3A_71 : f32 to vector<16xf32>
    %swap3A_73 = arith.constant 112 : index
    %swap3A_74 = tpu.vector_load %arg6[%swap3A_73] {strides = array<i32>} : memref<640xf32, #tpu.memory_space<vmem>>, vector<16xf32>,
    %swap3A_75 = vector.shape_cast %swap3A_74 : vector<16xf32> to vector<16xf32>
    %swap3A_76 = vector.shape_cast %broadcast_in_dim3A_72 : vector<16xf32> to vector<16xf32>
    tpu.vector_store %arg6[%swap3A_73], %swap3A_76 {strides = array<i32>} : memref<640xf32, #tpu.memory_space<vmem>>, vector<16xf32>,
    %broadcast_in_dim3A_77 = arith.constant 0.000000e+00 : f32
    %broadcast_in_dim3A_78 = vector.broadcast %broadcast_in_dim3A_77 : f32 to vector<16xf32>
    %swap3A_79 = arith.constant 128 : index
    %swap3A_80 = tpu.vector_load %arg6[%swap3A_79] {strides = array<i32>} : memref<640xf32, #tpu.memory_space<vmem>>, vector<16xf32>,
    %swap3A_81 = vector.shape_cast %swap3A_80 : vector<16xf32> to vector<16xf32>
    %swap3A_82 = vector.shape_cast %broadcast_in_dim3A_78 : vector<16xf32> to vector<16xf32>
    tpu.vector_store %arg6[%swap3A_79], %swap3A_82 {strides = array<i32>} : memref<640xf32, #tpu.memory_space<vmem>>, vector<16xf32>,
    %broadcast_in_dim3A_83 = arith.constant 0.000000e+00 : f32
    %broadcast_in_dim3A_84 = vector.broadcast %broadcast_in_dim3A_83 : f32 to vector<16xf32>
    %swap3A_85 = arith.constant 144 : index
    %swap3A_86 = tpu.vector_load %arg6[%swap3A_85] {strides = array<i32>} : memref<640xf32, #tpu.memory_space<vmem>>, vector<16xf32>,
    %swap3A_87 = vector.shape_cast %swap3A_86 : vector<16xf32> to vector<16xf32>
    %swap3A_88 = vector.shape_cast %broadcast_in_dim3A_84 : vector<16xf32> to vector<16xf32>
    tpu.vector_store %arg6[%swap3A_85], %swap3A_88 {strides = array<i32>} : memref<640xf32, #tpu.memory_space<vmem>>, vector<16xf32>,
    %broadcast_in_dim3A_89 = arith.constant 0.000000e+00 : f32
    %broadcast_in_dim3A_90 = vector.broadcast %broadcast_in_dim3A_89 : f32 to vector<16xf32>
    %swap3A_91 = arith.constant 160 : index
    %swap3A_92 = tpu.vector_load %arg6[%swap3A_91] {strides = array<i32>} : memref<640xf32, #tpu.memory_space<vmem>>, vector<16xf32>,
    %swap3A_93 = vector.shape_cast %swap3A_92 : vector<16xf32> to vector<16xf32>
    %swap3A_94 = vector.shape_cast %broadcast_in_dim3A_90 : vector<16xf32> to vector<16xf32>
    tpu.vector_store %arg6[%swap3A_91], %swap3A_94 {strides = array<i32>} : memref<640xf32, #tpu.memory_space<vmem>>, vector<16xf32>,
    %broadcast_in_dim3A_95 = arith.constant 0.000000e+00 : f32
    %broadcast_in_dim3A_96 = vector.broadcast %broadcast_in_dim3A_95 : f32 to vector<16xf32>
    %swap3A_97 = arith.constant 176 : index
    %swap3A_98 = tpu.vector_load %arg6[%swap3A_97] {strides = array<i32>} : memref<640xf32, #tpu.memory_space<vmem>>, vector<16xf32>,
    %swap3A_99 = vector.shape_cast %swap3A_98 : vector<16xf32> to vector<16xf32>
    %swap3A_100 = vector.shape_cast %broadcast_in_dim3A_96 : vector<16xf32> to vector<16xf32>
    tpu.vector_store %arg6[%swap3A_97], %swap3A_100 {strides = array<i32>} : memref<640xf32, #tpu.memory_space<vmem>>, vector<16xf32>,
    %broadcast_in_dim3A_101 = arith.constant 0.000000e+00 : f32
    %broadcast_in_dim3A_102 = vector.broadcast %broadcast_in_dim3A_101 : f32 to vector<16xf32>
    %swap3A_103 = arith.constant 192 : index
    %swap3A_104 = tpu.vector_load %arg6[%swap3A_103] {strides = array<i32>} : memref<640xf32, #tpu.memory_space<vmem>>, vector<16xf32>,
    %swap3A_105 = vector.shape_cast %swap3A_104 : vector<16xf32> to vector<16xf32>
    %swap3A_106 = vector.shape_cast %broadcast_in_dim3A_102 : vector<16xf32> to vector<16xf32>
    tpu.vector_store %arg6[%swap3A_103], %swap3A_106 {strides = array<i32>} : memref<640xf32, #tpu.memory_space<vmem>>, vector<16xf32>,
    %broadcast_in_dim3A_107 = arith.constant 0.000000e+00 : f32
    %broadcast_in_dim3A_108 = vector.broadcast %broadcast_in_dim3A_107 : f32 to vector<16xf32>
    %swap3A_109 = arith.constant 208 : index
    %swap3A_110 = tpu.vector_load %arg6[%swap3A_109] {strides = array<i32>} : memref<640xf32, #tpu.memory_space<vmem>>, vector<16xf32>,
    %swap3A_111 = vector.shape_cast %swap3A_110 : vector<16xf32> to vector<16xf32>
    %swap3A_112 = vector.shape_cast %broadcast_in_dim3A_108 : vector<16xf32> to vector<16xf32>
    tpu.vector_store %arg6[%swap3A_109], %swap3A_112 {strides = array<i32>} : memref<640xf32, #tpu.memory_space<vmem>>, vector<16xf32>,
    %broadcast_in_dim3A_113 = arith.constant 0.000000e+00 : f32
    %broadcast_in_dim3A_114 = vector.broadcast %broadcast_in_dim3A_113 : f32 to vector<16xf32>
    %swap3A_115 = arith.constant 224 : index
    %swap3A_116 = tpu.vector_load %arg6[%swap3A_115] {strides = array<i32>} : memref<640xf32, #tpu.memory_space<vmem>>, vector<16xf32>,
    %swap3A_117 = vector.shape_cast %swap3A_116 : vector<16xf32> to vector<16xf32>
    %swap3A_118 = vector.shape_cast %broadcast_in_dim3A_114 : vector<16xf32> to vector<16xf32>
    tpu.vector_store %arg6[%swap3A_115], %swap3A_118 {strides = array<i32>} : memref<640xf32, #tpu.memory_space<vmem>>, vector<16xf32>,
    %broadcast_in_dim3A_119 = arith.constant 0.000000e+00 : f32
    %broadcast_in_dim3A_120 = vector.broadcast %broadcast_in_dim3A_119 : f32 to vector<16xf32>
    %swap3A_121 = arith.constant 240 : index
    %swap3A_122 = tpu.vector_load %arg6[%swap3A_121] {strides = array<i32>} : memref<640xf32, #tpu.memory_space<vmem>>, vector<16xf32>,
    %swap3A_123 = vector.shape_cast %swap3A_122 : vector<16xf32> to vector<16xf32>
    %swap3A_124 = vector.shape_cast %broadcast_in_dim3A_120 : vector<16xf32> to vector<16xf32>
    tpu.vector_store %arg6[%swap3A_121], %swap3A_124 {strides = array<i32>} : memref<640xf32, #tpu.memory_space<vmem>>, vector<16xf32>,
    %broadcast_in_dim3A_125 = arith.constant 0.000000e+00 : f32
    %broadcast_in_dim3A_126 = vector.broadcast %broadcast_in_dim3A_125 : f32 to vector<16xf32>
    %swap3A_127 = arith.constant 256 : index
    %swap3A_128 = tpu.vector_load %arg6[%swap3A_127] {strides = array<i32>} : memref<640xf32, #tpu.memory_space<vmem>>, vector<16xf32>,
    %swap3A_129 = vector.shape_cast %swap3A_128 : vector<16xf32> to vector<16xf32>
    %swap3A_130 = vector.shape_cast %broadcast_in_dim3A_126 : vector<16xf32> to vector<16xf32>
    tpu.vector_store %arg6[%swap3A_127], %swap3A_130 {strides = array<i32>} : memref<640xf32, #tpu.memory_space<vmem>>, vector<16xf32>,
    %broadcast_in_dim3A_131 = arith.constant 0.000000e+00 : f32
    %broadcast_in_dim3A_132 = vector.broadcast %broadcast_in_dim3A_131 : f32 to vector<16xf32>
    %swap3A_133 = arith.constant 272 : index
    %swap3A_134 = tpu.vector_load %arg6[%swap3A_133] {strides = array<i32>} : memref<640xf32, #tpu.memory_space<vmem>>, vector<16xf32>,
    %swap3A_135 = vector.shape_cast %swap3A_134 : vector<16xf32> to vector<16xf32>
    %swap3A_136 = vector.shape_cast %broadcast_in_dim3A_132 : vector<16xf32> to vector<16xf32>
    tpu.vector_store %arg6[%swap3A_133], %swap3A_136 {strides = array<i32>} : memref<640xf32, #tpu.memory_space<vmem>>, vector<16xf32>,
    %broadcast_in_dim3A_137 = arith.constant 0.000000e+00 : f32
    %broadcast_in_dim3A_138 = vector.broadcast %broadcast_in_dim3A_137 : f32 to vector<16xf32>
    %swap3A_139 = arith.constant 288 : index
    %swap3A_140 = tpu.vector_load %arg6[%swap3A_139] {strides = array<i32>} : memref<640xf32, #tpu.memory_space<vmem>>, vector<16xf32>,
    %swap3A_141 = vector.shape_cast %swap3A_140 : vector<16xf32> to vector<16xf32>
    %swap3A_142 = vector.shape_cast %broadcast_in_dim3A_138 : vector<16xf32> to vector<16xf32>
    tpu.vector_store %arg6[%swap3A_139], %swap3A_142 {strides = array<i32>} : memref<640xf32, #tpu.memory_space<vmem>>, vector<16xf32>,
    %broadcast_in_dim3A_143 = arith.constant 0.000000e+00 : f32
    %broadcast_in_dim3A_144 = vector.broadcast %broadcast_in_dim3A_143 : f32 to vector<16xf32>
    %swap3A_145 = arith.constant 304 : index
    %swap3A_146 = tpu.vector_load %arg6[%swap3A_145] {strides = array<i32>} : memref<640xf32, #tpu.memory_space<vmem>>, vector<16xf32>,
    %swap3A_147 = vector.shape_cast %swap3A_146 : vector<16xf32> to vector<16xf32>
    %swap3A_148 = vector.shape_cast %broadcast_in_dim3A_144 : vector<16xf32> to vector<16xf32>
    tpu.vector_store %arg6[%swap3A_145], %swap3A_148 {strides = array<i32>} : memref<640xf32, #tpu.memory_space<vmem>>, vector<16xf32>,
    %broadcast_in_dim3A_149 = arith.constant 0.000000e+00 : f32
    %broadcast_in_dim3A_150 = vector.broadcast %broadcast_in_dim3A_149 : f32 to vector<16xf32>
    %swap3A_151 = arith.constant 320 : index
    %swap3A_152 = tpu.vector_load %arg6[%swap3A_151] {strides = array<i32>} : memref<640xf32, #tpu.memory_space<vmem>>, vector<16xf32>,
    %swap3A_153 = vector.shape_cast %swap3A_152 : vector<16xf32> to vector<16xf32>
    %swap3A_154 = vector.shape_cast %broadcast_in_dim3A_150 : vector<16xf32> to vector<16xf32>
    tpu.vector_store %arg6[%swap3A_151], %swap3A_154 {strides = array<i32>} : memref<640xf32, #tpu.memory_space<vmem>>, vector<16xf32>,
    %broadcast_in_dim3A_155 = arith.constant 0.000000e+00 : f32
    %broadcast_in_dim3A_156 = vector.broadcast %broadcast_in_dim3A_155 : f32 to vector<16xf32>
    %swap3A_157 = arith.constant 336 : index
    %swap3A_158 = tpu.vector_load %arg6[%swap3A_157] {strides = array<i32>} : memref<640xf32, #tpu.memory_space<vmem>>, vector<16xf32>,
    %swap3A_159 = vector.shape_cast %swap3A_158 : vector<16xf32> to vector<16xf32>
    %swap3A_160 = vector.shape_cast %broadcast_in_dim3A_156 : vector<16xf32> to vector<16xf32>
    tpu.vector_store %arg6[%swap3A_157], %swap3A_160 {strides = array<i32>} : memref<640xf32, #tpu.memory_space<vmem>>, vector<16xf32>,
    %broadcast_in_dim3A_161 = arith.constant 0.000000e+00 : f32
    %broadcast_in_dim3A_162 = vector.broadcast %broadcast_in_dim3A_161 : f32 to vector<16xf32>
    %swap3A_163 = arith.constant 352 : index
    %swap3A_164 = tpu.vector_load %arg6[%swap3A_163] {strides = array<i32>} : memref<640xf32, #tpu.memory_space<vmem>>, vector<16xf32>,
    %swap3A_165 = vector.shape_cast %swap3A_164 : vector<16xf32> to vector<16xf32>
    %swap3A_166 = vector.shape_cast %broadcast_in_dim3A_162 : vector<16xf32> to vector<16xf32>
    tpu.vector_store %arg6[%swap3A_163], %swap3A_166 {strides = array<i32>} : memref<640xf32, #tpu.memory_space<vmem>>, vector<16xf32>,
    %broadcast_in_dim3A_167 = arith.constant 0.000000e+00 : f32
    %broadcast_in_dim3A_168 = vector.broadcast %broadcast_in_dim3A_167 : f32 to vector<16xf32>
    %swap3A_169 = arith.constant 368 : index
    %swap3A_170 = tpu.vector_load %arg6[%swap3A_169] {strides = array<i32>} : memref<640xf32, #tpu.memory_space<vmem>>, vector<16xf32>,
    %swap3A_171 = vector.shape_cast %swap3A_170 : vector<16xf32> to vector<16xf32>
    %swap3A_172 = vector.shape_cast %broadcast_in_dim3A_168 : vector<16xf32> to vector<16xf32>
    tpu.vector_store %arg6[%swap3A_169], %swap3A_172 {strides = array<i32>} : memref<640xf32, #tpu.memory_space<vmem>>, vector<16xf32>,
    %broadcast_in_dim3A_173 = arith.constant 0.000000e+00 : f32
    %broadcast_in_dim3A_174 = vector.broadcast %broadcast_in_dim3A_173 : f32 to vector<16xf32>
    %swap3A_175 = arith.constant 384 : index
    %swap3A_176 = tpu.vector_load %arg6[%swap3A_175] {strides = array<i32>} : memref<640xf32, #tpu.memory_space<vmem>>, vector<16xf32>,
    %swap3A_177 = vector.shape_cast %swap3A_176 : vector<16xf32> to vector<16xf32>
    %swap3A_178 = vector.shape_cast %broadcast_in_dim3A_174 : vector<16xf32> to vector<16xf32>
    tpu.vector_store %arg6[%swap3A_175], %swap3A_178 {strides = array<i32>} : memref<640xf32, #tpu.memory_space<vmem>>, vector<16xf32>,
    %broadcast_in_dim3A_179 = arith.constant 0.000000e+00 : f32
    %broadcast_in_dim3A_180 = vector.broadcast %broadcast_in_dim3A_179 : f32 to vector<16xf32>
    %swap3A_181 = arith.constant 400 : index
    %swap3A_182 = tpu.vector_load %arg6[%swap3A_181] {strides = array<i32>} : memref<640xf32, #tpu.memory_space<vmem>>, vector<16xf32>,
    %swap3A_183 = vector.shape_cast %swap3A_182 : vector<16xf32> to vector<16xf32>
    %swap3A_184 = vector.shape_cast %broadcast_in_dim3A_180 : vector<16xf32> to vector<16xf32>
    tpu.vector_store %arg6[%swap3A_181], %swap3A_184 {strides = array<i32>} : memref<640xf32, #tpu.memory_space<vmem>>, vector<16xf32>,
    %broadcast_in_dim3A_185 = arith.constant 0.000000e+00 : f32
    %broadcast_in_dim3A_186 = vector.broadcast %broadcast_in_dim3A_185 : f32 to vector<16xf32>
    %swap3A_187 = arith.constant 416 : index
    %swap3A_188 = tpu.vector_load %arg6[%swap3A_187] {strides = array<i32>} : memref<640xf32, #tpu.memory_space<vmem>>, vector<16xf32>,
    %swap3A_189 = vector.shape_cast %swap3A_188 : vector<16xf32> to vector<16xf32>
    %swap3A_190 = vector.shape_cast %broadcast_in_dim3A_186 : vector<16xf32> to vector<16xf32>
    tpu.vector_store %arg6[%swap3A_187], %swap3A_190 {strides = array<i32>} : memref<640xf32, #tpu.memory_space<vmem>>, vector<16xf32>,
    %broadcast_in_dim3A_191 = arith.constant 0.000000e+00 : f32
    %broadcast_in_dim3A_192 = vector.broadcast %broadcast_in_dim3A_191 : f32 to vector<16xf32>
    %swap3A_193 = arith.constant 432 : index
    %swap3A_194 = tpu.vector_load %arg6[%swap3A_193] {strides = array<i32>} : memref<640xf32, #tpu.memory_space<vmem>>, vector<16xf32>,
    %swap3A_195 = vector.shape_cast %swap3A_194 : vector<16xf32> to vector<16xf32>
    %swap3A_196 = vector.shape_cast %broadcast_in_dim3A_192 : vector<16xf32> to vector<16xf32>
    tpu.vector_store %arg6[%swap3A_193], %swap3A_196 {strides = array<i32>} : memref<640xf32, #tpu.memory_space<vmem>>, vector<16xf32>,
    %broadcast_in_dim3A_197 = arith.constant 0.000000e+00 : f32
    %broadcast_in_dim3A_198 = vector.broadcast %broadcast_in_dim3A_197 : f32 to vector<16xf32>
    %swap3A_199 = arith.constant 448 : index
    %swap3A_200 = tpu.vector_load %arg6[%swap3A_199] {strides = array<i32>} : memref<640xf32, #tpu.memory_space<vmem>>, vector<16xf32>,
    %swap3A_201 = vector.shape_cast %swap3A_200 : vector<16xf32> to vector<16xf32>
    %swap3A_202 = vector.shape_cast %broadcast_in_dim3A_198 : vector<16xf32> to vector<16xf32>
    tpu.vector_store %arg6[%swap3A_199], %swap3A_202 {strides = array<i32>} : memref<640xf32, #tpu.memory_space<vmem>>, vector<16xf32>,
    %broadcast_in_dim3A_203 = arith.constant 0.000000e+00 : f32
    %broadcast_in_dim3A_204 = vector.broadcast %broadcast_in_dim3A_203 : f32 to vector<16xf32>
    %swap3A_205 = arith.constant 464 : index
    %swap3A_206 = tpu.vector_load %arg6[%swap3A_205] {strides = array<i32>} : memref<640xf32, #tpu.memory_space<vmem>>, vector<16xf32>,
    %swap3A_207 = vector.shape_cast %swap3A_206 : vector<16xf32> to vector<16xf32>
    %swap3A_208 = vector.shape_cast %broadcast_in_dim3A_204 : vector<16xf32> to vector<16xf32>
    tpu.vector_store %arg6[%swap3A_205], %swap3A_208 {strides = array<i32>} : memref<640xf32, #tpu.memory_space<vmem>>, vector<16xf32>,
    %broadcast_in_dim3A_209 = arith.constant 0.000000e+00 : f32
    %broadcast_in_dim3A_210 = vector.broadcast %broadcast_in_dim3A_209 : f32 to vector<16xf32>
    %swap3A_211 = arith.constant 480 : index
    %swap3A_212 = tpu.vector_load %arg6[%swap3A_211] {strides = array<i32>} : memref<640xf32, #tpu.memory_space<vmem>>, vector<16xf32>,
    %swap3A_213 = vector.shape_cast %swap3A_212 : vector<16xf32> to vector<16xf32>
    %swap3A_214 = vector.shape_cast %broadcast_in_dim3A_210 : vector<16xf32> to vector<16xf32>
    tpu.vector_store %arg6[%swap3A_211], %swap3A_214 {strides = array<i32>} : memref<640xf32, #tpu.memory_space<vmem>>, vector<16xf32>,
    %broadcast_in_dim3A_215 = arith.constant 0.000000e+00 : f32
    %broadcast_in_dim3A_216 = vector.broadcast %broadcast_in_dim3A_215 : f32 to vector<16xf32>
    %swap3A_217 = arith.constant 496 : index
    %swap3A_218 = tpu.vector_load %arg6[%swap3A_217] {strides = array<i32>} : memref<640xf32, #tpu.memory_space<vmem>>, vector<16xf32>,
    %swap3A_219 = vector.shape_cast %swap3A_218 : vector<16xf32> to vector<16xf32>
    %swap3A_220 = vector.shape_cast %broadcast_in_dim3A_216 : vector<16xf32> to vector<16xf32>
    tpu.vector_store %arg6[%swap3A_217], %swap3A_220 {strides = array<i32>} : memref<640xf32, #tpu.memory_space<vmem>>, vector<16xf32>,
    %broadcast_in_dim3A_221 = arith.constant 0.000000e+00 : f32
    %broadcast_in_dim3A_222 = vector.broadcast %broadcast_in_dim3A_221 : f32 to vector<16xf32>
    %swap3A_223 = arith.constant 512 : index
    %swap3A_224 = tpu.vector_load %arg6[%swap3A_223] {strides = array<i32>} : memref<640xf32, #tpu.memory_space<vmem>>, vector<16xf32>,
    %swap3A_225 = vector.shape_cast %swap3A_224 : vector<16xf32> to vector<16xf32>
    %swap3A_226 = vector.shape_cast %broadcast_in_dim3A_222 : vector<16xf32> to vector<16xf32>
    tpu.vector_store %arg6[%swap3A_223], %swap3A_226 {strides = array<i32>} : memref<640xf32, #tpu.memory_space<vmem>>, vector<16xf32>,
    %broadcast_in_dim3A_227 = arith.constant 0.000000e+00 : f32
    %broadcast_in_dim3A_228 = vector.broadcast %broadcast_in_dim3A_227 : f32 to vector<16xf32>
    %swap3A_229 = arith.constant 528 : index
    %swap3A_230 = tpu.vector_load %arg6[%swap3A_229] {strides = array<i32>} : memref<640xf32, #tpu.memory_space<vmem>>, vector<16xf32>,
    %swap3A_231 = vector.shape_cast %swap3A_230 : vector<16xf32> to vector<16xf32>
    %swap3A_232 = vector.shape_cast %broadcast_in_dim3A_228 : vector<16xf32> to vector<16xf32>
    tpu.vector_store %arg6[%swap3A_229], %swap3A_232 {strides = array<i32>} : memref<640xf32, #tpu.memory_space<vmem>>, vector<16xf32>,
    %broadcast_in_dim3A_233 = arith.constant 0.000000e+00 : f32
    %broadcast_in_dim3A_234 = vector.broadcast %broadcast_in_dim3A_233 : f32 to vector<16xf32>
    %swap3A_235 = arith.constant 544 : index
    %swap3A_236 = tpu.vector_load %arg6[%swap3A_235] {strides = array<i32>} : memref<640xf32, #tpu.memory_space<vmem>>, vector<16xf32>,
    %swap3A_237 = vector.shape_cast %swap3A_236 : vector<16xf32> to vector<16xf32>
    %swap3A_238 = vector.shape_cast %broadcast_in_dim3A_234 : vector<16xf32> to vector<16xf32>
    tpu.vector_store %arg6[%swap3A_235], %swap3A_238 {strides = array<i32>} : memref<640xf32, #tpu.memory_space<vmem>>, vector<16xf32>,
    %broadcast_in_dim3A_239 = arith.constant 0.000000e+00 : f32
    %broadcast_in_dim3A_240 = vector.broadcast %broadcast_in_dim3A_239 : f32 to vector<16xf32>
    %swap3A_241 = arith.constant 560 : index
    %swap3A_242 = tpu.vector_load %arg6[%swap3A_241] {strides = array<i32>} : memref<640xf32, #tpu.memory_space<vmem>>, vector<16xf32>,
    %swap3A_243 = vector.shape_cast %swap3A_242 : vector<16xf32> to vector<16xf32>
    %swap3A_244 = vector.shape_cast %broadcast_in_dim3A_240 : vector<16xf32> to vector<16xf32>
    tpu.vector_store %arg6[%swap3A_241], %swap3A_244 {strides = array<i32>} : memref<640xf32, #tpu.memory_space<vmem>>, vector<16xf32>,
    %broadcast_in_dim3A_245 = arith.constant 0.000000e+00 : f32
    %broadcast_in_dim3A_246 = vector.broadcast %broadcast_in_dim3A_245 : f32 to vector<16xf32>
    %swap3A_247 = arith.constant 576 : index
    %swap3A_248 = tpu.vector_load %arg6[%swap3A_247] {strides = array<i32>} : memref<640xf32, #tpu.memory_space<vmem>>, vector<16xf32>,
    %swap3A_249 = vector.shape_cast %swap3A_248 : vector<16xf32> to vector<16xf32>
    %swap3A_250 = vector.shape_cast %broadcast_in_dim3A_246 : vector<16xf32> to vector<16xf32>
    tpu.vector_store %arg6[%swap3A_247], %swap3A_250 {strides = array<i32>} : memref<640xf32, #tpu.memory_space<vmem>>, vector<16xf32>,
    %broadcast_in_dim3A_251 = arith.constant 0.000000e+00 : f32
    %broadcast_in_dim3A_252 = vector.broadcast %broadcast_in_dim3A_251 : f32 to vector<16xf32>
    %swap3A_253 = arith.constant 592 : index
    %swap3A_254 = tpu.vector_load %arg6[%swap3A_253] {strides = array<i32>} : memref<640xf32, #tpu.memory_space<vmem>>, vector<16xf32>,
    %swap3A_255 = vector.shape_cast %swap3A_254 : vector<16xf32> to vector<16xf32>
    %swap3A_256 = vector.shape_cast %broadcast_in_dim3A_252 : vector<16xf32> to vector<16xf32>
    tpu.vector_store %arg6[%swap3A_253], %swap3A_256 {strides = array<i32>} : memref<640xf32, #tpu.memory_space<vmem>>, vector<16xf32>,
    %broadcast_in_dim3A_257 = arith.constant 0.000000e+00 : f32
    %broadcast_in_dim3A_258 = vector.broadcast %broadcast_in_dim3A_257 : f32 to vector<16xf32>
    %swap3A_259 = arith.constant 608 : index
    %swap3A_260 = tpu.vector_load %arg6[%swap3A_259] {strides = array<i32>} : memref<640xf32, #tpu.memory_space<vmem>>, vector<16xf32>,
    %swap3A_261 = vector.shape_cast %swap3A_260 : vector<16xf32> to vector<16xf32>
    %swap3A_262 = vector.shape_cast %broadcast_in_dim3A_258 : vector<16xf32> to vector<16xf32>
    tpu.vector_store %arg6[%swap3A_259], %swap3A_262 {strides = array<i32>} : memref<640xf32, #tpu.memory_space<vmem>>, vector<16xf32>,
    %broadcast_in_dim3A_263 = arith.constant 0.000000e+00 : f32
    %broadcast_in_dim3A_264 = vector.broadcast %broadcast_in_dim3A_263 : f32 to vector<16xf32>
    %swap3A_265 = arith.constant 624 : index
    %swap3A_266 = tpu.vector_load %arg6[%swap3A_265] {strides = array<i32>} : memref<640xf32, #tpu.memory_space<vmem>>, vector<16xf32>,
    %swap3A_267 = vector.shape_cast %swap3A_266 : vector<16xf32> to vector<16xf32>
    %swap3A_268 = vector.shape_cast %broadcast_in_dim3A_264 : vector<16xf32> to vector<16xf32>
    tpu.vector_store %arg6[%swap3A_265], %swap3A_268 {strides = array<i32>} : memref<640xf32, #tpu.memory_space<vmem>>, vector<16xf32>,
    %mul3A_269 = arith.constant 640 : i32
    %mul3A_270 = arith.muli %arg1, %mul3A_269 : i32
    "tpu.region"() ({
      %run_scoped3A = tpu.sem_alloc : memref<!tpu.dma_semaphore, #tpu.memory_space<semaphore_mem>>
      %dma_start3A = tpu.memref_slice %arg7[%mul3A_270] : memref<10240xf32, #tpu.memory_space<vmem_shared>> -> memref<640xf32, #tpu.memory_space<vmem_shared>>
      %dma_start3A_290 = tpu.memref_slice %arg7[%mul3A_270] : memref<10240xf32, #tpu.memory_space<vmem_shared>> -> memref<640xf32, #tpu.memory_space<vmem_shared>>
      tpu.enqueue_dma source(%arg6 : memref<640xf32, #tpu.memory_space<vmem>>) target(%dma_start3A_290 : memref<640xf32, #tpu.memory_space<vmem_shared>>) target_semaphore(%run_scoped3A : memref<!tpu.dma_semaphore, #tpu.memory_space<semaphore_mem>>)
      %dma_wait3A = tpu.memref_slice %arg7[%mul3A_270] : memref<10240xf32, #tpu.memory_space<vmem_shared>> -> memref<640xf32, #tpu.memory_space<vmem_shared>>
      %dma_wait3A_291 = tpu.memref_slice %arg7[%mul3A_270] : memref<10240xf32, #tpu.memory_space<vmem_shared>> -> memref<640xf32, #tpu.memory_space<vmem_shared>>
      tpu.wait_dma2 semaphore(%run_scoped3A : memref<!tpu.dma_semaphore, #tpu.memory_space<semaphore_mem>>) src(%arg6 : memref<640xf32, #tpu.memory_space<vmem>>) dst(%dma_wait3A_291 : memref<640xf32, #tpu.memory_space<vmem_shared>>)
      tpu.yield
    }) : () -> ()
    "tpu.region"() ({
      %run_scoped3A = tpu.sem_alloc : memref<!tpu.dma_semaphore, #tpu.memory_space<semaphore_mem>>
      %dma_start3A = arith.constant 0 : i32
      %dma_start3A_290 = arith.constant 0 : i32
      %dma_start3A_291 = tpu.memref_slice %arg2[%add3A, %dma_start3A, %dma_start3A_290] : memref<32x125x80xi32, #tpu.memory_space<hbm>> -> memref<1x125x80xi32, #tpu.memory_space<hbm>>
      %dma_start3A_292 = tpu.memref_squeeze %dma_start3A_291 : memref<1x125x80xi32, #tpu.memory_space<hbm>> -> memref<125x80xi32, #tpu.memory_space<hbm>>
      %dma_start3A_293 = arith.constant 0 : i32
      %dma_start3A_294 = arith.constant 0 : i32
      %dma_start3A_295 = tpu.memref_slice %arg2[%add3A, %dma_start3A_293, %dma_start3A_294] : memref<32x125x80xi32, #tpu.memory_space<hbm>> -> memref<1x125x80xi32, #tpu.memory_space<hbm>>
      %dma_start3A_296 = tpu.memref_squeeze %dma_start3A_295 : memref<1x125x80xi32, #tpu.memory_space<hbm>> -> memref<125x80xi32, #tpu.memory_space<hbm>>
      tpu.enqueue_dma source(%dma_start3A_296 : memref<125x80xi32, #tpu.memory_space<hbm>>) target(%arg4 : memref<125x80xi32, #tpu.memory_space<vmem>>) target_semaphore(%run_scoped3A : memref<!tpu.dma_semaphore, #tpu.memory_space<semaphore_mem>>)
      %dma_wait3A = arith.constant 0 : i32
      %dma_wait3A_297 = arith.constant 0 : i32
      %dma_wait3A_298 = tpu.memref_slice %arg2[%add3A, %dma_wait3A, %dma_wait3A_297] : memref<32x125x80xi32, #tpu.memory_space<hbm>> -> memref<1x125x80xi32, #tpu.memory_space<hbm>>
      %dma_wait3A_299 = tpu.memref_squeeze %dma_wait3A_298 : memref<1x125x80xi32, #tpu.memory_space<hbm>> -> memref<125x80xi32, #tpu.memory_space<hbm>>
      %dma_wait3A_300 = arith.constant 0 : i32
      %dma_wait3A_301 = arith.constant 0 : i32
      %dma_wait3A_302 = tpu.memref_slice %arg2[%add3A, %dma_wait3A_300, %dma_wait3A_301] : memref<32x125x80xi32, #tpu.memory_space<hbm>> -> memref<1x125x80xi32, #tpu.memory_space<hbm>>
      %dma_wait3A_303 = tpu.memref_squeeze %dma_wait3A_302 : memref<1x125x80xi32, #tpu.memory_space<hbm>> -> memref<125x80xi32, #tpu.memory_space<hbm>>
      tpu.wait_dma2 semaphore(%run_scoped3A : memref<!tpu.dma_semaphore, #tpu.memory_space<semaphore_mem>>) src(%dma_wait3A_303 : memref<125x80xi32, #tpu.memory_space<hbm>>) dst(%arg4 : memref<125x80xi32, #tpu.memory_space<vmem>>)
      tpu.yield
    }) : () -> ()
    %barrier3A = arith.constant 0 : index
    tpu.barrier barrier_id(%barrier3A)
    %scan3A = arith.constant 0 : i32
    %scan3A_271 = arith.constant 0 : i32
    %scan3A_272 = arith.constant 125 : i32
    %scan3A_273 = arith.addi %scan3A_271, %scan3A_272 : i32
    %scan3A_274 = arith.constant 1 : i32
    scf.for %scan3A_290 = %scan3A_271 to %scan3A_273 step %scan3A_274  : i32 {
      %dma_start3A = arith.constant 0 : i32
      %dma_start3A_291 = tpu.memref_slice %arg4[%scan3A_290, %dma_start3A] : memref<125x80xi32, #tpu.memory_space<vmem>> -> memref<1x80xi32, #tpu.memory_space<vmem>>
      %dma_start3A_292 = tpu.memref_squeeze %dma_start3A_291 : memref<1x80xi32, #tpu.memory_space<vmem>> -> memref<80xi32, #tpu.memory_space<vmem>>
      %dma_start3A_293 = arith.constant 0 : i32
      %dma_start3A_294 = tpu.memref_slice %arg7[%dma_start3A_293] : memref<10240xf32, #tpu.memory_space<vmem_shared>> -> memref<10240xf32, #tpu.memory_space<vmem_shared>>
      tpu.enqueue_indirect_dma source(%arg5 : memref<80xf32, #tpu.memory_space<vmem>>) target(%dma_start3A_294 : memref<10240xf32, #tpu.memory_space<vmem_shared>>) offsets(%dma_start3A_292 : memref<80xi32, #tpu.memory_space<vmem>>) semaphore(%arg8 : memref<!tpu.dma_semaphore, #tpu.memory_space<semaphore_mem>>) {add = true}
    }
    %scan3A_275 = arith.constant 125 : i32
    %scan3A_276 = arith.constant 0 : i32
    %scan3A_277 = arith.constant 0 : i32
    %scan3A_278 = arith.constant 125 : i32
    %scan3A_279 = arith.addi %scan3A_277, %scan3A_278 : i32
    %scan3A_280 = arith.constant 1 : i32
    scf.for %scan3A_290 = %scan3A_277 to %scan3A_279 step %scan3A_280  : i32 {
      %dma_wait3A = arith.constant 0 : i32
      %dma_wait3A_291 = tpu.memref_slice %arg4[%scan3A_290, %dma_wait3A] : memref<125x80xi32, #tpu.memory_space<vmem>> -> memref<1x80xi32, #tpu.memory_space<vmem>>
      %dma_wait3A_292 = tpu.memref_squeeze %dma_wait3A_291 : memref<1x80xi32, #tpu.memory_space<vmem>> -> memref<80xi32, #tpu.memory_space<vmem>>
      %dma_wait3A_293 = arith.constant 0 : i32
      %dma_wait3A_294 = tpu.memref_slice %arg7[%dma_wait3A_293] : memref<10240xf32, #tpu.memory_space<vmem_shared>> -> memref<10240xf32, #tpu.memory_space<vmem_shared>>
      tpu.wait_indirect_dma semaphore(%arg8 : memref<!tpu.dma_semaphore, #tpu.memory_space<semaphore_mem>>) src(%arg5 : memref<80xf32, #tpu.memory_space<vmem>>) dst(%dma_wait3A_294 : memref<10240xf32, #tpu.memory_space<vmem_shared>>)
    }
    %scan3A_281 = arith.constant 125 : i32
    %barrier3A_282 = arith.constant 0 : index
    tpu.barrier barrier_id(%barrier3A_282)
    %mul3A_283 = arith.constant 640 : i32
    %mul3A_284 = arith.muli %arg1, %mul3A_283 : i32
    %mul3A_285 = arith.constant 10240 : i32
    %mul3A_286 = arith.muli %arg0, %mul3A_285 : i32
    %mul3A_287 = arith.constant 640 : i32
    %mul3A_288 = arith.muli %arg1, %mul3A_287 : i32
    %add3A_289 = arith.addi %mul3A_286, %mul3A_288 : i32
    "tpu.region"() ({
      %run_scoped3A = tpu.sem_alloc : memref<!tpu.dma_semaphore, #tpu.memory_space<semaphore_mem>>
      %dma_start3A = tpu.memref_slice %arg3[%add3A_289] : memref<20480xf32, #tpu.memory_space<hbm>> -> memref<640xf32, #tpu.memory_space<hbm>>
      %dma_start3A_290 = tpu.memref_slice %arg7[%mul3A_284] : memref<10240xf32, #tpu.memory_space<vmem_shared>> -> memref<640xf32, #tpu.memory_space<vmem_shared>>
      tpu.enqueue_dma source(%dma_start3A_290 : memref<640xf32, #tpu.memory_space<vmem_shared>>) target(%dma_start3A : memref<640xf32, #tpu.memory_space<hbm>>) target_semaphore(%run_scoped3A : memref<!tpu.dma_semaphore, #tpu.memory_space<semaphore_mem>>)
      %dma_wait3A = tpu.memref_slice %arg3[%add3A_289] : memref<20480xf32, #tpu.memory_space<hbm>> -> memref<640xf32, #tpu.memory_space<hbm>>
      %dma_wait3A_291 = tpu.memref_slice %arg7[%mul3A_284] : memref<10240xf32, #tpu.memory_space<vmem_shared>> -> memref<640xf32, #tpu.memory_space<vmem_shared>>
      tpu.wait_dma2 semaphore(%run_scoped3A : memref<!tpu.dma_semaphore, #tpu.memory_space<semaphore_mem>>) src(%dma_wait3A_291 : memref<640xf32, #tpu.memory_space<vmem_shared>>) dst(%dma_wait3A : memref<640xf32, #tpu.memory_space<hbm>>)
      tpu.yield
    }) : () -> ()
    return
  }
}

#map = affine_map<(d0, d1) -> (0, 0, 0)>
#map1 = affine_map<(d0, d1) -> (0, 0, 0, 0)>
#map2 = affine_map<(d0, d1) -> (0, 0)>
module attributes {stable_mosaic.version = 14 : i64} {
  func.func @k(%arg0: i32, %arg1: i32, %arg2: memref<32x125x80xi32, #tpu.memory_space<hbm>>, %arg3: memref<32x125x1x80xi32, #tpu.memory_space<hbm>>, %arg4: memref<10000x128xf32, #tpu.memory_space<hbm>>, %arg5: memref<2x10000x128xf32, #tpu.memory_space<hbm>>, %arg6: memref<125x80xi32, #tpu.memory_space<vmem>>, %arg7: memref<80xi32, #tpu.memory_space<vmem>>, %arg8: memref<80xi32, #tpu.memory_space<vmem>>, %arg9: memref<80xi32, #tpu.memory_space<vmem>>, %arg10: memref<80x128xf32, #tpu.memory_space<vmem>>, %arg11: memref<80x128xf32, #tpu.memory_space<vmem>>, %arg12: memref<80x128xf32, #tpu.memory_space<vmem>>, %arg13: memref<10000x128xf32, #tpu.memory_space<vmem_shared>>, %arg14: memref<!tpu.dma_semaphore, #tpu.memory_space<semaphore_mem>>, %arg15: memref<!tpu.dma_semaphore, #tpu.memory_space<semaphore_mem>>, %arg16: memref<!tpu.dma_semaphore, #tpu.memory_space<semaphore_mem>>, %arg17: memref<!tpu.dma_semaphore, #tpu.memory_space<semaphore_mem>>, %arg18: memref<!tpu.dma_semaphore, #tpu.memory_space<semaphore_mem>>, %arg19: memref<!tpu.dma_semaphore, #tpu.memory_space<semaphore_mem>>, %arg20: memref<!tpu.dma_semaphore, #tpu.memory_space<semaphore_mem>>, %arg21: memref<!tpu.dma_semaphore, #tpu.memory_space<semaphore_mem>>, %arg22: memref<!tpu.dma_semaphore, #tpu.memory_space<semaphore_mem>>) attributes {dimension_semantics = [#tpu.dimension_semantics<core_parallel>, #tpu.dimension_semantics<subcore_parallel>], iteration_bounds = array<i64: 2, 16>, scalar_prefetch = 0 : i64, scratch_operands = 17 : i64, tpu.core_type = #tpu.core_type<sc_vector_subcore>, window_params = [{transform_indices = #map}, {transform_indices = #map1}, {transform_indices = #map2}, {transform_indices = #map}]} {
    %mul3A = arith.constant 16 : i32
    %mul3A_0 = arith.muli %arg0, %mul3A : i32
    %add3A = arith.addi %mul3A_0, %arg1 : i32
    %add3A_1 = arith.constant 0 : i32
    %add3A_2 = arith.addi %arg1, %add3A_1 : i32
    %lt3A = arith.constant 50 : i32
    %lt3A_3 = arith.cmpi slt, %add3A_2, %lt3A : i32
    %convert_element_type3A = arith.extui %lt3A_3 : i1 to i32
    %cond3A = arith.constant 0 : i32
    %cond3A_4 = arith.cmpi ne, %convert_element_type3A, %cond3A : i32
    scf.if %cond3A_4 {
      %mul3A_145 = arith.constant 200 : i32
      %mul3A_146 = arith.muli %add3A_2, %mul3A_145 : i32
      "tpu.region"() ({
        %run_scoped3A = tpu.sem_alloc : memref<!tpu.dma_semaphore, #tpu.memory_space<semaphore_mem>>
        %dma_start3A_147 = arith.constant 0 : i32
        %dma_start3A_148 = tpu.memref_slice %arg13[%mul3A_146, %dma_start3A_147] : memref<10000x128xf32, #tpu.memory_space<vmem_shared>> -> memref<200x128xf32, #tpu.memory_space<vmem_shared>>
        %dma_start3A_149 = arith.constant 0 : i32
        %dma_start3A_150 = tpu.memref_slice %arg4[%mul3A_146, %dma_start3A_149] : memref<10000x128xf32, #tpu.memory_space<hbm>> -> memref<200x128xf32, #tpu.memory_space<hbm>>
        tpu.enqueue_dma source(%dma_start3A_150 : memref<200x128xf32, #tpu.memory_space<hbm>>) target(%dma_start3A_148 : memref<200x128xf32, #tpu.memory_space<vmem_shared>>) target_semaphore(%run_scoped3A : memref<!tpu.dma_semaphore, #tpu.memory_space<semaphore_mem>>)
        %dma_wait3A_151 = arith.constant 0 : i32
        %dma_wait3A_152 = tpu.memref_slice %arg13[%mul3A_146, %dma_wait3A_151] : memref<10000x128xf32, #tpu.memory_space<vmem_shared>> -> memref<200x128xf32, #tpu.memory_space<vmem_shared>>
        %dma_wait3A_153 = arith.constant 0 : i32
        %dma_wait3A_154 = tpu.memref_slice %arg4[%mul3A_146, %dma_wait3A_153] : memref<10000x128xf32, #tpu.memory_space<hbm>> -> memref<200x128xf32, #tpu.memory_space<hbm>>
        tpu.wait_dma2 semaphore(%run_scoped3A : memref<!tpu.dma_semaphore, #tpu.memory_space<semaphore_mem>>) src(%dma_wait3A_154 : memref<200x128xf32, #tpu.memory_space<hbm>>) dst(%dma_wait3A_152 : memref<200x128xf32, #tpu.memory_space<vmem_shared>>)
        tpu.yield
      }) : () -> ()
    } else {
    }
    %add3A_5 = arith.constant 16 : i32
    %add3A_6 = arith.addi %arg1, %add3A_5 : i32
    %lt3A_7 = arith.constant 50 : i32
    %lt3A_8 = arith.cmpi slt, %add3A_6, %lt3A_7 : i32
    %convert_element_type3A_9 = arith.extui %lt3A_8 : i1 to i32
    %cond3A_10 = arith.constant 0 : i32
    %cond3A_11 = arith.cmpi ne, %convert_element_type3A_9, %cond3A_10 : i32
    scf.if %cond3A_11 {
      %mul3A_145 = arith.constant 200 : i32
      %mul3A_146 = arith.muli %add3A_6, %mul3A_145 : i32
      "tpu.region"() ({
        %run_scoped3A = tpu.sem_alloc : memref<!tpu.dma_semaphore, #tpu.memory_space<semaphore_mem>>
        %dma_start3A_147 = arith.constant 0 : i32
        %dma_start3A_148 = tpu.memref_slice %arg13[%mul3A_146, %dma_start3A_147] : memref<10000x128xf32, #tpu.memory_space<vmem_shared>> -> memref<200x128xf32, #tpu.memory_space<vmem_shared>>
        %dma_start3A_149 = arith.constant 0 : i32
        %dma_start3A_150 = tpu.memref_slice %arg4[%mul3A_146, %dma_start3A_149] : memref<10000x128xf32, #tpu.memory_space<hbm>> -> memref<200x128xf32, #tpu.memory_space<hbm>>
        tpu.enqueue_dma source(%dma_start3A_150 : memref<200x128xf32, #tpu.memory_space<hbm>>) target(%dma_start3A_148 : memref<200x128xf32, #tpu.memory_space<vmem_shared>>) target_semaphore(%run_scoped3A : memref<!tpu.dma_semaphore, #tpu.memory_space<semaphore_mem>>)
        %dma_wait3A_151 = arith.constant 0 : i32
        %dma_wait3A_152 = tpu.memref_slice %arg13[%mul3A_146, %dma_wait3A_151] : memref<10000x128xf32, #tpu.memory_space<vmem_shared>> -> memref<200x128xf32, #tpu.memory_space<vmem_shared>>
        %dma_wait3A_153 = arith.constant 0 : i32
        %dma_wait3A_154 = tpu.memref_slice %arg4[%mul3A_146, %dma_wait3A_153] : memref<10000x128xf32, #tpu.memory_space<hbm>> -> memref<200x128xf32, #tpu.memory_space<hbm>>
        tpu.wait_dma2 semaphore(%run_scoped3A : memref<!tpu.dma_semaphore, #tpu.memory_space<semaphore_mem>>) src(%dma_wait3A_154 : memref<200x128xf32, #tpu.memory_space<hbm>>) dst(%dma_wait3A_152 : memref<200x128xf32, #tpu.memory_space<vmem_shared>>)
        tpu.yield
      }) : () -> ()
    } else {
    }
    %add3A_12 = arith.constant 32 : i32
    %add3A_13 = arith.addi %arg1, %add3A_12 : i32
    %lt3A_14 = arith.constant 50 : i32
    %lt3A_15 = arith.cmpi slt, %add3A_13, %lt3A_14 : i32
    %convert_element_type3A_16 = arith.extui %lt3A_15 : i1 to i32
    %cond3A_17 = arith.constant 0 : i32
    %cond3A_18 = arith.cmpi ne, %convert_element_type3A_16, %cond3A_17 : i32
    scf.if %cond3A_18 {
      %mul3A_145 = arith.constant 200 : i32
      %mul3A_146 = arith.muli %add3A_13, %mul3A_145 : i32
      "tpu.region"() ({
        %run_scoped3A = tpu.sem_alloc : memref<!tpu.dma_semaphore, #tpu.memory_space<semaphore_mem>>
        %dma_start3A_147 = arith.constant 0 : i32
        %dma_start3A_148 = tpu.memref_slice %arg13[%mul3A_146, %dma_start3A_147] : memref<10000x128xf32, #tpu.memory_space<vmem_shared>> -> memref<200x128xf32, #tpu.memory_space<vmem_shared>>
        %dma_start3A_149 = arith.constant 0 : i32
        %dma_start3A_150 = tpu.memref_slice %arg4[%mul3A_146, %dma_start3A_149] : memref<10000x128xf32, #tpu.memory_space<hbm>> -> memref<200x128xf32, #tpu.memory_space<hbm>>
        tpu.enqueue_dma source(%dma_start3A_150 : memref<200x128xf32, #tpu.memory_space<hbm>>) target(%dma_start3A_148 : memref<200x128xf32, #tpu.memory_space<vmem_shared>>) target_semaphore(%run_scoped3A : memref<!tpu.dma_semaphore, #tpu.memory_space<semaphore_mem>>)
        %dma_wait3A_151 = arith.constant 0 : i32
        %dma_wait3A_152 = tpu.memref_slice %arg13[%mul3A_146, %dma_wait3A_151] : memref<10000x128xf32, #tpu.memory_space<vmem_shared>> -> memref<200x128xf32, #tpu.memory_space<vmem_shared>>
        %dma_wait3A_153 = arith.constant 0 : i32
        %dma_wait3A_154 = tpu.memref_slice %arg4[%mul3A_146, %dma_wait3A_153] : memref<10000x128xf32, #tpu.memory_space<hbm>> -> memref<200x128xf32, #tpu.memory_space<hbm>>
        tpu.wait_dma2 semaphore(%run_scoped3A : memref<!tpu.dma_semaphore, #tpu.memory_space<semaphore_mem>>) src(%dma_wait3A_154 : memref<200x128xf32, #tpu.memory_space<hbm>>) dst(%dma_wait3A_152 : memref<200x128xf32, #tpu.memory_space<vmem_shared>>)
        tpu.yield
      }) : () -> ()
    } else {
    }
    %add3A_19 = arith.constant 48 : i32
    %add3A_20 = arith.addi %arg1, %add3A_19 : i32
    %lt3A_21 = arith.constant 50 : i32
    %lt3A_22 = arith.cmpi slt, %add3A_20, %lt3A_21 : i32
    %convert_element_type3A_23 = arith.extui %lt3A_22 : i1 to i32
    %cond3A_24 = arith.constant 0 : i32
    %cond3A_25 = arith.cmpi ne, %convert_element_type3A_23, %cond3A_24 : i32
    scf.if %cond3A_25 {
      %mul3A_145 = arith.constant 200 : i32
      %mul3A_146 = arith.muli %add3A_20, %mul3A_145 : i32
      "tpu.region"() ({
        %run_scoped3A = tpu.sem_alloc : memref<!tpu.dma_semaphore, #tpu.memory_space<semaphore_mem>>
        %dma_start3A_147 = arith.constant 0 : i32
        %dma_start3A_148 = tpu.memref_slice %arg13[%mul3A_146, %dma_start3A_147] : memref<10000x128xf32, #tpu.memory_space<vmem_shared>> -> memref<200x128xf32, #tpu.memory_space<vmem_shared>>
        %dma_start3A_149 = arith.constant 0 : i32
        %dma_start3A_150 = tpu.memref_slice %arg4[%mul3A_146, %dma_start3A_149] : memref<10000x128xf32, #tpu.memory_space<hbm>> -> memref<200x128xf32, #tpu.memory_space<hbm>>
        tpu.enqueue_dma source(%dma_start3A_150 : memref<200x128xf32, #tpu.memory_space<hbm>>) target(%dma_start3A_148 : memref<200x128xf32, #tpu.memory_space<vmem_shared>>) target_semaphore(%run_scoped3A : memref<!tpu.dma_semaphore, #tpu.memory_space<semaphore_mem>>)
        %dma_wait3A_151 = arith.constant 0 : i32
        %dma_wait3A_152 = tpu.memref_slice %arg13[%mul3A_146, %dma_wait3A_151] : memref<10000x128xf32, #tpu.memory_space<vmem_shared>> -> memref<200x128xf32, #tpu.memory_space<vmem_shared>>
        %dma_wait3A_153 = arith.constant 0 : i32
        %dma_wait3A_154 = tpu.memref_slice %arg4[%mul3A_146, %dma_wait3A_153] : memref<10000x128xf32, #tpu.memory_space<hbm>> -> memref<200x128xf32, #tpu.memory_space<hbm>>
        tpu.wait_dma2 semaphore(%run_scoped3A : memref<!tpu.dma_semaphore, #tpu.memory_space<semaphore_mem>>) src(%dma_wait3A_154 : memref<200x128xf32, #tpu.memory_space<hbm>>) dst(%dma_wait3A_152 : memref<200x128xf32, #tpu.memory_space<vmem_shared>>)
        tpu.yield
      }) : () -> ()
    } else {
    }
    "tpu.region"() ({
      %run_scoped3A = tpu.sem_alloc : memref<!tpu.dma_semaphore, #tpu.memory_space<semaphore_mem>>
      %dma_start3A_145 = arith.constant 0 : i32
      %dma_start3A_146 = arith.constant 0 : i32
      %dma_start3A_147 = tpu.memref_slice %arg2[%add3A, %dma_start3A_145, %dma_start3A_146] : memref<32x125x80xi32, #tpu.memory_space<hbm>> -> memref<1x125x80xi32, #tpu.memory_space<hbm>>
      %dma_start3A_148 = tpu.memref_squeeze %dma_start3A_147 : memref<1x125x80xi32, #tpu.memory_space<hbm>> -> memref<125x80xi32, #tpu.memory_space<hbm>>
      %dma_start3A_149 = arith.constant 0 : i32
      %dma_start3A_150 = arith.constant 0 : i32
      %dma_start3A_151 = tpu.memref_slice %arg2[%add3A, %dma_start3A_149, %dma_start3A_150] : memref<32x125x80xi32, #tpu.memory_space<hbm>> -> memref<1x125x80xi32, #tpu.memory_space<hbm>>
      %dma_start3A_152 = tpu.memref_squeeze %dma_start3A_151 : memref<1x125x80xi32, #tpu.memory_space<hbm>> -> memref<125x80xi32, #tpu.memory_space<hbm>>
      tpu.enqueue_dma source(%dma_start3A_152 : memref<125x80xi32, #tpu.memory_space<hbm>>) target(%arg6 : memref<125x80xi32, #tpu.memory_space<vmem>>) target_semaphore(%run_scoped3A : memref<!tpu.dma_semaphore, #tpu.memory_space<semaphore_mem>>)
      %dma_wait3A_153 = arith.constant 0 : i32
      %dma_wait3A_154 = arith.constant 0 : i32
      %dma_wait3A_155 = tpu.memref_slice %arg2[%add3A, %dma_wait3A_153, %dma_wait3A_154] : memref<32x125x80xi32, #tpu.memory_space<hbm>> -> memref<1x125x80xi32, #tpu.memory_space<hbm>>
      %dma_wait3A_156 = tpu.memref_squeeze %dma_wait3A_155 : memref<1x125x80xi32, #tpu.memory_space<hbm>> -> memref<125x80xi32, #tpu.memory_space<hbm>>
      %dma_wait3A_157 = arith.constant 0 : i32
      %dma_wait3A_158 = arith.constant 0 : i32
      %dma_wait3A_159 = tpu.memref_slice %arg2[%add3A, %dma_wait3A_157, %dma_wait3A_158] : memref<32x125x80xi32, #tpu.memory_space<hbm>> -> memref<1x125x80xi32, #tpu.memory_space<hbm>>
      %dma_wait3A_160 = tpu.memref_squeeze %dma_wait3A_159 : memref<1x125x80xi32, #tpu.memory_space<hbm>> -> memref<125x80xi32, #tpu.memory_space<hbm>>
      tpu.wait_dma2 semaphore(%run_scoped3A : memref<!tpu.dma_semaphore, #tpu.memory_space<semaphore_mem>>) src(%dma_wait3A_160 : memref<125x80xi32, #tpu.memory_space<hbm>>) dst(%arg6 : memref<125x80xi32, #tpu.memory_space<vmem>>)
      tpu.yield
    }) : () -> ()
    %barrier3A = arith.constant 0 : index
    tpu.barrier barrier_id(%barrier3A)
    %dma_start3A = arith.constant 0 : i32
    %dma_start3A_26 = arith.constant 0 : i32
    %dma_start3A_27 = arith.constant 0 : i32
    %dma_start3A_28 = tpu.memref_slice %arg3[%add3A, %dma_start3A, %dma_start3A_26, %dma_start3A_27] : memref<32x125x1x80xi32, #tpu.memory_space<hbm>> -> memref<1x1x1x80xi32, #tpu.memory_space<hbm>>
    %dma_start3A_29 = tpu.memref_squeeze %dma_start3A_28 : memref<1x1x1x80xi32, #tpu.memory_space<hbm>> -> memref<80xi32, #tpu.memory_space<hbm>>
    %dma_start3A_30 = arith.constant 0 : i32
    %dma_start3A_31 = tpu.memref_slice %arg3[%add3A, %dma_start3A, %dma_start3A_26, %dma_start3A_30] : memref<32x125x1x80xi32, #tpu.memory_space<hbm>> -> memref<1x1x1x80xi32, #tpu.memory_space<hbm>>
    %dma_start3A_32 = tpu.memref_squeeze %dma_start3A_31 : memref<1x1x1x80xi32, #tpu.memory_space<hbm>> -> memref<80xi32, #tpu.memory_space<hbm>>
    tpu.enqueue_dma source(%dma_start3A_32 : memref<80xi32, #tpu.memory_space<hbm>>) target(%arg7 : memref<80xi32, #tpu.memory_space<vmem>>) target_semaphore(%arg14 : memref<!tpu.dma_semaphore, #tpu.memory_space<semaphore_mem>>)
    %dma_start3A_33 = arith.constant 0 : i32
    %dma_start3A_34 = arith.constant 0 : i32
    %dma_start3A_35 = tpu.memref_slice %arg6[%dma_start3A_33, %dma_start3A_34] : memref<125x80xi32, #tpu.memory_space<vmem>> -> memref<1x80xi32, #tpu.memory_space<vmem>>
    %dma_start3A_36 = tpu.memref_squeeze %dma_start3A_35 : memref<1x80xi32, #tpu.memory_space<vmem>> -> memref<80xi32, #tpu.memory_space<vmem>>
    %dma_start3A_37 = arith.constant 0 : i32
    %dma_start3A_38 = arith.constant 0 : i32
    %dma_start3A_39 = tpu.memref_slice %arg4[%dma_start3A_37, %dma_start3A_38] : memref<10000x128xf32, #tpu.memory_space<hbm>> -> memref<10000x128xf32, #tpu.memory_space<hbm>>
    tpu.enqueue_indirect_dma source(%dma_start3A_39 : memref<10000x128xf32, #tpu.memory_space<hbm>>) target(%arg10 : memref<80x128xf32, #tpu.memory_space<vmem>>) offsets(%dma_start3A_36 : memref<80xi32, #tpu.memory_space<vmem>>) semaphore(%arg17 : memref<!tpu.dma_semaphore, #tpu.memory_space<semaphore_mem>>)
    %dma_start3A_40 = arith.constant 1 : i32
    %dma_start3A_41 = arith.constant 0 : i32
    %dma_start3A_42 = arith.constant 0 : i32
    %dma_start3A_43 = tpu.memref_slice %arg3[%add3A, %dma_start3A_40, %dma_start3A_41, %dma_start3A_42] : memref<32x125x1x80xi32, #tpu.memory_space<hbm>> -> memref<1x1x1x80xi32, #tpu.memory_space<hbm>>
    %dma_start3A_44 = tpu.memref_squeeze %dma_start3A_43 : memref<1x1x1x80xi32, #tpu.memory_space<hbm>> -> memref<80xi32, #tpu.memory_space<hbm>>
    %dma_start3A_45 = arith.constant 0 : i32
    %dma_start3A_46 = tpu.memref_slice %arg3[%add3A, %dma_start3A_40, %dma_start3A_41, %dma_start3A_45] : memref<32x125x1x80xi32, #tpu.memory_space<hbm>> -> memref<1x1x1x80xi32, #tpu.memory_space<hbm>>
    %dma_start3A_47 = tpu.memref_squeeze %dma_start3A_46 : memref<1x1x1x80xi32, #tpu.memory_space<hbm>> -> memref<80xi32, #tpu.memory_space<hbm>>
    tpu.enqueue_dma source(%dma_start3A_47 : memref<80xi32, #tpu.memory_space<hbm>>) target(%arg8 : memref<80xi32, #tpu.memory_space<vmem>>) target_semaphore(%arg15 : memref<!tpu.dma_semaphore, #tpu.memory_space<semaphore_mem>>)
    %dma_start3A_48 = arith.constant 1 : i32
    %dma_start3A_49 = arith.constant 0 : i32
    %dma_start3A_50 = tpu.memref_slice %arg6[%dma_start3A_48, %dma_start3A_49] : memref<125x80xi32, #tpu.memory_space<vmem>> -> memref<1x80xi32, #tpu.memory_space<vmem>>
    %dma_start3A_51 = tpu.memref_squeeze %dma_start3A_50 : memref<1x80xi32, #tpu.memory_space<vmem>> -> memref<80xi32, #tpu.memory_space<vmem>>
    %dma_start3A_52 = arith.constant 0 : i32
    %dma_start3A_53 = arith.constant 0 : i32
    %dma_start3A_54 = tpu.memref_slice %arg4[%dma_start3A_52, %dma_start3A_53] : memref<10000x128xf32, #tpu.memory_space<hbm>> -> memref<10000x128xf32, #tpu.memory_space<hbm>>
    tpu.enqueue_indirect_dma source(%dma_start3A_54 : memref<10000x128xf32, #tpu.memory_space<hbm>>) target(%arg11 : memref<80x128xf32, #tpu.memory_space<vmem>>) offsets(%dma_start3A_51 : memref<80xi32, #tpu.memory_space<vmem>>) semaphore(%arg18 : memref<!tpu.dma_semaphore, #tpu.memory_space<semaphore_mem>>)
    %dma_start3A_55 = arith.constant 2 : i32
    %dma_start3A_56 = arith.constant 0 : i32
    %dma_start3A_57 = arith.constant 0 : i32
    %dma_start3A_58 = tpu.memref_slice %arg3[%add3A, %dma_start3A_55, %dma_start3A_56, %dma_start3A_57] : memref<32x125x1x80xi32, #tpu.memory_space<hbm>> -> memref<1x1x1x80xi32, #tpu.memory_space<hbm>>
    %dma_start3A_59 = tpu.memref_squeeze %dma_start3A_58 : memref<1x1x1x80xi32, #tpu.memory_space<hbm>> -> memref<80xi32, #tpu.memory_space<hbm>>
    %dma_start3A_60 = arith.constant 0 : i32
    %dma_start3A_61 = tpu.memref_slice %arg3[%add3A, %dma_start3A_55, %dma_start3A_56, %dma_start3A_60] : memref<32x125x1x80xi32, #tpu.memory_space<hbm>> -> memref<1x1x1x80xi32, #tpu.memory_space<hbm>>
    %dma_start3A_62 = tpu.memref_squeeze %dma_start3A_61 : memref<1x1x1x80xi32, #tpu.memory_space<hbm>> -> memref<80xi32, #tpu.memory_space<hbm>>
    tpu.enqueue_dma source(%dma_start3A_62 : memref<80xi32, #tpu.memory_space<hbm>>) target(%arg9 : memref<80xi32, #tpu.memory_space<vmem>>) target_semaphore(%arg16 : memref<!tpu.dma_semaphore, #tpu.memory_space<semaphore_mem>>)
    %dma_start3A_63 = arith.constant 2 : i32
    %dma_start3A_64 = arith.constant 0 : i32
    %dma_start3A_65 = tpu.memref_slice %arg6[%dma_start3A_63, %dma_start3A_64] : memref<125x80xi32, #tpu.memory_space<vmem>> -> memref<1x80xi32, #tpu.memory_space<vmem>>
    %dma_start3A_66 = tpu.memref_squeeze %dma_start3A_65 : memref<1x80xi32, #tpu.memory_space<vmem>> -> memref<80xi32, #tpu.memory_space<vmem>>
    %dma_start3A_67 = arith.constant 0 : i32
    %dma_start3A_68 = arith.constant 0 : i32
    %dma_start3A_69 = tpu.memref_slice %arg4[%dma_start3A_67, %dma_start3A_68] : memref<10000x128xf32, #tpu.memory_space<hbm>> -> memref<10000x128xf32, #tpu.memory_space<hbm>>
    tpu.enqueue_indirect_dma source(%dma_start3A_69 : memref<10000x128xf32, #tpu.memory_space<hbm>>) target(%arg12 : memref<80x128xf32, #tpu.memory_space<vmem>>) offsets(%dma_start3A_66 : memref<80xi32, #tpu.memory_space<vmem>>) semaphore(%arg19 : memref<!tpu.dma_semaphore, #tpu.memory_space<semaphore_mem>>)
    %dma_wait3A = arith.constant 0 : i32
    %dma_wait3A_70 = arith.constant 0 : i32
    %dma_wait3A_71 = arith.constant 0 : i32
    %dma_wait3A_72 = tpu.memref_slice %arg3[%add3A, %dma_wait3A, %dma_wait3A_70, %dma_wait3A_71] : memref<32x125x1x80xi32, #tpu.memory_space<hbm>> -> memref<1x1x1x80xi32, #tpu.memory_space<hbm>>
    %dma_wait3A_73 = tpu.memref_squeeze %dma_wait3A_72 : memref<1x1x1x80xi32, #tpu.memory_space<hbm>> -> memref<80xi32, #tpu.memory_space<hbm>>
    %dma_wait3A_74 = arith.constant 0 : i32
    %dma_wait3A_75 = tpu.memref_slice %arg3[%add3A, %dma_wait3A, %dma_wait3A_70, %dma_wait3A_74] : memref<32x125x1x80xi32, #tpu.memory_space<hbm>> -> memref<1x1x1x80xi32, #tpu.memory_space<hbm>>
    %dma_wait3A_76 = tpu.memref_squeeze %dma_wait3A_75 : memref<1x1x1x80xi32, #tpu.memory_space<hbm>> -> memref<80xi32, #tpu.memory_space<hbm>>
    tpu.wait_dma2 semaphore(%arg14 : memref<!tpu.dma_semaphore, #tpu.memory_space<semaphore_mem>>) src(%dma_wait3A_76 : memref<80xi32, #tpu.memory_space<hbm>>) dst(%arg7 : memref<80xi32, #tpu.memory_space<vmem>>)
    %dma_wait3A_77 = arith.constant 0 : i32
    %dma_wait3A_78 = arith.constant 0 : i32
    %dma_wait3A_79 = tpu.memref_slice %arg6[%dma_wait3A_77, %dma_wait3A_78] : memref<125x80xi32, #tpu.memory_space<vmem>> -> memref<1x80xi32, #tpu.memory_space<vmem>>
    %dma_wait3A_80 = tpu.memref_squeeze %dma_wait3A_79 : memref<1x80xi32, #tpu.memory_space<vmem>> -> memref<80xi32, #tpu.memory_space<vmem>>
    %dma_wait3A_81 = arith.constant 0 : i32
    %dma_wait3A_82 = arith.constant 0 : i32
    %dma_wait3A_83 = tpu.memref_slice %arg4[%dma_wait3A_81, %dma_wait3A_82] : memref<10000x128xf32, #tpu.memory_space<hbm>> -> memref<10000x128xf32, #tpu.memory_space<hbm>>
    tpu.wait_indirect_dma semaphore(%arg17 : memref<!tpu.dma_semaphore, #tpu.memory_space<semaphore_mem>>) src(%dma_wait3A_83 : memref<10000x128xf32, #tpu.memory_space<hbm>>) dst(%arg10 : memref<80x128xf32, #tpu.memory_space<vmem>>)
    %dma_start3A_84 = arith.constant 0 : i32
    %dma_start3A_85 = arith.constant 0 : i32
    %dma_start3A_86 = tpu.memref_slice %arg13[%dma_start3A_84, %dma_start3A_85] : memref<10000x128xf32, #tpu.memory_space<vmem_shared>> -> memref<10000x128xf32, #tpu.memory_space<vmem_shared>>
    tpu.enqueue_indirect_dma source(%arg10 : memref<80x128xf32, #tpu.memory_space<vmem>>) target(%dma_start3A_86 : memref<10000x128xf32, #tpu.memory_space<vmem_shared>>) offsets(%arg7 : memref<80xi32, #tpu.memory_space<vmem>>) semaphore(%arg20 : memref<!tpu.dma_semaphore, #tpu.memory_space<semaphore_mem>>) {add = true}
    %scan3A = arith.constant 0 : i32
    %scan3A_87 = arith.constant 0 : i32
    %scan3A_88 = arith.constant 41 : i32
    %scan3A_89 = arith.addi %scan3A_87, %scan3A_88 : i32
    %scan3A_90 = arith.constant 1 : i32
    scf.for %scan3A_145 = %scan3A_87 to %scan3A_89 step %scan3A_90  : i32 {
      %mul3A_146 = arith.constant 3 : i32
      %mul3A_147 = arith.muli %mul3A_146, %scan3A_145 : i32
      %add3A_148 = arith.constant 1 : i32
      %add3A_149 = arith.addi %mul3A_147, %add3A_148 : i32
      %ge3A = arith.constant 1 : i32
      %ge3A_150 = arith.cmpi sge, %add3A_149, %ge3A : i32
      %convert_element_type3A_151 = arith.extui %ge3A_150 : i1 to i32
      %cond3A_152 = arith.constant 0 : i32
      %cond3A_153 = arith.cmpi ne, %convert_element_type3A_151, %cond3A_152 : i32
      scf.if %cond3A_153 {
        %dma_wait3A_237 = arith.constant 0 : i32
        %dma_wait3A_238 = arith.constant 0 : i32
        %dma_wait3A_239 = tpu.memref_slice %arg13[%dma_wait3A_237, %dma_wait3A_238] : memref<10000x128xf32, #tpu.memory_space<vmem_shared>> -> memref<10000x128xf32, #tpu.memory_space<vmem_shared>>
        tpu.wait_indirect_dma semaphore(%arg20 : memref<!tpu.dma_semaphore, #tpu.memory_space<semaphore_mem>>) src(%arg10 : memref<80x128xf32, #tpu.memory_space<vmem>>) dst(%dma_wait3A_239 : memref<10000x128xf32, #tpu.memory_space<vmem_shared>>)
      } else {
      }
      %add3A_154 = arith.constant 2 : i32
      %add3A_155 = arith.addi %add3A_149, %add3A_154 : i32
      %lt3A_156 = arith.constant 125 : i32
      %lt3A_157 = arith.cmpi slt, %add3A_155, %lt3A_156 : i32
      %convert_element_type3A_158 = arith.extui %lt3A_157 : i1 to i32
      %cond3A_159 = arith.constant 0 : i32
      %cond3A_160 = arith.cmpi ne, %convert_element_type3A_158, %cond3A_159 : i32
      scf.if %cond3A_160 {
        %add3A_237 = arith.constant 2 : i32
        %add3A_238 = arith.addi %add3A_149, %add3A_237 : i32
        %dma_start3A_239 = arith.constant 0 : i32
        %dma_start3A_240 = arith.constant 0 : i32
        %dma_start3A_241 = tpu.memref_slice %arg3[%add3A, %add3A_238, %dma_start3A_239, %dma_start3A_240] : memref<32x125x1x80xi32, #tpu.memory_space<hbm>> -> memref<1x1x1x80xi32, #tpu.memory_space<hbm>>
        %dma_start3A_242 = tpu.memref_squeeze %dma_start3A_241 : memref<1x1x1x80xi32, #tpu.memory_space<hbm>> -> memref<80xi32, #tpu.memory_space<hbm>>
        %dma_start3A_243 = arith.constant 0 : i32
        %dma_start3A_244 = tpu.memref_slice %arg3[%add3A, %add3A_238, %dma_start3A_239, %dma_start3A_243] : memref<32x125x1x80xi32, #tpu.memory_space<hbm>> -> memref<1x1x1x80xi32, #tpu.memory_space<hbm>>
        %dma_start3A_245 = tpu.memref_squeeze %dma_start3A_244 : memref<1x1x1x80xi32, #tpu.memory_space<hbm>> -> memref<80xi32, #tpu.memory_space<hbm>>
        tpu.enqueue_dma source(%dma_start3A_245 : memref<80xi32, #tpu.memory_space<hbm>>) target(%arg7 : memref<80xi32, #tpu.memory_space<vmem>>) target_semaphore(%arg14 : memref<!tpu.dma_semaphore, #tpu.memory_space<semaphore_mem>>)
        %dma_start3A_246 = arith.constant 0 : i32
        %dma_start3A_247 = tpu.memref_slice %arg6[%add3A_238, %dma_start3A_246] : memref<125x80xi32, #tpu.memory_space<vmem>> -> memref<1x80xi32, #tpu.memory_space<vmem>>
        %dma_start3A_248 = tpu.memref_squeeze %dma_start3A_247 : memref<1x80xi32, #tpu.memory_space<vmem>> -> memref<80xi32, #tpu.memory_space<vmem>>
        %dma_start3A_249 = arith.constant 0 : i32
        %dma_start3A_250 = arith.constant 0 : i32
        %dma_start3A_251 = tpu.memref_slice %arg4[%dma_start3A_249, %dma_start3A_250] : memref<10000x128xf32, #tpu.memory_space<hbm>> -> memref<10000x128xf32, #tpu.memory_space<hbm>>
        tpu.enqueue_indirect_dma source(%dma_start3A_251 : memref<10000x128xf32, #tpu.memory_space<hbm>>) target(%arg10 : memref<80x128xf32, #tpu.memory_space<vmem>>) offsets(%dma_start3A_248 : memref<80xi32, #tpu.memory_space<vmem>>) semaphore(%arg17 : memref<!tpu.dma_semaphore, #tpu.memory_space<semaphore_mem>>)
      } else {
      }
      %dma_wait3A_161 = arith.constant 0 : i32
      %dma_wait3A_162 = arith.constant 0 : i32
      %dma_wait3A_163 = tpu.memref_slice %arg3[%add3A, %add3A_149, %dma_wait3A_161, %dma_wait3A_162] : memref<32x125x1x80xi32, #tpu.memory_space<hbm>> -> memref<1x1x1x80xi32, #tpu.memory_space<hbm>>
      %dma_wait3A_164 = tpu.memref_squeeze %dma_wait3A_163 : memref<1x1x1x80xi32, #tpu.memory_space<hbm>> -> memref<80xi32, #tpu.memory_space<hbm>>
      %dma_wait3A_165 = arith.constant 0 : i32
      %dma_wait3A_166 = tpu.memref_slice %arg3[%add3A, %add3A_149, %dma_wait3A_161, %dma_wait3A_165] : memref<32x125x1x80xi32, #tpu.memory_space<hbm>> -> memref<1x1x1x80xi32, #tpu.memory_space<hbm>>
      %dma_wait3A_167 = tpu.memref_squeeze %dma_wait3A_166 : memref<1x1x1x80xi32, #tpu.memory_space<hbm>> -> memref<80xi32, #tpu.memory_space<hbm>>
      tpu.wait_dma2 semaphore(%arg15 : memref<!tpu.dma_semaphore, #tpu.memory_space<semaphore_mem>>) src(%dma_wait3A_167 : memref<80xi32, #tpu.memory_space<hbm>>) dst(%arg8 : memref<80xi32, #tpu.memory_space<vmem>>)
      %dma_wait3A_168 = arith.constant 0 : i32
      %dma_wait3A_169 = tpu.memref_slice %arg6[%add3A_149, %dma_wait3A_168] : memref<125x80xi32, #tpu.memory_space<vmem>> -> memref<1x80xi32, #tpu.memory_space<vmem>>
      %dma_wait3A_170 = tpu.memref_squeeze %dma_wait3A_169 : memref<1x80xi32, #tpu.memory_space<vmem>> -> memref<80xi32, #tpu.memory_space<vmem>>
      %dma_wait3A_171 = arith.constant 0 : i32
      %dma_wait3A_172 = arith.constant 0 : i32
      %dma_wait3A_173 = tpu.memref_slice %arg4[%dma_wait3A_171, %dma_wait3A_172] : memref<10000x128xf32, #tpu.memory_space<hbm>> -> memref<10000x128xf32, #tpu.memory_space<hbm>>
      tpu.wait_indirect_dma semaphore(%arg18 : memref<!tpu.dma_semaphore, #tpu.memory_space<semaphore_mem>>) src(%dma_wait3A_173 : memref<10000x128xf32, #tpu.memory_space<hbm>>) dst(%arg11 : memref<80x128xf32, #tpu.memory_space<vmem>>)
      %dma_start3A_174 = arith.constant 0 : i32
      %dma_start3A_175 = arith.constant 0 : i32
      %dma_start3A_176 = tpu.memref_slice %arg13[%dma_start3A_174, %dma_start3A_175] : memref<10000x128xf32, #tpu.memory_space<vmem_shared>> -> memref<10000x128xf32, #tpu.memory_space<vmem_shared>>
      tpu.enqueue_indirect_dma source(%arg11 : memref<80x128xf32, #tpu.memory_space<vmem>>) target(%dma_start3A_176 : memref<10000x128xf32, #tpu.memory_space<vmem_shared>>) offsets(%arg8 : memref<80xi32, #tpu.memory_space<vmem>>) semaphore(%arg21 : memref<!tpu.dma_semaphore, #tpu.memory_space<semaphore_mem>>) {add = true}
      %add3A_177 = arith.constant 1 : i32
      %add3A_178 = arith.addi %add3A_149, %add3A_177 : i32
      %ge3A_179 = arith.constant 1 : i32
      %ge3A_180 = arith.cmpi sge, %add3A_178, %ge3A_179 : i32
      %convert_element_type3A_181 = arith.extui %ge3A_180 : i1 to i32
      %cond3A_182 = arith.constant 0 : i32
      %cond3A_183 = arith.cmpi ne, %convert_element_type3A_181, %cond3A_182 : i32
      scf.if %cond3A_183 {
        %dma_wait3A_237 = arith.constant 0 : i32
        %dma_wait3A_238 = arith.constant 0 : i32
        %dma_wait3A_239 = tpu.memref_slice %arg13[%dma_wait3A_237, %dma_wait3A_238] : memref<10000x128xf32, #tpu.memory_space<vmem_shared>> -> memref<10000x128xf32, #tpu.memory_space<vmem_shared>>
        tpu.wait_indirect_dma semaphore(%arg21 : memref<!tpu.dma_semaphore, #tpu.memory_space<semaphore_mem>>) src(%arg11 : memref<80x128xf32, #tpu.memory_space<vmem>>) dst(%dma_wait3A_239 : memref<10000x128xf32, #tpu.memory_space<vmem_shared>>)
      } else {
      }
      %add3A_184 = arith.constant 2 : i32
      %add3A_185 = arith.addi %add3A_178, %add3A_184 : i32
      %lt3A_186 = arith.constant 125 : i32
      %lt3A_187 = arith.cmpi slt, %add3A_185, %lt3A_186 : i32
      %convert_element_type3A_188 = arith.extui %lt3A_187 : i1 to i32
      %cond3A_189 = arith.constant 0 : i32
      %cond3A_190 = arith.cmpi ne, %convert_element_type3A_188, %cond3A_189 : i32
      scf.if %cond3A_190 {
        %add3A_237 = arith.constant 2 : i32
        %add3A_238 = arith.addi %add3A_178, %add3A_237 : i32
        %dma_start3A_239 = arith.constant 0 : i32
        %dma_start3A_240 = arith.constant 0 : i32
        %dma_start3A_241 = tpu.memref_slice %arg3[%add3A, %add3A_238, %dma_start3A_239, %dma_start3A_240] : memref<32x125x1x80xi32, #tpu.memory_space<hbm>> -> memref<1x1x1x80xi32, #tpu.memory_space<hbm>>
        %dma_start3A_242 = tpu.memref_squeeze %dma_start3A_241 : memref<1x1x1x80xi32, #tpu.memory_space<hbm>> -> memref<80xi32, #tpu.memory_space<hbm>>
        %dma_start3A_243 = arith.constant 0 : i32
        %dma_start3A_244 = tpu.memref_slice %arg3[%add3A, %add3A_238, %dma_start3A_239, %dma_start3A_243] : memref<32x125x1x80xi32, #tpu.memory_space<hbm>> -> memref<1x1x1x80xi32, #tpu.memory_space<hbm>>
        %dma_start3A_245 = tpu.memref_squeeze %dma_start3A_244 : memref<1x1x1x80xi32, #tpu.memory_space<hbm>> -> memref<80xi32, #tpu.memory_space<hbm>>
        tpu.enqueue_dma source(%dma_start3A_245 : memref<80xi32, #tpu.memory_space<hbm>>) target(%arg8 : memref<80xi32, #tpu.memory_space<vmem>>) target_semaphore(%arg15 : memref<!tpu.dma_semaphore, #tpu.memory_space<semaphore_mem>>)
        %dma_start3A_246 = arith.constant 0 : i32
        %dma_start3A_247 = tpu.memref_slice %arg6[%add3A_238, %dma_start3A_246] : memref<125x80xi32, #tpu.memory_space<vmem>> -> memref<1x80xi32, #tpu.memory_space<vmem>>
        %dma_start3A_248 = tpu.memref_squeeze %dma_start3A_247 : memref<1x80xi32, #tpu.memory_space<vmem>> -> memref<80xi32, #tpu.memory_space<vmem>>
        %dma_start3A_249 = arith.constant 0 : i32
        %dma_start3A_250 = arith.constant 0 : i32
        %dma_start3A_251 = tpu.memref_slice %arg4[%dma_start3A_249, %dma_start3A_250] : memref<10000x128xf32, #tpu.memory_space<hbm>> -> memref<10000x128xf32, #tpu.memory_space<hbm>>
        tpu.enqueue_indirect_dma source(%dma_start3A_251 : memref<10000x128xf32, #tpu.memory_space<hbm>>) target(%arg11 : memref<80x128xf32, #tpu.memory_space<vmem>>) offsets(%dma_start3A_248 : memref<80xi32, #tpu.memory_space<vmem>>) semaphore(%arg18 : memref<!tpu.dma_semaphore, #tpu.memory_space<semaphore_mem>>)
      } else {
      }
      %dma_wait3A_191 = arith.constant 0 : i32
      %dma_wait3A_192 = arith.constant 0 : i32
      %dma_wait3A_193 = tpu.memref_slice %arg3[%add3A, %add3A_178, %dma_wait3A_191, %dma_wait3A_192] : memref<32x125x1x80xi32, #tpu.memory_space<hbm>> -> memref<1x1x1x80xi32, #tpu.memory_space<hbm>>
      %dma_wait3A_194 = tpu.memref_squeeze %dma_wait3A_193 : memref<1x1x1x80xi32, #tpu.memory_space<hbm>> -> memref<80xi32, #tpu.memory_space<hbm>>
      %dma_wait3A_195 = arith.constant 0 : i32
      %dma_wait3A_196 = tpu.memref_slice %arg3[%add3A, %add3A_178, %dma_wait3A_191, %dma_wait3A_195] : memref<32x125x1x80xi32, #tpu.memory_space<hbm>> -> memref<1x1x1x80xi32, #tpu.memory_space<hbm>>
      %dma_wait3A_197 = tpu.memref_squeeze %dma_wait3A_196 : memref<1x1x1x80xi32, #tpu.memory_space<hbm>> -> memref<80xi32, #tpu.memory_space<hbm>>
      tpu.wait_dma2 semaphore(%arg16 : memref<!tpu.dma_semaphore, #tpu.memory_space<semaphore_mem>>) src(%dma_wait3A_197 : memref<80xi32, #tpu.memory_space<hbm>>) dst(%arg9 : memref<80xi32, #tpu.memory_space<vmem>>)
      %dma_wait3A_198 = arith.constant 0 : i32
      %dma_wait3A_199 = tpu.memref_slice %arg6[%add3A_178, %dma_wait3A_198] : memref<125x80xi32, #tpu.memory_space<vmem>> -> memref<1x80xi32, #tpu.memory_space<vmem>>
      %dma_wait3A_200 = tpu.memref_squeeze %dma_wait3A_199 : memref<1x80xi32, #tpu.memory_space<vmem>> -> memref<80xi32, #tpu.memory_space<vmem>>
      %dma_wait3A_201 = arith.constant 0 : i32
      %dma_wait3A_202 = arith.constant 0 : i32
      %dma_wait3A_203 = tpu.memref_slice %arg4[%dma_wait3A_201, %dma_wait3A_202] : memref<10000x128xf32, #tpu.memory_space<hbm>> -> memref<10000x128xf32, #tpu.memory_space<hbm>>
      tpu.wait_indirect_dma semaphore(%arg19 : memref<!tpu.dma_semaphore, #tpu.memory_space<semaphore_mem>>) src(%dma_wait3A_203 : memref<10000x128xf32, #tpu.memory_space<hbm>>) dst(%arg12 : memref<80x128xf32, #tpu.memory_space<vmem>>)
      %dma_start3A_204 = arith.constant 0 : i32
      %dma_start3A_205 = arith.constant 0 : i32
      %dma_start3A_206 = tpu.memref_slice %arg13[%dma_start3A_204, %dma_start3A_205] : memref<10000x128xf32, #tpu.memory_space<vmem_shared>> -> memref<10000x128xf32, #tpu.memory_space<vmem_shared>>
      tpu.enqueue_indirect_dma source(%arg12 : memref<80x128xf32, #tpu.memory_space<vmem>>) target(%dma_start3A_206 : memref<10000x128xf32, #tpu.memory_space<vmem_shared>>) offsets(%arg9 : memref<80xi32, #tpu.memory_space<vmem>>) semaphore(%arg22 : memref<!tpu.dma_semaphore, #tpu.memory_space<semaphore_mem>>) {add = true}
      %add3A_207 = arith.constant 2 : i32
      %add3A_208 = arith.addi %add3A_149, %add3A_207 : i32
      %ge3A_209 = arith.constant 1 : i32
      %ge3A_210 = arith.cmpi sge, %add3A_208, %ge3A_209 : i32
      %convert_element_type3A_211 = arith.extui %ge3A_210 : i1 to i32
      %cond3A_212 = arith.constant 0 : i32
      %cond3A_213 = arith.cmpi ne, %convert_element_type3A_211, %cond3A_212 : i32
      scf.if %cond3A_213 {
        %dma_wait3A_237 = arith.constant 0 : i32
        %dma_wait3A_238 = arith.constant 0 : i32
        %dma_wait3A_239 = tpu.memref_slice %arg13[%dma_wait3A_237, %dma_wait3A_238] : memref<10000x128xf32, #tpu.memory_space<vmem_shared>> -> memref<10000x128xf32, #tpu.memory_space<vmem_shared>>
        tpu.wait_indirect_dma semaphore(%arg22 : memref<!tpu.dma_semaphore, #tpu.memory_space<semaphore_mem>>) src(%arg12 : memref<80x128xf32, #tpu.memory_space<vmem>>) dst(%dma_wait3A_239 : memref<10000x128xf32, #tpu.memory_space<vmem_shared>>)
      } else {
      }
      %add3A_214 = arith.constant 2 : i32
      %add3A_215 = arith.addi %add3A_208, %add3A_214 : i32
      %lt3A_216 = arith.constant 125 : i32
      %lt3A_217 = arith.cmpi slt, %add3A_215, %lt3A_216 : i32
      %convert_element_type3A_218 = arith.extui %lt3A_217 : i1 to i32
      %cond3A_219 = arith.constant 0 : i32
      %cond3A_220 = arith.cmpi ne, %convert_element_type3A_218, %cond3A_219 : i32
      scf.if %cond3A_220 {
        %add3A_237 = arith.constant 2 : i32
        %add3A_238 = arith.addi %add3A_208, %add3A_237 : i32
        %dma_start3A_239 = arith.constant 0 : i32
        %dma_start3A_240 = arith.constant 0 : i32
        %dma_start3A_241 = tpu.memref_slice %arg3[%add3A, %add3A_238, %dma_start3A_239, %dma_start3A_240] : memref<32x125x1x80xi32, #tpu.memory_space<hbm>> -> memref<1x1x1x80xi32, #tpu.memory_space<hbm>>
        %dma_start3A_242 = tpu.memref_squeeze %dma_start3A_241 : memref<1x1x1x80xi32, #tpu.memory_space<hbm>> -> memref<80xi32, #tpu.memory_space<hbm>>
        %dma_start3A_243 = arith.constant 0 : i32
        %dma_start3A_244 = tpu.memref_slice %arg3[%add3A, %add3A_238, %dma_start3A_239, %dma_start3A_243] : memref<32x125x1x80xi32, #tpu.memory_space<hbm>> -> memref<1x1x1x80xi32, #tpu.memory_space<hbm>>
        %dma_start3A_245 = tpu.memref_squeeze %dma_start3A_244 : memref<1x1x1x80xi32, #tpu.memory_space<hbm>> -> memref<80xi32, #tpu.memory_space<hbm>>
        tpu.enqueue_dma source(%dma_start3A_245 : memref<80xi32, #tpu.memory_space<hbm>>) target(%arg9 : memref<80xi32, #tpu.memory_space<vmem>>) target_semaphore(%arg16 : memref<!tpu.dma_semaphore, #tpu.memory_space<semaphore_mem>>)
        %dma_start3A_246 = arith.constant 0 : i32
        %dma_start3A_247 = tpu.memref_slice %arg6[%add3A_238, %dma_start3A_246] : memref<125x80xi32, #tpu.memory_space<vmem>> -> memref<1x80xi32, #tpu.memory_space<vmem>>
        %dma_start3A_248 = tpu.memref_squeeze %dma_start3A_247 : memref<1x80xi32, #tpu.memory_space<vmem>> -> memref<80xi32, #tpu.memory_space<vmem>>
        %dma_start3A_249 = arith.constant 0 : i32
        %dma_start3A_250 = arith.constant 0 : i32
        %dma_start3A_251 = tpu.memref_slice %arg4[%dma_start3A_249, %dma_start3A_250] : memref<10000x128xf32, #tpu.memory_space<hbm>> -> memref<10000x128xf32, #tpu.memory_space<hbm>>
        tpu.enqueue_indirect_dma source(%dma_start3A_251 : memref<10000x128xf32, #tpu.memory_space<hbm>>) target(%arg12 : memref<80x128xf32, #tpu.memory_space<vmem>>) offsets(%dma_start3A_248 : memref<80xi32, #tpu.memory_space<vmem>>) semaphore(%arg19 : memref<!tpu.dma_semaphore, #tpu.memory_space<semaphore_mem>>)
      } else {
      }
      %dma_wait3A_221 = arith.constant 0 : i32
      %dma_wait3A_222 = arith.constant 0 : i32
      %dma_wait3A_223 = tpu.memref_slice %arg3[%add3A, %add3A_208, %dma_wait3A_221, %dma_wait3A_222] : memref<32x125x1x80xi32, #tpu.memory_space<hbm>> -> memref<1x1x1x80xi32, #tpu.memory_space<hbm>>
      %dma_wait3A_224 = tpu.memref_squeeze %dma_wait3A_223 : memref<1x1x1x80xi32, #tpu.memory_space<hbm>> -> memref<80xi32, #tpu.memory_space<hbm>>
      %dma_wait3A_225 = arith.constant 0 : i32
      %dma_wait3A_226 = tpu.memref_slice %arg3[%add3A, %add3A_208, %dma_wait3A_221, %dma_wait3A_225] : memref<32x125x1x80xi32, #tpu.memory_space<hbm>> -> memref<1x1x1x80xi32, #tpu.memory_space<hbm>>
      %dma_wait3A_227 = tpu.memref_squeeze %dma_wait3A_226 : memref<1x1x1x80xi32, #tpu.memory_space<hbm>> -> memref<80xi32, #tpu.memory_space<hbm>>
      tpu.wait_dma2 semaphore(%arg14 : memref<!tpu.dma_semaphore, #tpu.memory_space<semaphore_mem>>) src(%dma_wait3A_227 : memref<80xi32, #tpu.memory_space<hbm>>) dst(%arg7 : memref<80xi32, #tpu.memory_space<vmem>>)
      %dma_wait3A_228 = arith.constant 0 : i32
      %dma_wait3A_229 = tpu.memref_slice %arg6[%add3A_208, %dma_wait3A_228] : memref<125x80xi32, #tpu.memory_space<vmem>> -> memref<1x80xi32, #tpu.memory_space<vmem>>
      %dma_wait3A_230 = tpu.memref_squeeze %dma_wait3A_229 : memref<1x80xi32, #tpu.memory_space<vmem>> -> memref<80xi32, #tpu.memory_space<vmem>>
      %dma_wait3A_231 = arith.constant 0 : i32
      %dma_wait3A_232 = arith.constant 0 : i32
      %dma_wait3A_233 = tpu.memref_slice %arg4[%dma_wait3A_231, %dma_wait3A_232] : memref<10000x128xf32, #tpu.memory_space<hbm>> -> memref<10000x128xf32, #tpu.memory_space<hbm>>
      tpu.wait_indirect_dma semaphore(%arg17 : memref<!tpu.dma_semaphore, #tpu.memory_space<semaphore_mem>>) src(%dma_wait3A_233 : memref<10000x128xf32, #tpu.memory_space<hbm>>) dst(%arg10 : memref<80x128xf32, #tpu.memory_space<vmem>>)
      %dma_start3A_234 = arith.constant 0 : i32
      %dma_start3A_235 = arith.constant 0 : i32
      %dma_start3A_236 = tpu.memref_slice %arg13[%dma_start3A_234, %dma_start3A_235] : memref<10000x128xf32, #tpu.memory_space<vmem_shared>> -> memref<10000x128xf32, #tpu.memory_space<vmem_shared>>
      tpu.enqueue_indirect_dma source(%arg10 : memref<80x128xf32, #tpu.memory_space<vmem>>) target(%dma_start3A_236 : memref<10000x128xf32, #tpu.memory_space<vmem_shared>>) offsets(%arg7 : memref<80xi32, #tpu.memory_space<vmem>>) semaphore(%arg20 : memref<!tpu.dma_semaphore, #tpu.memory_space<semaphore_mem>>) {add = true}
    }
    %scan3A_91 = arith.constant 41 : i32
    %dma_wait3A_92 = arith.constant 0 : i32
    %dma_wait3A_93 = arith.constant 0 : i32
    %dma_wait3A_94 = tpu.memref_slice %arg13[%dma_wait3A_92, %dma_wait3A_93] : memref<10000x128xf32, #tpu.memory_space<vmem_shared>> -> memref<10000x128xf32, #tpu.memory_space<vmem_shared>>
    tpu.wait_indirect_dma semaphore(%arg20 : memref<!tpu.dma_semaphore, #tpu.memory_space<semaphore_mem>>) src(%arg10 : memref<80x128xf32, #tpu.memory_space<vmem>>) dst(%dma_wait3A_94 : memref<10000x128xf32, #tpu.memory_space<vmem_shared>>)
    %dma_wait3A_95 = arith.constant 124 : i32
    %dma_wait3A_96 = arith.constant 0 : i32
    %dma_wait3A_97 = arith.constant 0 : i32
    %dma_wait3A_98 = tpu.memref_slice %arg3[%add3A, %dma_wait3A_95, %dma_wait3A_96, %dma_wait3A_97] : memref<32x125x1x80xi32, #tpu.memory_space<hbm>> -> memref<1x1x1x80xi32, #tpu.memory_space<hbm>>
    %dma_wait3A_99 = tpu.memref_squeeze %dma_wait3A_98 : memref<1x1x1x80xi32, #tpu.memory_space<hbm>> -> memref<80xi32, #tpu.memory_space<hbm>>
    %dma_wait3A_100 = arith.constant 0 : i32
    %dma_wait3A_101 = tpu.memref_slice %arg3[%add3A, %dma_wait3A_95, %dma_wait3A_96, %dma_wait3A_100] : memref<32x125x1x80xi32, #tpu.memory_space<hbm>> -> memref<1x1x1x80xi32, #tpu.memory_space<hbm>>
    %dma_wait3A_102 = tpu.memref_squeeze %dma_wait3A_101 : memref<1x1x1x80xi32, #tpu.memory_space<hbm>> -> memref<80xi32, #tpu.memory_space<hbm>>
    tpu.wait_dma2 semaphore(%arg15 : memref<!tpu.dma_semaphore, #tpu.memory_space<semaphore_mem>>) src(%dma_wait3A_102 : memref<80xi32, #tpu.memory_space<hbm>>) dst(%arg8 : memref<80xi32, #tpu.memory_space<vmem>>)
    %dma_wait3A_103 = arith.constant 124 : i32
    %dma_wait3A_104 = arith.constant 0 : i32
    %dma_wait3A_105 = tpu.memref_slice %arg6[%dma_wait3A_103, %dma_wait3A_104] : memref<125x80xi32, #tpu.memory_space<vmem>> -> memref<1x80xi32, #tpu.memory_space<vmem>>
    %dma_wait3A_106 = tpu.memref_squeeze %dma_wait3A_105 : memref<1x80xi32, #tpu.memory_space<vmem>> -> memref<80xi32, #tpu.memory_space<vmem>>
    %dma_wait3A_107 = arith.constant 0 : i32
    %dma_wait3A_108 = arith.constant 0 : i32
    %dma_wait3A_109 = tpu.memref_slice %arg4[%dma_wait3A_107, %dma_wait3A_108] : memref<10000x128xf32, #tpu.memory_space<hbm>> -> memref<10000x128xf32, #tpu.memory_space<hbm>>
    tpu.wait_indirect_dma semaphore(%arg18 : memref<!tpu.dma_semaphore, #tpu.memory_space<semaphore_mem>>) src(%dma_wait3A_109 : memref<10000x128xf32, #tpu.memory_space<hbm>>) dst(%arg11 : memref<80x128xf32, #tpu.memory_space<vmem>>)
    %dma_start3A_110 = arith.constant 0 : i32
    %dma_start3A_111 = arith.constant 0 : i32
    %dma_start3A_112 = tpu.memref_slice %arg13[%dma_start3A_110, %dma_start3A_111] : memref<10000x128xf32, #tpu.memory_space<vmem_shared>> -> memref<10000x128xf32, #tpu.memory_space<vmem_shared>>
    tpu.enqueue_indirect_dma source(%arg11 : memref<80x128xf32, #tpu.memory_space<vmem>>) target(%dma_start3A_112 : memref<10000x128xf32, #tpu.memory_space<vmem_shared>>) offsets(%arg8 : memref<80xi32, #tpu.memory_space<vmem>>) semaphore(%arg21 : memref<!tpu.dma_semaphore, #tpu.memory_space<semaphore_mem>>) {add = true}
    %dma_wait3A_113 = arith.constant 0 : i32
    %dma_wait3A_114 = arith.constant 0 : i32
    %dma_wait3A_115 = tpu.memref_slice %arg13[%dma_wait3A_113, %dma_wait3A_114] : memref<10000x128xf32, #tpu.memory_space<vmem_shared>> -> memref<10000x128xf32, #tpu.memory_space<vmem_shared>>
    tpu.wait_indirect_dma semaphore(%arg21 : memref<!tpu.dma_semaphore, #tpu.memory_space<semaphore_mem>>) src(%arg11 : memref<80x128xf32, #tpu.memory_space<vmem>>) dst(%dma_wait3A_115 : memref<10000x128xf32, #tpu.memory_space<vmem_shared>>)
    %barrier3A_116 = arith.constant 0 : index
    tpu.barrier barrier_id(%barrier3A_116)
    %add3A_117 = arith.constant 0 : i32
    %add3A_118 = arith.addi %arg1, %add3A_117 : i32
    %lt3A_119 = arith.constant 50 : i32
    %lt3A_120 = arith.cmpi slt, %add3A_118, %lt3A_119 : i32
    %convert_element_type3A_121 = arith.extui %lt3A_120 : i1 to i32
    %cond3A_122 = arith.constant 0 : i32
    %cond3A_123 = arith.cmpi ne, %convert_element_type3A_121, %cond3A_122 : i32
    scf.if %cond3A_123 {
      %mul3A_145 = arith.constant 200 : i32
      %mul3A_146 = arith.muli %add3A_118, %mul3A_145 : i32
      "tpu.region"() ({
        %run_scoped3A = tpu.sem_alloc : memref<!tpu.dma_semaphore, #tpu.memory_space<semaphore_mem>>
        %dma_start3A_147 = arith.constant 0 : i32
        %dma_start3A_148 = tpu.memref_slice %arg5[%arg0, %mul3A_146, %dma_start3A_147] : memref<2x10000x128xf32, #tpu.memory_space<hbm>> -> memref<1x200x128xf32, #tpu.memory_space<hbm>>
        %dma_start3A_149 = tpu.memref_squeeze %dma_start3A_148 : memref<1x200x128xf32, #tpu.memory_space<hbm>> -> memref<200x128xf32, #tpu.memory_space<hbm>>
        %dma_start3A_150 = arith.constant 0 : i32
        %dma_start3A_151 = tpu.memref_slice %arg13[%mul3A_146, %dma_start3A_150] : memref<10000x128xf32, #tpu.memory_space<vmem_shared>> -> memref<200x128xf32, #tpu.memory_space<vmem_shared>>
        tpu.enqueue_dma source(%dma_start3A_151 : memref<200x128xf32, #tpu.memory_space<vmem_shared>>) target(%dma_start3A_149 : memref<200x128xf32, #tpu.memory_space<hbm>>) target_semaphore(%run_scoped3A : memref<!tpu.dma_semaphore, #tpu.memory_space<semaphore_mem>>)
        %dma_wait3A_152 = arith.constant 0 : i32
        %dma_wait3A_153 = tpu.memref_slice %arg5[%arg0, %mul3A_146, %dma_wait3A_152] : memref<2x10000x128xf32, #tpu.memory_space<hbm>> -> memref<1x200x128xf32, #tpu.memory_space<hbm>>
        %dma_wait3A_154 = tpu.memref_squeeze %dma_wait3A_153 : memref<1x200x128xf32, #tpu.memory_space<hbm>> -> memref<200x128xf32, #tpu.memory_space<hbm>>
        %dma_wait3A_155 = arith.constant 0 : i32
        %dma_wait3A_156 = tpu.memref_slice %arg13[%mul3A_146, %dma_wait3A_155] : memref<10000x128xf32, #tpu.memory_space<vmem_shared>> -> memref<200x128xf32, #tpu.memory_space<vmem_shared>>
        tpu.wait_dma2 semaphore(%run_scoped3A : memref<!tpu.dma_semaphore, #tpu.memory_space<semaphore_mem>>) src(%dma_wait3A_156 : memref<200x128xf32, #tpu.memory_space<vmem_shared>>) dst(%dma_wait3A_154 : memref<200x128xf32, #tpu.memory_space<hbm>>)
        tpu.yield
      }) : () -> ()
    } else {
    }
    %add3A_124 = arith.constant 16 : i32
    %add3A_125 = arith.addi %arg1, %add3A_124 : i32
    %lt3A_126 = arith.constant 50 : i32
    %lt3A_127 = arith.cmpi slt, %add3A_125, %lt3A_126 : i32
    %convert_element_type3A_128 = arith.extui %lt3A_127 : i1 to i32
    %cond3A_129 = arith.constant 0 : i32
    %cond3A_130 = arith.cmpi ne, %convert_element_type3A_128, %cond3A_129 : i32
    scf.if %cond3A_130 {
      %mul3A_145 = arith.constant 200 : i32
      %mul3A_146 = arith.muli %add3A_125, %mul3A_145 : i32
      "tpu.region"() ({
        %run_scoped3A = tpu.sem_alloc : memref<!tpu.dma_semaphore, #tpu.memory_space<semaphore_mem>>
        %dma_start3A_147 = arith.constant 0 : i32
        %dma_start3A_148 = tpu.memref_slice %arg5[%arg0, %mul3A_146, %dma_start3A_147] : memref<2x10000x128xf32, #tpu.memory_space<hbm>> -> memref<1x200x128xf32, #tpu.memory_space<hbm>>
        %dma_start3A_149 = tpu.memref_squeeze %dma_start3A_148 : memref<1x200x128xf32, #tpu.memory_space<hbm>> -> memref<200x128xf32, #tpu.memory_space<hbm>>
        %dma_start3A_150 = arith.constant 0 : i32
        %dma_start3A_151 = tpu.memref_slice %arg13[%mul3A_146, %dma_start3A_150] : memref<10000x128xf32, #tpu.memory_space<vmem_shared>> -> memref<200x128xf32, #tpu.memory_space<vmem_shared>>
        tpu.enqueue_dma source(%dma_start3A_151 : memref<200x128xf32, #tpu.memory_space<vmem_shared>>) target(%dma_start3A_149 : memref<200x128xf32, #tpu.memory_space<hbm>>) target_semaphore(%run_scoped3A : memref<!tpu.dma_semaphore, #tpu.memory_space<semaphore_mem>>)
        %dma_wait3A_152 = arith.constant 0 : i32
        %dma_wait3A_153 = tpu.memref_slice %arg5[%arg0, %mul3A_146, %dma_wait3A_152] : memref<2x10000x128xf32, #tpu.memory_space<hbm>> -> memref<1x200x128xf32, #tpu.memory_space<hbm>>
        %dma_wait3A_154 = tpu.memref_squeeze %dma_wait3A_153 : memref<1x200x128xf32, #tpu.memory_space<hbm>> -> memref<200x128xf32, #tpu.memory_space<hbm>>
        %dma_wait3A_155 = arith.constant 0 : i32
        %dma_wait3A_156 = tpu.memref_slice %arg13[%mul3A_146, %dma_wait3A_155] : memref<10000x128xf32, #tpu.memory_space<vmem_shared>> -> memref<200x128xf32, #tpu.memory_space<vmem_shared>>
        tpu.wait_dma2 semaphore(%run_scoped3A : memref<!tpu.dma_semaphore, #tpu.memory_space<semaphore_mem>>) src(%dma_wait3A_156 : memref<200x128xf32, #tpu.memory_space<vmem_shared>>) dst(%dma_wait3A_154 : memref<200x128xf32, #tpu.memory_space<hbm>>)
        tpu.yield
      }) : () -> ()
    } else {
    }
    %add3A_131 = arith.constant 32 : i32
    %add3A_132 = arith.addi %arg1, %add3A_131 : i32
    %lt3A_133 = arith.constant 50 : i32
    %lt3A_134 = arith.cmpi slt, %add3A_132, %lt3A_133 : i32
    %convert_element_type3A_135 = arith.extui %lt3A_134 : i1 to i32
    %cond3A_136 = arith.constant 0 : i32
    %cond3A_137 = arith.cmpi ne, %convert_element_type3A_135, %cond3A_136 : i32
    scf.if %cond3A_137 {
      %mul3A_145 = arith.constant 200 : i32
      %mul3A_146 = arith.muli %add3A_132, %mul3A_145 : i32
      "tpu.region"() ({
        %run_scoped3A = tpu.sem_alloc : memref<!tpu.dma_semaphore, #tpu.memory_space<semaphore_mem>>
        %dma_start3A_147 = arith.constant 0 : i32
        %dma_start3A_148 = tpu.memref_slice %arg5[%arg0, %mul3A_146, %dma_start3A_147] : memref<2x10000x128xf32, #tpu.memory_space<hbm>> -> memref<1x200x128xf32, #tpu.memory_space<hbm>>
        %dma_start3A_149 = tpu.memref_squeeze %dma_start3A_148 : memref<1x200x128xf32, #tpu.memory_space<hbm>> -> memref<200x128xf32, #tpu.memory_space<hbm>>
        %dma_start3A_150 = arith.constant 0 : i32
        %dma_start3A_151 = tpu.memref_slice %arg13[%mul3A_146, %dma_start3A_150] : memref<10000x128xf32, #tpu.memory_space<vmem_shared>> -> memref<200x128xf32, #tpu.memory_space<vmem_shared>>
        tpu.enqueue_dma source(%dma_start3A_151 : memref<200x128xf32, #tpu.memory_space<vmem_shared>>) target(%dma_start3A_149 : memref<200x128xf32, #tpu.memory_space<hbm>>) target_semaphore(%run_scoped3A : memref<!tpu.dma_semaphore, #tpu.memory_space<semaphore_mem>>)
        %dma_wait3A_152 = arith.constant 0 : i32
        %dma_wait3A_153 = tpu.memref_slice %arg5[%arg0, %mul3A_146, %dma_wait3A_152] : memref<2x10000x128xf32, #tpu.memory_space<hbm>> -> memref<1x200x128xf32, #tpu.memory_space<hbm>>
        %dma_wait3A_154 = tpu.memref_squeeze %dma_wait3A_153 : memref<1x200x128xf32, #tpu.memory_space<hbm>> -> memref<200x128xf32, #tpu.memory_space<hbm>>
        %dma_wait3A_155 = arith.constant 0 : i32
        %dma_wait3A_156 = tpu.memref_slice %arg13[%mul3A_146, %dma_wait3A_155] : memref<10000x128xf32, #tpu.memory_space<vmem_shared>> -> memref<200x128xf32, #tpu.memory_space<vmem_shared>>
        tpu.wait_dma2 semaphore(%run_scoped3A : memref<!tpu.dma_semaphore, #tpu.memory_space<semaphore_mem>>) src(%dma_wait3A_156 : memref<200x128xf32, #tpu.memory_space<vmem_shared>>) dst(%dma_wait3A_154 : memref<200x128xf32, #tpu.memory_space<hbm>>)
        tpu.yield
      }) : () -> ()
    } else {
    }
    %add3A_138 = arith.constant 48 : i32
    %add3A_139 = arith.addi %arg1, %add3A_138 : i32
    %lt3A_140 = arith.constant 50 : i32
    %lt3A_141 = arith.cmpi slt, %add3A_139, %lt3A_140 : i32
    %convert_element_type3A_142 = arith.extui %lt3A_141 : i1 to i32
    %cond3A_143 = arith.constant 0 : i32
    %cond3A_144 = arith.cmpi ne, %convert_element_type3A_142, %cond3A_143 : i32
    scf.if %cond3A_144 {
      %mul3A_145 = arith.constant 200 : i32
      %mul3A_146 = arith.muli %add3A_139, %mul3A_145 : i32
      "tpu.region"() ({
        %run_scoped3A = tpu.sem_alloc : memref<!tpu.dma_semaphore, #tpu.memory_space<semaphore_mem>>
        %dma_start3A_147 = arith.constant 0 : i32
        %dma_start3A_148 = tpu.memref_slice %arg5[%arg0, %mul3A_146, %dma_start3A_147] : memref<2x10000x128xf32, #tpu.memory_space<hbm>> -> memref<1x200x128xf32, #tpu.memory_space<hbm>>
        %dma_start3A_149 = tpu.memref_squeeze %dma_start3A_148 : memref<1x200x128xf32, #tpu.memory_space<hbm>> -> memref<200x128xf32, #tpu.memory_space<hbm>>
        %dma_start3A_150 = arith.constant 0 : i32
        %dma_start3A_151 = tpu.memref_slice %arg13[%mul3A_146, %dma_start3A_150] : memref<10000x128xf32, #tpu.memory_space<vmem_shared>> -> memref<200x128xf32, #tpu.memory_space<vmem_shared>>
        tpu.enqueue_dma source(%dma_start3A_151 : memref<200x128xf32, #tpu.memory_space<vmem_shared>>) target(%dma_start3A_149 : memref<200x128xf32, #tpu.memory_space<hbm>>) target_semaphore(%run_scoped3A : memref<!tpu.dma_semaphore, #tpu.memory_space<semaphore_mem>>)
        %dma_wait3A_152 = arith.constant 0 : i32
        %dma_wait3A_153 = tpu.memref_slice %arg5[%arg0, %mul3A_146, %dma_wait3A_152] : memref<2x10000x128xf32, #tpu.memory_space<hbm>> -> memref<1x200x128xf32, #tpu.memory_space<hbm>>
        %dma_wait3A_154 = tpu.memref_squeeze %dma_wait3A_153 : memref<1x200x128xf32, #tpu.memory_space<hbm>> -> memref<200x128xf32, #tpu.memory_space<hbm>>
        %dma_wait3A_155 = arith.constant 0 : i32
        %dma_wait3A_156 = tpu.memref_slice %arg13[%mul3A_146, %dma_wait3A_155] : memref<10000x128xf32, #tpu.memory_space<vmem_shared>> -> memref<200x128xf32, #tpu.memory_space<vmem_shared>>
        tpu.wait_dma2 semaphore(%run_scoped3A : memref<!tpu.dma_semaphore, #tpu.memory_space<semaphore_mem>>) src(%dma_wait3A_156 : memref<200x128xf32, #tpu.memory_space<vmem_shared>>) dst(%dma_wait3A_154 : memref<200x128xf32, #tpu.memory_space<hbm>>)
        tpu.yield
      }) : () -> ()
    } else {
    }
    return
  }
}

#map = affine_map<(d0, d1) -> (0, 0, 0)>
#map1 = affine_map<(d0, d1) -> (0, 0, 0, 0)>
#map2 = affine_map<(d0, d1) -> (0, 0)>
module attributes {stable_mosaic.version = 14 : i64} {
  func.func @k(%arg0: i32, %arg1: i32, %arg2: memref<32x125x80xi32, #tpu.memory_space<hbm>>, %arg3: memref<32x125x1x80xi32, #tpu.memory_space<hbm>>, %arg4: memref<10000x128xf32, #tpu.memory_space<hbm>>, %arg5: memref<2x10000x128xf32, #tpu.memory_space<hbm>>, %arg6: memref<125x80xi32, #tpu.memory_space<vmem>>, %arg7: memref<80xi32, #tpu.memory_space<vmem>>, %arg8: memref<80xi32, #tpu.memory_space<vmem>>, %arg9: memref<80xi32, #tpu.memory_space<vmem>>, %arg10: memref<80x128xf32, #tpu.memory_space<vmem>>, %arg11: memref<80x128xf32, #tpu.memory_space<vmem>>, %arg12: memref<80x128xf32, #tpu.memory_space<vmem>>, %arg13: memref<10000x128xf32, #tpu.memory_space<vmem_shared>>, %arg14: memref<!tpu.dma_semaphore, #tpu.memory_space<semaphore_mem>>, %arg15: memref<!tpu.dma_semaphore, #tpu.memory_space<semaphore_mem>>, %arg16: memref<!tpu.dma_semaphore, #tpu.memory_space<semaphore_mem>>, %arg17: memref<!tpu.dma_semaphore, #tpu.memory_space<semaphore_mem>>, %arg18: memref<!tpu.dma_semaphore, #tpu.memory_space<semaphore_mem>>, %arg19: memref<!tpu.dma_semaphore, #tpu.memory_space<semaphore_mem>>, %arg20: memref<!tpu.dma_semaphore, #tpu.memory_space<semaphore_mem>>, %arg21: memref<!tpu.dma_semaphore, #tpu.memory_space<semaphore_mem>>, %arg22: memref<!tpu.dma_semaphore, #tpu.memory_space<semaphore_mem>>) attributes {dimension_semantics = [#tpu.dimension_semantics<core_parallel>, #tpu.dimension_semantics<subcore_parallel>], iteration_bounds = array<i64: 2, 16>, scalar_prefetch = 0 : i64, scratch_operands = 17 : i64, tpu.core_type = #tpu.core_type<sc_vector_subcore>, window_params = [{transform_indices = #map}, {transform_indices = #map1}, {transform_indices = #map2}, {transform_indices = #map}]} {
    %mul3A = arith.constant 16 : i32
    %mul3A_0 = arith.muli %arg0, %mul3A : i32
    %add3A = arith.addi %mul3A_0, %arg1 : i32
    %add3A_1 = arith.constant 0 : i32
    %add3A_2 = arith.addi %arg1, %add3A_1 : i32
    %lt3A = arith.constant 50 : i32
    %lt3A_3 = arith.cmpi slt, %add3A_2, %lt3A : i32
    %convert_element_type3A = arith.extui %lt3A_3 : i1 to i32
    %cond3A = arith.constant 0 : i32
    %cond3A_4 = arith.cmpi ne, %convert_element_type3A, %cond3A : i32
    scf.if %cond3A_4 {
      %mul3A_145 = arith.constant 200 : i32
      %mul3A_146 = arith.muli %add3A_2, %mul3A_145 : i32
      "tpu.region"() ({
        %run_scoped3A = tpu.sem_alloc : memref<!tpu.dma_semaphore, #tpu.memory_space<semaphore_mem>>
        %dma_start3A_147 = arith.constant 0 : i32
        %dma_start3A_148 = tpu.memref_slice %arg13[%mul3A_146, %dma_start3A_147] : memref<10000x128xf32, #tpu.memory_space<vmem_shared>> -> memref<200x128xf32, #tpu.memory_space<vmem_shared>>
        %dma_start3A_149 = arith.constant 0 : i32
        %dma_start3A_150 = tpu.memref_slice %arg4[%mul3A_146, %dma_start3A_149] : memref<10000x128xf32, #tpu.memory_space<hbm>> -> memref<200x128xf32, #tpu.memory_space<hbm>>
        tpu.enqueue_dma source(%dma_start3A_150 : memref<200x128xf32, #tpu.memory_space<hbm>>) target(%dma_start3A_148 : memref<200x128xf32, #tpu.memory_space<vmem_shared>>) target_semaphore(%run_scoped3A : memref<!tpu.dma_semaphore, #tpu.memory_space<semaphore_mem>>)
        %dma_wait3A_151 = arith.constant 0 : i32
        %dma_wait3A_152 = tpu.memref_slice %arg13[%mul3A_146, %dma_wait3A_151] : memref<10000x128xf32, #tpu.memory_space<vmem_shared>> -> memref<200x128xf32, #tpu.memory_space<vmem_shared>>
        %dma_wait3A_153 = arith.constant 0 : i32
        %dma_wait3A_154 = tpu.memref_slice %arg4[%mul3A_146, %dma_wait3A_153] : memref<10000x128xf32, #tpu.memory_space<hbm>> -> memref<200x128xf32, #tpu.memory_space<hbm>>
        tpu.wait_dma2 semaphore(%run_scoped3A : memref<!tpu.dma_semaphore, #tpu.memory_space<semaphore_mem>>) src(%dma_wait3A_154 : memref<200x128xf32, #tpu.memory_space<hbm>>) dst(%dma_wait3A_152 : memref<200x128xf32, #tpu.memory_space<vmem_shared>>)
        tpu.yield
      }) : () -> ()
    } else {
    }
    %add3A_5 = arith.constant 16 : i32
    %add3A_6 = arith.addi %arg1, %add3A_5 : i32
    %lt3A_7 = arith.constant 50 : i32
    %lt3A_8 = arith.cmpi slt, %add3A_6, %lt3A_7 : i32
    %convert_element_type3A_9 = arith.extui %lt3A_8 : i1 to i32
    %cond3A_10 = arith.constant 0 : i32
    %cond3A_11 = arith.cmpi ne, %convert_element_type3A_9, %cond3A_10 : i32
    scf.if %cond3A_11 {
      %mul3A_145 = arith.constant 200 : i32
      %mul3A_146 = arith.muli %add3A_6, %mul3A_145 : i32
      "tpu.region"() ({
        %run_scoped3A = tpu.sem_alloc : memref<!tpu.dma_semaphore, #tpu.memory_space<semaphore_mem>>
        %dma_start3A_147 = arith.constant 0 : i32
        %dma_start3A_148 = tpu.memref_slice %arg13[%mul3A_146, %dma_start3A_147] : memref<10000x128xf32, #tpu.memory_space<vmem_shared>> -> memref<200x128xf32, #tpu.memory_space<vmem_shared>>
        %dma_start3A_149 = arith.constant 0 : i32
        %dma_start3A_150 = tpu.memref_slice %arg4[%mul3A_146, %dma_start3A_149] : memref<10000x128xf32, #tpu.memory_space<hbm>> -> memref<200x128xf32, #tpu.memory_space<hbm>>
        tpu.enqueue_dma source(%dma_start3A_150 : memref<200x128xf32, #tpu.memory_space<hbm>>) target(%dma_start3A_148 : memref<200x128xf32, #tpu.memory_space<vmem_shared>>) target_semaphore(%run_scoped3A : memref<!tpu.dma_semaphore, #tpu.memory_space<semaphore_mem>>)
        %dma_wait3A_151 = arith.constant 0 : i32
        %dma_wait3A_152 = tpu.memref_slice %arg13[%mul3A_146, %dma_wait3A_151] : memref<10000x128xf32, #tpu.memory_space<vmem_shared>> -> memref<200x128xf32, #tpu.memory_space<vmem_shared>>
        %dma_wait3A_153 = arith.constant 0 : i32
        %dma_wait3A_154 = tpu.memref_slice %arg4[%mul3A_146, %dma_wait3A_153] : memref<10000x128xf32, #tpu.memory_space<hbm>> -> memref<200x128xf32, #tpu.memory_space<hbm>>
        tpu.wait_dma2 semaphore(%run_scoped3A : memref<!tpu.dma_semaphore, #tpu.memory_space<semaphore_mem>>) src(%dma_wait3A_154 : memref<200x128xf32, #tpu.memory_space<hbm>>) dst(%dma_wait3A_152 : memref<200x128xf32, #tpu.memory_space<vmem_shared>>)
        tpu.yield
      }) : () -> ()
    } else {
    }
    %add3A_12 = arith.constant 32 : i32
    %add3A_13 = arith.addi %arg1, %add3A_12 : i32
    %lt3A_14 = arith.constant 50 : i32
    %lt3A_15 = arith.cmpi slt, %add3A_13, %lt3A_14 : i32
    %convert_element_type3A_16 = arith.extui %lt3A_15 : i1 to i32
    %cond3A_17 = arith.constant 0 : i32
    %cond3A_18 = arith.cmpi ne, %convert_element_type3A_16, %cond3A_17 : i32
    scf.if %cond3A_18 {
      %mul3A_145 = arith.constant 200 : i32
      %mul3A_146 = arith.muli %add3A_13, %mul3A_145 : i32
      "tpu.region"() ({
        %run_scoped3A = tpu.sem_alloc : memref<!tpu.dma_semaphore, #tpu.memory_space<semaphore_mem>>
        %dma_start3A_147 = arith.constant 0 : i32
        %dma_start3A_148 = tpu.memref_slice %arg13[%mul3A_146, %dma_start3A_147] : memref<10000x128xf32, #tpu.memory_space<vmem_shared>> -> memref<200x128xf32, #tpu.memory_space<vmem_shared>>
        %dma_start3A_149 = arith.constant 0 : i32
        %dma_start3A_150 = tpu.memref_slice %arg4[%mul3A_146, %dma_start3A_149] : memref<10000x128xf32, #tpu.memory_space<hbm>> -> memref<200x128xf32, #tpu.memory_space<hbm>>
        tpu.enqueue_dma source(%dma_start3A_150 : memref<200x128xf32, #tpu.memory_space<hbm>>) target(%dma_start3A_148 : memref<200x128xf32, #tpu.memory_space<vmem_shared>>) target_semaphore(%run_scoped3A : memref<!tpu.dma_semaphore, #tpu.memory_space<semaphore_mem>>)
        %dma_wait3A_151 = arith.constant 0 : i32
        %dma_wait3A_152 = tpu.memref_slice %arg13[%mul3A_146, %dma_wait3A_151] : memref<10000x128xf32, #tpu.memory_space<vmem_shared>> -> memref<200x128xf32, #tpu.memory_space<vmem_shared>>
        %dma_wait3A_153 = arith.constant 0 : i32
        %dma_wait3A_154 = tpu.memref_slice %arg4[%mul3A_146, %dma_wait3A_153] : memref<10000x128xf32, #tpu.memory_space<hbm>> -> memref<200x128xf32, #tpu.memory_space<hbm>>
        tpu.wait_dma2 semaphore(%run_scoped3A : memref<!tpu.dma_semaphore, #tpu.memory_space<semaphore_mem>>) src(%dma_wait3A_154 : memref<200x128xf32, #tpu.memory_space<hbm>>) dst(%dma_wait3A_152 : memref<200x128xf32, #tpu.memory_space<vmem_shared>>)
        tpu.yield
      }) : () -> ()
    } else {
    }
    %add3A_19 = arith.constant 48 : i32
    %add3A_20 = arith.addi %arg1, %add3A_19 : i32
    %lt3A_21 = arith.constant 50 : i32
    %lt3A_22 = arith.cmpi slt, %add3A_20, %lt3A_21 : i32
    %convert_element_type3A_23 = arith.extui %lt3A_22 : i1 to i32
    %cond3A_24 = arith.constant 0 : i32
    %cond3A_25 = arith.cmpi ne, %convert_element_type3A_23, %cond3A_24 : i32
    scf.if %cond3A_25 {
      %mul3A_145 = arith.constant 200 : i32
      %mul3A_146 = arith.muli %add3A_20, %mul3A_145 : i32
      "tpu.region"() ({
        %run_scoped3A = tpu.sem_alloc : memref<!tpu.dma_semaphore, #tpu.memory_space<semaphore_mem>>
        %dma_start3A_147 = arith.constant 0 : i32
        %dma_start3A_148 = tpu.memref_slice %arg13[%mul3A_146, %dma_start3A_147] : memref<10000x128xf32, #tpu.memory_space<vmem_shared>> -> memref<200x128xf32, #tpu.memory_space<vmem_shared>>
        %dma_start3A_149 = arith.constant 0 : i32
        %dma_start3A_150 = tpu.memref_slice %arg4[%mul3A_146, %dma_start3A_149] : memref<10000x128xf32, #tpu.memory_space<hbm>> -> memref<200x128xf32, #tpu.memory_space<hbm>>
        tpu.enqueue_dma source(%dma_start3A_150 : memref<200x128xf32, #tpu.memory_space<hbm>>) target(%dma_start3A_148 : memref<200x128xf32, #tpu.memory_space<vmem_shared>>) target_semaphore(%run_scoped3A : memref<!tpu.dma_semaphore, #tpu.memory_space<semaphore_mem>>)
        %dma_wait3A_151 = arith.constant 0 : i32
        %dma_wait3A_152 = tpu.memref_slice %arg13[%mul3A_146, %dma_wait3A_151] : memref<10000x128xf32, #tpu.memory_space<vmem_shared>> -> memref<200x128xf32, #tpu.memory_space<vmem_shared>>
        %dma_wait3A_153 = arith.constant 0 : i32
        %dma_wait3A_154 = tpu.memref_slice %arg4[%mul3A_146, %dma_wait3A_153] : memref<10000x128xf32, #tpu.memory_space<hbm>> -> memref<200x128xf32, #tpu.memory_space<hbm>>
        tpu.wait_dma2 semaphore(%run_scoped3A : memref<!tpu.dma_semaphore, #tpu.memory_space<semaphore_mem>>) src(%dma_wait3A_154 : memref<200x128xf32, #tpu.memory_space<hbm>>) dst(%dma_wait3A_152 : memref<200x128xf32, #tpu.memory_space<vmem_shared>>)
        tpu.yield
      }) : () -> ()
    } else {
    }
    "tpu.region"() ({
      %run_scoped3A = tpu.sem_alloc : memref<!tpu.dma_semaphore, #tpu.memory_space<semaphore_mem>>
      %dma_start3A_145 = arith.constant 0 : i32
      %dma_start3A_146 = arith.constant 0 : i32
      %dma_start3A_147 = tpu.memref_slice %arg2[%add3A, %dma_start3A_145, %dma_start3A_146] : memref<32x125x80xi32, #tpu.memory_space<hbm>> -> memref<1x125x80xi32, #tpu.memory_space<hbm>>
      %dma_start3A_148 = tpu.memref_squeeze %dma_start3A_147 : memref<1x125x80xi32, #tpu.memory_space<hbm>> -> memref<125x80xi32, #tpu.memory_space<hbm>>
      %dma_start3A_149 = arith.constant 0 : i32
      %dma_start3A_150 = arith.constant 0 : i32
      %dma_start3A_151 = tpu.memref_slice %arg2[%add3A, %dma_start3A_149, %dma_start3A_150] : memref<32x125x80xi32, #tpu.memory_space<hbm>> -> memref<1x125x80xi32, #tpu.memory_space<hbm>>
      %dma_start3A_152 = tpu.memref_squeeze %dma_start3A_151 : memref<1x125x80xi32, #tpu.memory_space<hbm>> -> memref<125x80xi32, #tpu.memory_space<hbm>>
      tpu.enqueue_dma source(%dma_start3A_152 : memref<125x80xi32, #tpu.memory_space<hbm>>) target(%arg6 : memref<125x80xi32, #tpu.memory_space<vmem>>) target_semaphore(%run_scoped3A : memref<!tpu.dma_semaphore, #tpu.memory_space<semaphore_mem>>)
      %dma_wait3A_153 = arith.constant 0 : i32
      %dma_wait3A_154 = arith.constant 0 : i32
      %dma_wait3A_155 = tpu.memref_slice %arg2[%add3A, %dma_wait3A_153, %dma_wait3A_154] : memref<32x125x80xi32, #tpu.memory_space<hbm>> -> memref<1x125x80xi32, #tpu.memory_space<hbm>>
      %dma_wait3A_156 = tpu.memref_squeeze %dma_wait3A_155 : memref<1x125x80xi32, #tpu.memory_space<hbm>> -> memref<125x80xi32, #tpu.memory_space<hbm>>
      %dma_wait3A_157 = arith.constant 0 : i32
      %dma_wait3A_158 = arith.constant 0 : i32
      %dma_wait3A_159 = tpu.memref_slice %arg2[%add3A, %dma_wait3A_157, %dma_wait3A_158] : memref<32x125x80xi32, #tpu.memory_space<hbm>> -> memref<1x125x80xi32, #tpu.memory_space<hbm>>
      %dma_wait3A_160 = tpu.memref_squeeze %dma_wait3A_159 : memref<1x125x80xi32, #tpu.memory_space<hbm>> -> memref<125x80xi32, #tpu.memory_space<hbm>>
      tpu.wait_dma2 semaphore(%run_scoped3A : memref<!tpu.dma_semaphore, #tpu.memory_space<semaphore_mem>>) src(%dma_wait3A_160 : memref<125x80xi32, #tpu.memory_space<hbm>>) dst(%arg6 : memref<125x80xi32, #tpu.memory_space<vmem>>)
      tpu.yield
    }) : () -> ()
    %barrier3A = arith.constant 0 : index
    tpu.barrier barrier_id(%barrier3A)
    %dma_start3A = arith.constant 0 : i32
    %dma_start3A_26 = arith.constant 0 : i32
    %dma_start3A_27 = arith.constant 0 : i32
    %dma_start3A_28 = tpu.memref_slice %arg3[%add3A, %dma_start3A, %dma_start3A_26, %dma_start3A_27] : memref<32x125x1x80xi32, #tpu.memory_space<hbm>> -> memref<1x1x1x80xi32, #tpu.memory_space<hbm>>
    %dma_start3A_29 = tpu.memref_squeeze %dma_start3A_28 : memref<1x1x1x80xi32, #tpu.memory_space<hbm>> -> memref<80xi32, #tpu.memory_space<hbm>>
    %dma_start3A_30 = arith.constant 0 : i32
    %dma_start3A_31 = tpu.memref_slice %arg3[%add3A, %dma_start3A, %dma_start3A_26, %dma_start3A_30] : memref<32x125x1x80xi32, #tpu.memory_space<hbm>> -> memref<1x1x1x80xi32, #tpu.memory_space<hbm>>
    %dma_start3A_32 = tpu.memref_squeeze %dma_start3A_31 : memref<1x1x1x80xi32, #tpu.memory_space<hbm>> -> memref<80xi32, #tpu.memory_space<hbm>>
    tpu.enqueue_dma source(%dma_start3A_32 : memref<80xi32, #tpu.memory_space<hbm>>) target(%arg7 : memref<80xi32, #tpu.memory_space<vmem>>) target_semaphore(%arg14 : memref<!tpu.dma_semaphore, #tpu.memory_space<semaphore_mem>>)
    %dma_start3A_33 = arith.constant 0 : i32
    %dma_start3A_34 = arith.constant 0 : i32
    %dma_start3A_35 = tpu.memref_slice %arg6[%dma_start3A_33, %dma_start3A_34] : memref<125x80xi32, #tpu.memory_space<vmem>> -> memref<1x80xi32, #tpu.memory_space<vmem>>
    %dma_start3A_36 = tpu.memref_squeeze %dma_start3A_35 : memref<1x80xi32, #tpu.memory_space<vmem>> -> memref<80xi32, #tpu.memory_space<vmem>>
    %dma_start3A_37 = arith.constant 0 : i32
    %dma_start3A_38 = arith.constant 0 : i32
    %dma_start3A_39 = tpu.memref_slice %arg4[%dma_start3A_37, %dma_start3A_38] : memref<10000x128xf32, #tpu.memory_space<hbm>> -> memref<10000x128xf32, #tpu.memory_space<hbm>>
    tpu.enqueue_indirect_dma source(%dma_start3A_39 : memref<10000x128xf32, #tpu.memory_space<hbm>>) target(%arg10 : memref<80x128xf32, #tpu.memory_space<vmem>>) offsets(%dma_start3A_36 : memref<80xi32, #tpu.memory_space<vmem>>) semaphore(%arg17 : memref<!tpu.dma_semaphore, #tpu.memory_space<semaphore_mem>>)
    %dma_start3A_40 = arith.constant 1 : i32
    %dma_start3A_41 = arith.constant 0 : i32
    %dma_start3A_42 = arith.constant 0 : i32
    %dma_start3A_43 = tpu.memref_slice %arg3[%add3A, %dma_start3A_40, %dma_start3A_41, %dma_start3A_42] : memref<32x125x1x80xi32, #tpu.memory_space<hbm>> -> memref<1x1x1x80xi32, #tpu.memory_space<hbm>>
    %dma_start3A_44 = tpu.memref_squeeze %dma_start3A_43 : memref<1x1x1x80xi32, #tpu.memory_space<hbm>> -> memref<80xi32, #tpu.memory_space<hbm>>
    %dma_start3A_45 = arith.constant 0 : i32
    %dma_start3A_46 = tpu.memref_slice %arg3[%add3A, %dma_start3A_40, %dma_start3A_41, %dma_start3A_45] : memref<32x125x1x80xi32, #tpu.memory_space<hbm>> -> memref<1x1x1x80xi32, #tpu.memory_space<hbm>>
    %dma_start3A_47 = tpu.memref_squeeze %dma_start3A_46 : memref<1x1x1x80xi32, #tpu.memory_space<hbm>> -> memref<80xi32, #tpu.memory_space<hbm>>
    tpu.enqueue_dma source(%dma_start3A_47 : memref<80xi32, #tpu.memory_space<hbm>>) target(%arg8 : memref<80xi32, #tpu.memory_space<vmem>>) target_semaphore(%arg15 : memref<!tpu.dma_semaphore, #tpu.memory_space<semaphore_mem>>)
    %dma_start3A_48 = arith.constant 1 : i32
    %dma_start3A_49 = arith.constant 0 : i32
    %dma_start3A_50 = tpu.memref_slice %arg6[%dma_start3A_48, %dma_start3A_49] : memref<125x80xi32, #tpu.memory_space<vmem>> -> memref<1x80xi32, #tpu.memory_space<vmem>>
    %dma_start3A_51 = tpu.memref_squeeze %dma_start3A_50 : memref<1x80xi32, #tpu.memory_space<vmem>> -> memref<80xi32, #tpu.memory_space<vmem>>
    %dma_start3A_52 = arith.constant 0 : i32
    %dma_start3A_53 = arith.constant 0 : i32
    %dma_start3A_54 = tpu.memref_slice %arg4[%dma_start3A_52, %dma_start3A_53] : memref<10000x128xf32, #tpu.memory_space<hbm>> -> memref<10000x128xf32, #tpu.memory_space<hbm>>
    tpu.enqueue_indirect_dma source(%dma_start3A_54 : memref<10000x128xf32, #tpu.memory_space<hbm>>) target(%arg11 : memref<80x128xf32, #tpu.memory_space<vmem>>) offsets(%dma_start3A_51 : memref<80xi32, #tpu.memory_space<vmem>>) semaphore(%arg18 : memref<!tpu.dma_semaphore, #tpu.memory_space<semaphore_mem>>)
    %dma_start3A_55 = arith.constant 2 : i32
    %dma_start3A_56 = arith.constant 0 : i32
    %dma_start3A_57 = arith.constant 0 : i32
    %dma_start3A_58 = tpu.memref_slice %arg3[%add3A, %dma_start3A_55, %dma_start3A_56, %dma_start3A_57] : memref<32x125x1x80xi32, #tpu.memory_space<hbm>> -> memref<1x1x1x80xi32, #tpu.memory_space<hbm>>
    %dma_start3A_59 = tpu.memref_squeeze %dma_start3A_58 : memref<1x1x1x80xi32, #tpu.memory_space<hbm>> -> memref<80xi32, #tpu.memory_space<hbm>>
    %dma_start3A_60 = arith.constant 0 : i32
    %dma_start3A_61 = tpu.memref_slice %arg3[%add3A, %dma_start3A_55, %dma_start3A_56, %dma_start3A_60] : memref<32x125x1x80xi32, #tpu.memory_space<hbm>> -> memref<1x1x1x80xi32, #tpu.memory_space<hbm>>
    %dma_start3A_62 = tpu.memref_squeeze %dma_start3A_61 : memref<1x1x1x80xi32, #tpu.memory_space<hbm>> -> memref<80xi32, #tpu.memory_space<hbm>>
    tpu.enqueue_dma source(%dma_start3A_62 : memref<80xi32, #tpu.memory_space<hbm>>) target(%arg9 : memref<80xi32, #tpu.memory_space<vmem>>) target_semaphore(%arg16 : memref<!tpu.dma_semaphore, #tpu.memory_space<semaphore_mem>>)
    %dma_start3A_63 = arith.constant 2 : i32
    %dma_start3A_64 = arith.constant 0 : i32
    %dma_start3A_65 = tpu.memref_slice %arg6[%dma_start3A_63, %dma_start3A_64] : memref<125x80xi32, #tpu.memory_space<vmem>> -> memref<1x80xi32, #tpu.memory_space<vmem>>
    %dma_start3A_66 = tpu.memref_squeeze %dma_start3A_65 : memref<1x80xi32, #tpu.memory_space<vmem>> -> memref<80xi32, #tpu.memory_space<vmem>>
    %dma_start3A_67 = arith.constant 0 : i32
    %dma_start3A_68 = arith.constant 0 : i32
    %dma_start3A_69 = tpu.memref_slice %arg4[%dma_start3A_67, %dma_start3A_68] : memref<10000x128xf32, #tpu.memory_space<hbm>> -> memref<10000x128xf32, #tpu.memory_space<hbm>>
    tpu.enqueue_indirect_dma source(%dma_start3A_69 : memref<10000x128xf32, #tpu.memory_space<hbm>>) target(%arg12 : memref<80x128xf32, #tpu.memory_space<vmem>>) offsets(%dma_start3A_66 : memref<80xi32, #tpu.memory_space<vmem>>) semaphore(%arg19 : memref<!tpu.dma_semaphore, #tpu.memory_space<semaphore_mem>>)
    %dma_wait3A = arith.constant 0 : i32
    %dma_wait3A_70 = arith.constant 0 : i32
    %dma_wait3A_71 = arith.constant 0 : i32
    %dma_wait3A_72 = tpu.memref_slice %arg3[%add3A, %dma_wait3A, %dma_wait3A_70, %dma_wait3A_71] : memref<32x125x1x80xi32, #tpu.memory_space<hbm>> -> memref<1x1x1x80xi32, #tpu.memory_space<hbm>>
    %dma_wait3A_73 = tpu.memref_squeeze %dma_wait3A_72 : memref<1x1x1x80xi32, #tpu.memory_space<hbm>> -> memref<80xi32, #tpu.memory_space<hbm>>
    %dma_wait3A_74 = arith.constant 0 : i32
    %dma_wait3A_75 = tpu.memref_slice %arg3[%add3A, %dma_wait3A, %dma_wait3A_70, %dma_wait3A_74] : memref<32x125x1x80xi32, #tpu.memory_space<hbm>> -> memref<1x1x1x80xi32, #tpu.memory_space<hbm>>
    %dma_wait3A_76 = tpu.memref_squeeze %dma_wait3A_75 : memref<1x1x1x80xi32, #tpu.memory_space<hbm>> -> memref<80xi32, #tpu.memory_space<hbm>>
    tpu.wait_dma2 semaphore(%arg14 : memref<!tpu.dma_semaphore, #tpu.memory_space<semaphore_mem>>) src(%dma_wait3A_76 : memref<80xi32, #tpu.memory_space<hbm>>) dst(%arg7 : memref<80xi32, #tpu.memory_space<vmem>>)
    %dma_wait3A_77 = arith.constant 0 : i32
    %dma_wait3A_78 = arith.constant 0 : i32
    %dma_wait3A_79 = tpu.memref_slice %arg6[%dma_wait3A_77, %dma_wait3A_78] : memref<125x80xi32, #tpu.memory_space<vmem>> -> memref<1x80xi32, #tpu.memory_space<vmem>>
    %dma_wait3A_80 = tpu.memref_squeeze %dma_wait3A_79 : memref<1x80xi32, #tpu.memory_space<vmem>> -> memref<80xi32, #tpu.memory_space<vmem>>
    %dma_wait3A_81 = arith.constant 0 : i32
    %dma_wait3A_82 = arith.constant 0 : i32
    %dma_wait3A_83 = tpu.memref_slice %arg4[%dma_wait3A_81, %dma_wait3A_82] : memref<10000x128xf32, #tpu.memory_space<hbm>> -> memref<10000x128xf32, #tpu.memory_space<hbm>>
    tpu.wait_indirect_dma semaphore(%arg17 : memref<!tpu.dma_semaphore, #tpu.memory_space<semaphore_mem>>) src(%dma_wait3A_83 : memref<10000x128xf32, #tpu.memory_space<hbm>>) dst(%arg10 : memref<80x128xf32, #tpu.memory_space<vmem>>)
    %dma_start3A_84 = arith.constant 0 : i32
    %dma_start3A_85 = arith.constant 0 : i32
    %dma_start3A_86 = tpu.memref_slice %arg13[%dma_start3A_84, %dma_start3A_85] : memref<10000x128xf32, #tpu.memory_space<vmem_shared>> -> memref<10000x128xf32, #tpu.memory_space<vmem_shared>>
    tpu.enqueue_indirect_dma source(%arg10 : memref<80x128xf32, #tpu.memory_space<vmem>>) target(%dma_start3A_86 : memref<10000x128xf32, #tpu.memory_space<vmem_shared>>) offsets(%arg7 : memref<80xi32, #tpu.memory_space<vmem>>) semaphore(%arg20 : memref<!tpu.dma_semaphore, #tpu.memory_space<semaphore_mem>>) {add = true}
    %scan3A = arith.constant 0 : i32
    %scan3A_87 = arith.constant 0 : i32
    %scan3A_88 = arith.constant 41 : i32
    %scan3A_89 = arith.addi %scan3A_87, %scan3A_88 : i32
    %scan3A_90 = arith.constant 1 : i32
    scf.for %scan3A_145 = %scan3A_87 to %scan3A_89 step %scan3A_90  : i32 {
      %mul3A_146 = arith.constant 3 : i32
      %mul3A_147 = arith.muli %mul3A_146, %scan3A_145 : i32
      %add3A_148 = arith.constant 1 : i32
      %add3A_149 = arith.addi %mul3A_147, %add3A_148 : i32
      %ge3A = arith.constant 1 : i32
      %ge3A_150 = arith.cmpi sge, %add3A_149, %ge3A : i32
      %convert_element_type3A_151 = arith.extui %ge3A_150 : i1 to i32
      %cond3A_152 = arith.constant 0 : i32
      %cond3A_153 = arith.cmpi ne, %convert_element_type3A_151, %cond3A_152 : i32
      scf.if %cond3A_153 {
        %dma_wait3A_237 = arith.constant 0 : i32
        %dma_wait3A_238 = arith.constant 0 : i32
        %dma_wait3A_239 = tpu.memref_slice %arg13[%dma_wait3A_237, %dma_wait3A_238] : memref<10000x128xf32, #tpu.memory_space<vmem_shared>> -> memref<10000x128xf32, #tpu.memory_space<vmem_shared>>
        tpu.wait_indirect_dma semaphore(%arg20 : memref<!tpu.dma_semaphore, #tpu.memory_space<semaphore_mem>>) src(%arg10 : memref<80x128xf32, #tpu.memory_space<vmem>>) dst(%dma_wait3A_239 : memref<10000x128xf32, #tpu.memory_space<vmem_shared>>)
      } else {
      }
      %add3A_154 = arith.constant 2 : i32
      %add3A_155 = arith.addi %add3A_149, %add3A_154 : i32
      %lt3A_156 = arith.constant 125 : i32
      %lt3A_157 = arith.cmpi slt, %add3A_155, %lt3A_156 : i32
      %convert_element_type3A_158 = arith.extui %lt3A_157 : i1 to i32
      %cond3A_159 = arith.constant 0 : i32
      %cond3A_160 = arith.cmpi ne, %convert_element_type3A_158, %cond3A_159 : i32
      scf.if %cond3A_160 {
        %add3A_237 = arith.constant 2 : i32
        %add3A_238 = arith.addi %add3A_149, %add3A_237 : i32
        %dma_start3A_239 = arith.constant 0 : i32
        %dma_start3A_240 = arith.constant 0 : i32
        %dma_start3A_241 = tpu.memref_slice %arg3[%add3A, %add3A_238, %dma_start3A_239, %dma_start3A_240] : memref<32x125x1x80xi32, #tpu.memory_space<hbm>> -> memref<1x1x1x80xi32, #tpu.memory_space<hbm>>
        %dma_start3A_242 = tpu.memref_squeeze %dma_start3A_241 : memref<1x1x1x80xi32, #tpu.memory_space<hbm>> -> memref<80xi32, #tpu.memory_space<hbm>>
        %dma_start3A_243 = arith.constant 0 : i32
        %dma_start3A_244 = tpu.memref_slice %arg3[%add3A, %add3A_238, %dma_start3A_239, %dma_start3A_243] : memref<32x125x1x80xi32, #tpu.memory_space<hbm>> -> memref<1x1x1x80xi32, #tpu.memory_space<hbm>>
        %dma_start3A_245 = tpu.memref_squeeze %dma_start3A_244 : memref<1x1x1x80xi32, #tpu.memory_space<hbm>> -> memref<80xi32, #tpu.memory_space<hbm>>
        tpu.enqueue_dma source(%dma_start3A_245 : memref<80xi32, #tpu.memory_space<hbm>>) target(%arg7 : memref<80xi32, #tpu.memory_space<vmem>>) target_semaphore(%arg14 : memref<!tpu.dma_semaphore, #tpu.memory_space<semaphore_mem>>)
        %dma_start3A_246 = arith.constant 0 : i32
        %dma_start3A_247 = tpu.memref_slice %arg6[%add3A_238, %dma_start3A_246] : memref<125x80xi32, #tpu.memory_space<vmem>> -> memref<1x80xi32, #tpu.memory_space<vmem>>
        %dma_start3A_248 = tpu.memref_squeeze %dma_start3A_247 : memref<1x80xi32, #tpu.memory_space<vmem>> -> memref<80xi32, #tpu.memory_space<vmem>>
        %dma_start3A_249 = arith.constant 0 : i32
        %dma_start3A_250 = arith.constant 0 : i32
        %dma_start3A_251 = tpu.memref_slice %arg4[%dma_start3A_249, %dma_start3A_250] : memref<10000x128xf32, #tpu.memory_space<hbm>> -> memref<10000x128xf32, #tpu.memory_space<hbm>>
        tpu.enqueue_indirect_dma source(%dma_start3A_251 : memref<10000x128xf32, #tpu.memory_space<hbm>>) target(%arg10 : memref<80x128xf32, #tpu.memory_space<vmem>>) offsets(%dma_start3A_248 : memref<80xi32, #tpu.memory_space<vmem>>) semaphore(%arg17 : memref<!tpu.dma_semaphore, #tpu.memory_space<semaphore_mem>>)
      } else {
      }
      %dma_wait3A_161 = arith.constant 0 : i32
      %dma_wait3A_162 = arith.constant 0 : i32
      %dma_wait3A_163 = tpu.memref_slice %arg3[%add3A, %add3A_149, %dma_wait3A_161, %dma_wait3A_162] : memref<32x125x1x80xi32, #tpu.memory_space<hbm>> -> memref<1x1x1x80xi32, #tpu.memory_space<hbm>>
      %dma_wait3A_164 = tpu.memref_squeeze %dma_wait3A_163 : memref<1x1x1x80xi32, #tpu.memory_space<hbm>> -> memref<80xi32, #tpu.memory_space<hbm>>
      %dma_wait3A_165 = arith.constant 0 : i32
      %dma_wait3A_166 = tpu.memref_slice %arg3[%add3A, %add3A_149, %dma_wait3A_161, %dma_wait3A_165] : memref<32x125x1x80xi32, #tpu.memory_space<hbm>> -> memref<1x1x1x80xi32, #tpu.memory_space<hbm>>
      %dma_wait3A_167 = tpu.memref_squeeze %dma_wait3A_166 : memref<1x1x1x80xi32, #tpu.memory_space<hbm>> -> memref<80xi32, #tpu.memory_space<hbm>>
      tpu.wait_dma2 semaphore(%arg15 : memref<!tpu.dma_semaphore, #tpu.memory_space<semaphore_mem>>) src(%dma_wait3A_167 : memref<80xi32, #tpu.memory_space<hbm>>) dst(%arg8 : memref<80xi32, #tpu.memory_space<vmem>>)
      %dma_wait3A_168 = arith.constant 0 : i32
      %dma_wait3A_169 = tpu.memref_slice %arg6[%add3A_149, %dma_wait3A_168] : memref<125x80xi32, #tpu.memory_space<vmem>> -> memref<1x80xi32, #tpu.memory_space<vmem>>
      %dma_wait3A_170 = tpu.memref_squeeze %dma_wait3A_169 : memref<1x80xi32, #tpu.memory_space<vmem>> -> memref<80xi32, #tpu.memory_space<vmem>>
      %dma_wait3A_171 = arith.constant 0 : i32
      %dma_wait3A_172 = arith.constant 0 : i32
      %dma_wait3A_173 = tpu.memref_slice %arg4[%dma_wait3A_171, %dma_wait3A_172] : memref<10000x128xf32, #tpu.memory_space<hbm>> -> memref<10000x128xf32, #tpu.memory_space<hbm>>
      tpu.wait_indirect_dma semaphore(%arg18 : memref<!tpu.dma_semaphore, #tpu.memory_space<semaphore_mem>>) src(%dma_wait3A_173 : memref<10000x128xf32, #tpu.memory_space<hbm>>) dst(%arg11 : memref<80x128xf32, #tpu.memory_space<vmem>>)
      %dma_start3A_174 = arith.constant 0 : i32
      %dma_start3A_175 = arith.constant 0 : i32
      %dma_start3A_176 = tpu.memref_slice %arg13[%dma_start3A_174, %dma_start3A_175] : memref<10000x128xf32, #tpu.memory_space<vmem_shared>> -> memref<10000x128xf32, #tpu.memory_space<vmem_shared>>
      tpu.enqueue_indirect_dma source(%arg11 : memref<80x128xf32, #tpu.memory_space<vmem>>) target(%dma_start3A_176 : memref<10000x128xf32, #tpu.memory_space<vmem_shared>>) offsets(%arg8 : memref<80xi32, #tpu.memory_space<vmem>>) semaphore(%arg21 : memref<!tpu.dma_semaphore, #tpu.memory_space<semaphore_mem>>) {add = true}
      %add3A_177 = arith.constant 1 : i32
      %add3A_178 = arith.addi %add3A_149, %add3A_177 : i32
      %ge3A_179 = arith.constant 1 : i32
      %ge3A_180 = arith.cmpi sge, %add3A_178, %ge3A_179 : i32
      %convert_element_type3A_181 = arith.extui %ge3A_180 : i1 to i32
      %cond3A_182 = arith.constant 0 : i32
      %cond3A_183 = arith.cmpi ne, %convert_element_type3A_181, %cond3A_182 : i32
      scf.if %cond3A_183 {
        %dma_wait3A_237 = arith.constant 0 : i32
        %dma_wait3A_238 = arith.constant 0 : i32
        %dma_wait3A_239 = tpu.memref_slice %arg13[%dma_wait3A_237, %dma_wait3A_238] : memref<10000x128xf32, #tpu.memory_space<vmem_shared>> -> memref<10000x128xf32, #tpu.memory_space<vmem_shared>>
        tpu.wait_indirect_dma semaphore(%arg21 : memref<!tpu.dma_semaphore, #tpu.memory_space<semaphore_mem>>) src(%arg11 : memref<80x128xf32, #tpu.memory_space<vmem>>) dst(%dma_wait3A_239 : memref<10000x128xf32, #tpu.memory_space<vmem_shared>>)
      } else {
      }
      %add3A_184 = arith.constant 2 : i32
      %add3A_185 = arith.addi %add3A_178, %add3A_184 : i32
      %lt3A_186 = arith.constant 125 : i32
      %lt3A_187 = arith.cmpi slt, %add3A_185, %lt3A_186 : i32
      %convert_element_type3A_188 = arith.extui %lt3A_187 : i1 to i32
      %cond3A_189 = arith.constant 0 : i32
      %cond3A_190 = arith.cmpi ne, %convert_element_type3A_188, %cond3A_189 : i32
      scf.if %cond3A_190 {
        %add3A_237 = arith.constant 2 : i32
        %add3A_238 = arith.addi %add3A_178, %add3A_237 : i32
        %dma_start3A_239 = arith.constant 0 : i32
        %dma_start3A_240 = arith.constant 0 : i32
        %dma_start3A_241 = tpu.memref_slice %arg3[%add3A, %add3A_238, %dma_start3A_239, %dma_start3A_240] : memref<32x125x1x80xi32, #tpu.memory_space<hbm>> -> memref<1x1x1x80xi32, #tpu.memory_space<hbm>>
        %dma_start3A_242 = tpu.memref_squeeze %dma_start3A_241 : memref<1x1x1x80xi32, #tpu.memory_space<hbm>> -> memref<80xi32, #tpu.memory_space<hbm>>
        %dma_start3A_243 = arith.constant 0 : i32
        %dma_start3A_244 = tpu.memref_slice %arg3[%add3A, %add3A_238, %dma_start3A_239, %dma_start3A_243] : memref<32x125x1x80xi32, #tpu.memory_space<hbm>> -> memref<1x1x1x80xi32, #tpu.memory_space<hbm>>
        %dma_start3A_245 = tpu.memref_squeeze %dma_start3A_244 : memref<1x1x1x80xi32, #tpu.memory_space<hbm>> -> memref<80xi32, #tpu.memory_space<hbm>>
        tpu.enqueue_dma source(%dma_start3A_245 : memref<80xi32, #tpu.memory_space<hbm>>) target(%arg8 : memref<80xi32, #tpu.memory_space<vmem>>) target_semaphore(%arg15 : memref<!tpu.dma_semaphore, #tpu.memory_space<semaphore_mem>>)
        %dma_start3A_246 = arith.constant 0 : i32
        %dma_start3A_247 = tpu.memref_slice %arg6[%add3A_238, %dma_start3A_246] : memref<125x80xi32, #tpu.memory_space<vmem>> -> memref<1x80xi32, #tpu.memory_space<vmem>>
        %dma_start3A_248 = tpu.memref_squeeze %dma_start3A_247 : memref<1x80xi32, #tpu.memory_space<vmem>> -> memref<80xi32, #tpu.memory_space<vmem>>
        %dma_start3A_249 = arith.constant 0 : i32
        %dma_start3A_250 = arith.constant 0 : i32
        %dma_start3A_251 = tpu.memref_slice %arg4[%dma_start3A_249, %dma_start3A_250] : memref<10000x128xf32, #tpu.memory_space<hbm>> -> memref<10000x128xf32, #tpu.memory_space<hbm>>
        tpu.enqueue_indirect_dma source(%dma_start3A_251 : memref<10000x128xf32, #tpu.memory_space<hbm>>) target(%arg11 : memref<80x128xf32, #tpu.memory_space<vmem>>) offsets(%dma_start3A_248 : memref<80xi32, #tpu.memory_space<vmem>>) semaphore(%arg18 : memref<!tpu.dma_semaphore, #tpu.memory_space<semaphore_mem>>)
      } else {
      }
      %dma_wait3A_191 = arith.constant 0 : i32
      %dma_wait3A_192 = arith.constant 0 : i32
      %dma_wait3A_193 = tpu.memref_slice %arg3[%add3A, %add3A_178, %dma_wait3A_191, %dma_wait3A_192] : memref<32x125x1x80xi32, #tpu.memory_space<hbm>> -> memref<1x1x1x80xi32, #tpu.memory_space<hbm>>
      %dma_wait3A_194 = tpu.memref_squeeze %dma_wait3A_193 : memref<1x1x1x80xi32, #tpu.memory_space<hbm>> -> memref<80xi32, #tpu.memory_space<hbm>>
      %dma_wait3A_195 = arith.constant 0 : i32
      %dma_wait3A_196 = tpu.memref_slice %arg3[%add3A, %add3A_178, %dma_wait3A_191, %dma_wait3A_195] : memref<32x125x1x80xi32, #tpu.memory_space<hbm>> -> memref<1x1x1x80xi32, #tpu.memory_space<hbm>>
      %dma_wait3A_197 = tpu.memref_squeeze %dma_wait3A_196 : memref<1x1x1x80xi32, #tpu.memory_space<hbm>> -> memref<80xi32, #tpu.memory_space<hbm>>
      tpu.wait_dma2 semaphore(%arg16 : memref<!tpu.dma_semaphore, #tpu.memory_space<semaphore_mem>>) src(%dma_wait3A_197 : memref<80xi32, #tpu.memory_space<hbm>>) dst(%arg9 : memref<80xi32, #tpu.memory_space<vmem>>)
      %dma_wait3A_198 = arith.constant 0 : i32
      %dma_wait3A_199 = tpu.memref_slice %arg6[%add3A_178, %dma_wait3A_198] : memref<125x80xi32, #tpu.memory_space<vmem>> -> memref<1x80xi32, #tpu.memory_space<vmem>>
      %dma_wait3A_200 = tpu.memref_squeeze %dma_wait3A_199 : memref<1x80xi32, #tpu.memory_space<vmem>> -> memref<80xi32, #tpu.memory_space<vmem>>
      %dma_wait3A_201 = arith.constant 0 : i32
      %dma_wait3A_202 = arith.constant 0 : i32
      %dma_wait3A_203 = tpu.memref_slice %arg4[%dma_wait3A_201, %dma_wait3A_202] : memref<10000x128xf32, #tpu.memory_space<hbm>> -> memref<10000x128xf32, #tpu.memory_space<hbm>>
      tpu.wait_indirect_dma semaphore(%arg19 : memref<!tpu.dma_semaphore, #tpu.memory_space<semaphore_mem>>) src(%dma_wait3A_203 : memref<10000x128xf32, #tpu.memory_space<hbm>>) dst(%arg12 : memref<80x128xf32, #tpu.memory_space<vmem>>)
      %dma_start3A_204 = arith.constant 0 : i32
      %dma_start3A_205 = arith.constant 0 : i32
      %dma_start3A_206 = tpu.memref_slice %arg13[%dma_start3A_204, %dma_start3A_205] : memref<10000x128xf32, #tpu.memory_space<vmem_shared>> -> memref<10000x128xf32, #tpu.memory_space<vmem_shared>>
      tpu.enqueue_indirect_dma source(%arg12 : memref<80x128xf32, #tpu.memory_space<vmem>>) target(%dma_start3A_206 : memref<10000x128xf32, #tpu.memory_space<vmem_shared>>) offsets(%arg9 : memref<80xi32, #tpu.memory_space<vmem>>) semaphore(%arg22 : memref<!tpu.dma_semaphore, #tpu.memory_space<semaphore_mem>>) {add = true}
      %add3A_207 = arith.constant 2 : i32
      %add3A_208 = arith.addi %add3A_149, %add3A_207 : i32
      %ge3A_209 = arith.constant 1 : i32
      %ge3A_210 = arith.cmpi sge, %add3A_208, %ge3A_209 : i32
      %convert_element_type3A_211 = arith.extui %ge3A_210 : i1 to i32
      %cond3A_212 = arith.constant 0 : i32
      %cond3A_213 = arith.cmpi ne, %convert_element_type3A_211, %cond3A_212 : i32
      scf.if %cond3A_213 {
        %dma_wait3A_237 = arith.constant 0 : i32
        %dma_wait3A_238 = arith.constant 0 : i32
        %dma_wait3A_239 = tpu.memref_slice %arg13[%dma_wait3A_237, %dma_wait3A_238] : memref<10000x128xf32, #tpu.memory_space<vmem_shared>> -> memref<10000x128xf32, #tpu.memory_space<vmem_shared>>
        tpu.wait_indirect_dma semaphore(%arg22 : memref<!tpu.dma_semaphore, #tpu.memory_space<semaphore_mem>>) src(%arg12 : memref<80x128xf32, #tpu.memory_space<vmem>>) dst(%dma_wait3A_239 : memref<10000x128xf32, #tpu.memory_space<vmem_shared>>)
      } else {
      }
      %add3A_214 = arith.constant 2 : i32
      %add3A_215 = arith.addi %add3A_208, %add3A_214 : i32
      %lt3A_216 = arith.constant 125 : i32
      %lt3A_217 = arith.cmpi slt, %add3A_215, %lt3A_216 : i32
      %convert_element_type3A_218 = arith.extui %lt3A_217 : i1 to i32
      %cond3A_219 = arith.constant 0 : i32
      %cond3A_220 = arith.cmpi ne, %convert_element_type3A_218, %cond3A_219 : i32
      scf.if %cond3A_220 {
        %add3A_237 = arith.constant 2 : i32
        %add3A_238 = arith.addi %add3A_208, %add3A_237 : i32
        %dma_start3A_239 = arith.constant 0 : i32
        %dma_start3A_240 = arith.constant 0 : i32
        %dma_start3A_241 = tpu.memref_slice %arg3[%add3A, %add3A_238, %dma_start3A_239, %dma_start3A_240] : memref<32x125x1x80xi32, #tpu.memory_space<hbm>> -> memref<1x1x1x80xi32, #tpu.memory_space<hbm>>
        %dma_start3A_242 = tpu.memref_squeeze %dma_start3A_241 : memref<1x1x1x80xi32, #tpu.memory_space<hbm>> -> memref<80xi32, #tpu.memory_space<hbm>>
        %dma_start3A_243 = arith.constant 0 : i32
        %dma_start3A_244 = tpu.memref_slice %arg3[%add3A, %add3A_238, %dma_start3A_239, %dma_start3A_243] : memref<32x125x1x80xi32, #tpu.memory_space<hbm>> -> memref<1x1x1x80xi32, #tpu.memory_space<hbm>>
        %dma_start3A_245 = tpu.memref_squeeze %dma_start3A_244 : memref<1x1x1x80xi32, #tpu.memory_space<hbm>> -> memref<80xi32, #tpu.memory_space<hbm>>
        tpu.enqueue_dma source(%dma_start3A_245 : memref<80xi32, #tpu.memory_space<hbm>>) target(%arg9 : memref<80xi32, #tpu.memory_space<vmem>>) target_semaphore(%arg16 : memref<!tpu.dma_semaphore, #tpu.memory_space<semaphore_mem>>)
        %dma_start3A_246 = arith.constant 0 : i32
        %dma_start3A_247 = tpu.memref_slice %arg6[%add3A_238, %dma_start3A_246] : memref<125x80xi32, #tpu.memory_space<vmem>> -> memref<1x80xi32, #tpu.memory_space<vmem>>
        %dma_start3A_248 = tpu.memref_squeeze %dma_start3A_247 : memref<1x80xi32, #tpu.memory_space<vmem>> -> memref<80xi32, #tpu.memory_space<vmem>>
        %dma_start3A_249 = arith.constant 0 : i32
        %dma_start3A_250 = arith.constant 0 : i32
        %dma_start3A_251 = tpu.memref_slice %arg4[%dma_start3A_249, %dma_start3A_250] : memref<10000x128xf32, #tpu.memory_space<hbm>> -> memref<10000x128xf32, #tpu.memory_space<hbm>>
        tpu.enqueue_indirect_dma source(%dma_start3A_251 : memref<10000x128xf32, #tpu.memory_space<hbm>>) target(%arg12 : memref<80x128xf32, #tpu.memory_space<vmem>>) offsets(%dma_start3A_248 : memref<80xi32, #tpu.memory_space<vmem>>) semaphore(%arg19 : memref<!tpu.dma_semaphore, #tpu.memory_space<semaphore_mem>>)
      } else {
      }
      %dma_wait3A_221 = arith.constant 0 : i32
      %dma_wait3A_222 = arith.constant 0 : i32
      %dma_wait3A_223 = tpu.memref_slice %arg3[%add3A, %add3A_208, %dma_wait3A_221, %dma_wait3A_222] : memref<32x125x1x80xi32, #tpu.memory_space<hbm>> -> memref<1x1x1x80xi32, #tpu.memory_space<hbm>>
      %dma_wait3A_224 = tpu.memref_squeeze %dma_wait3A_223 : memref<1x1x1x80xi32, #tpu.memory_space<hbm>> -> memref<80xi32, #tpu.memory_space<hbm>>
      %dma_wait3A_225 = arith.constant 0 : i32
      %dma_wait3A_226 = tpu.memref_slice %arg3[%add3A, %add3A_208, %dma_wait3A_221, %dma_wait3A_225] : memref<32x125x1x80xi32, #tpu.memory_space<hbm>> -> memref<1x1x1x80xi32, #tpu.memory_space<hbm>>
      %dma_wait3A_227 = tpu.memref_squeeze %dma_wait3A_226 : memref<1x1x1x80xi32, #tpu.memory_space<hbm>> -> memref<80xi32, #tpu.memory_space<hbm>>
      tpu.wait_dma2 semaphore(%arg14 : memref<!tpu.dma_semaphore, #tpu.memory_space<semaphore_mem>>) src(%dma_wait3A_227 : memref<80xi32, #tpu.memory_space<hbm>>) dst(%arg7 : memref<80xi32, #tpu.memory_space<vmem>>)
      %dma_wait3A_228 = arith.constant 0 : i32
      %dma_wait3A_229 = tpu.memref_slice %arg6[%add3A_208, %dma_wait3A_228] : memref<125x80xi32, #tpu.memory_space<vmem>> -> memref<1x80xi32, #tpu.memory_space<vmem>>
      %dma_wait3A_230 = tpu.memref_squeeze %dma_wait3A_229 : memref<1x80xi32, #tpu.memory_space<vmem>> -> memref<80xi32, #tpu.memory_space<vmem>>
      %dma_wait3A_231 = arith.constant 0 : i32
      %dma_wait3A_232 = arith.constant 0 : i32
      %dma_wait3A_233 = tpu.memref_slice %arg4[%dma_wait3A_231, %dma_wait3A_232] : memref<10000x128xf32, #tpu.memory_space<hbm>> -> memref<10000x128xf32, #tpu.memory_space<hbm>>
      tpu.wait_indirect_dma semaphore(%arg17 : memref<!tpu.dma_semaphore, #tpu.memory_space<semaphore_mem>>) src(%dma_wait3A_233 : memref<10000x128xf32, #tpu.memory_space<hbm>>) dst(%arg10 : memref<80x128xf32, #tpu.memory_space<vmem>>)
      %dma_start3A_234 = arith.constant 0 : i32
      %dma_start3A_235 = arith.constant 0 : i32
      %dma_start3A_236 = tpu.memref_slice %arg13[%dma_start3A_234, %dma_start3A_235] : memref<10000x128xf32, #tpu.memory_space<vmem_shared>> -> memref<10000x128xf32, #tpu.memory_space<vmem_shared>>
      tpu.enqueue_indirect_dma source(%arg10 : memref<80x128xf32, #tpu.memory_space<vmem>>) target(%dma_start3A_236 : memref<10000x128xf32, #tpu.memory_space<vmem_shared>>) offsets(%arg7 : memref<80xi32, #tpu.memory_space<vmem>>) semaphore(%arg20 : memref<!tpu.dma_semaphore, #tpu.memory_space<semaphore_mem>>) {add = true}
    }
    %scan3A_91 = arith.constant 41 : i32
    %dma_wait3A_92 = arith.constant 0 : i32
    %dma_wait3A_93 = arith.constant 0 : i32
    %dma_wait3A_94 = tpu.memref_slice %arg13[%dma_wait3A_92, %dma_wait3A_93] : memref<10000x128xf32, #tpu.memory_space<vmem_shared>> -> memref<10000x128xf32, #tpu.memory_space<vmem_shared>>
    tpu.wait_indirect_dma semaphore(%arg20 : memref<!tpu.dma_semaphore, #tpu.memory_space<semaphore_mem>>) src(%arg10 : memref<80x128xf32, #tpu.memory_space<vmem>>) dst(%dma_wait3A_94 : memref<10000x128xf32, #tpu.memory_space<vmem_shared>>)
    %dma_wait3A_95 = arith.constant 124 : i32
    %dma_wait3A_96 = arith.constant 0 : i32
    %dma_wait3A_97 = arith.constant 0 : i32
    %dma_wait3A_98 = tpu.memref_slice %arg3[%add3A, %dma_wait3A_95, %dma_wait3A_96, %dma_wait3A_97] : memref<32x125x1x80xi32, #tpu.memory_space<hbm>> -> memref<1x1x1x80xi32, #tpu.memory_space<hbm>>
    %dma_wait3A_99 = tpu.memref_squeeze %dma_wait3A_98 : memref<1x1x1x80xi32, #tpu.memory_space<hbm>> -> memref<80xi32, #tpu.memory_space<hbm>>
    %dma_wait3A_100 = arith.constant 0 : i32
    %dma_wait3A_101 = tpu.memref_slice %arg3[%add3A, %dma_wait3A_95, %dma_wait3A_96, %dma_wait3A_100] : memref<32x125x1x80xi32, #tpu.memory_space<hbm>> -> memref<1x1x1x80xi32, #tpu.memory_space<hbm>>
    %dma_wait3A_102 = tpu.memref_squeeze %dma_wait3A_101 : memref<1x1x1x80xi32, #tpu.memory_space<hbm>> -> memref<80xi32, #tpu.memory_space<hbm>>
    tpu.wait_dma2 semaphore(%arg15 : memref<!tpu.dma_semaphore, #tpu.memory_space<semaphore_mem>>) src(%dma_wait3A_102 : memref<80xi32, #tpu.memory_space<hbm>>) dst(%arg8 : memref<80xi32, #tpu.memory_space<vmem>>)
    %dma_wait3A_103 = arith.constant 124 : i32
    %dma_wait3A_104 = arith.constant 0 : i32
    %dma_wait3A_105 = tpu.memref_slice %arg6[%dma_wait3A_103, %dma_wait3A_104] : memref<125x80xi32, #tpu.memory_space<vmem>> -> memref<1x80xi32, #tpu.memory_space<vmem>>
    %dma_wait3A_106 = tpu.memref_squeeze %dma_wait3A_105 : memref<1x80xi32, #tpu.memory_space<vmem>> -> memref<80xi32, #tpu.memory_space<vmem>>
    %dma_wait3A_107 = arith.constant 0 : i32
    %dma_wait3A_108 = arith.constant 0 : i32
    %dma_wait3A_109 = tpu.memref_slice %arg4[%dma_wait3A_107, %dma_wait3A_108] : memref<10000x128xf32, #tpu.memory_space<hbm>> -> memref<10000x128xf32, #tpu.memory_space<hbm>>
    tpu.wait_indirect_dma semaphore(%arg18 : memref<!tpu.dma_semaphore, #tpu.memory_space<semaphore_mem>>) src(%dma_wait3A_109 : memref<10000x128xf32, #tpu.memory_space<hbm>>) dst(%arg11 : memref<80x128xf32, #tpu.memory_space<vmem>>)
    %dma_start3A_110 = arith.constant 0 : i32
    %dma_start3A_111 = arith.constant 0 : i32
    %dma_start3A_112 = tpu.memref_slice %arg13[%dma_start3A_110, %dma_start3A_111] : memref<10000x128xf32, #tpu.memory_space<vmem_shared>> -> memref<10000x128xf32, #tpu.memory_space<vmem_shared>>
    tpu.enqueue_indirect_dma source(%arg11 : memref<80x128xf32, #tpu.memory_space<vmem>>) target(%dma_start3A_112 : memref<10000x128xf32, #tpu.memory_space<vmem_shared>>) offsets(%arg8 : memref<80xi32, #tpu.memory_space<vmem>>) semaphore(%arg21 : memref<!tpu.dma_semaphore, #tpu.memory_space<semaphore_mem>>) {add = true}
    %dma_wait3A_113 = arith.constant 0 : i32
    %dma_wait3A_114 = arith.constant 0 : i32
    %dma_wait3A_115 = tpu.memref_slice %arg13[%dma_wait3A_113, %dma_wait3A_114] : memref<10000x128xf32, #tpu.memory_space<vmem_shared>> -> memref<10000x128xf32, #tpu.memory_space<vmem_shared>>
    tpu.wait_indirect_dma semaphore(%arg21 : memref<!tpu.dma_semaphore, #tpu.memory_space<semaphore_mem>>) src(%arg11 : memref<80x128xf32, #tpu.memory_space<vmem>>) dst(%dma_wait3A_115 : memref<10000x128xf32, #tpu.memory_space<vmem_shared>>)
    %barrier3A_116 = arith.constant 0 : index
    tpu.barrier barrier_id(%barrier3A_116)
    %add3A_117 = arith.constant 0 : i32
    %add3A_118 = arith.addi %arg1, %add3A_117 : i32
    %lt3A_119 = arith.constant 50 : i32
    %lt3A_120 = arith.cmpi slt, %add3A_118, %lt3A_119 : i32
    %convert_element_type3A_121 = arith.extui %lt3A_120 : i1 to i32
    %cond3A_122 = arith.constant 0 : i32
    %cond3A_123 = arith.cmpi ne, %convert_element_type3A_121, %cond3A_122 : i32
    scf.if %cond3A_123 {
      %mul3A_145 = arith.constant 200 : i32
      %mul3A_146 = arith.muli %add3A_118, %mul3A_145 : i32
      "tpu.region"() ({
        %run_scoped3A = tpu.sem_alloc : memref<!tpu.dma_semaphore, #tpu.memory_space<semaphore_mem>>
        %dma_start3A_147 = arith.constant 0 : i32
        %dma_start3A_148 = tpu.memref_slice %arg5[%arg0, %mul3A_146, %dma_start3A_147] : memref<2x10000x128xf32, #tpu.memory_space<hbm>> -> memref<1x200x128xf32, #tpu.memory_space<hbm>>
        %dma_start3A_149 = tpu.memref_squeeze %dma_start3A_148 : memref<1x200x128xf32, #tpu.memory_space<hbm>> -> memref<200x128xf32, #tpu.memory_space<hbm>>
        %dma_start3A_150 = arith.constant 0 : i32
        %dma_start3A_151 = tpu.memref_slice %arg13[%mul3A_146, %dma_start3A_150] : memref<10000x128xf32, #tpu.memory_space<vmem_shared>> -> memref<200x128xf32, #tpu.memory_space<vmem_shared>>
        tpu.enqueue_dma source(%dma_start3A_151 : memref<200x128xf32, #tpu.memory_space<vmem_shared>>) target(%dma_start3A_149 : memref<200x128xf32, #tpu.memory_space<hbm>>) target_semaphore(%run_scoped3A : memref<!tpu.dma_semaphore, #tpu.memory_space<semaphore_mem>>)
        %dma_wait3A_152 = arith.constant 0 : i32
        %dma_wait3A_153 = tpu.memref_slice %arg5[%arg0, %mul3A_146, %dma_wait3A_152] : memref<2x10000x128xf32, #tpu.memory_space<hbm>> -> memref<1x200x128xf32, #tpu.memory_space<hbm>>
        %dma_wait3A_154 = tpu.memref_squeeze %dma_wait3A_153 : memref<1x200x128xf32, #tpu.memory_space<hbm>> -> memref<200x128xf32, #tpu.memory_space<hbm>>
        %dma_wait3A_155 = arith.constant 0 : i32
        %dma_wait3A_156 = tpu.memref_slice %arg13[%mul3A_146, %dma_wait3A_155] : memref<10000x128xf32, #tpu.memory_space<vmem_shared>> -> memref<200x128xf32, #tpu.memory_space<vmem_shared>>
        tpu.wait_dma2 semaphore(%run_scoped3A : memref<!tpu.dma_semaphore, #tpu.memory_space<semaphore_mem>>) src(%dma_wait3A_156 : memref<200x128xf32, #tpu.memory_space<vmem_shared>>) dst(%dma_wait3A_154 : memref<200x128xf32, #tpu.memory_space<hbm>>)
        tpu.yield
      }) : () -> ()
    } else {
    }
    %add3A_124 = arith.constant 16 : i32
    %add3A_125 = arith.addi %arg1, %add3A_124 : i32
    %lt3A_126 = arith.constant 50 : i32
    %lt3A_127 = arith.cmpi slt, %add3A_125, %lt3A_126 : i32
    %convert_element_type3A_128 = arith.extui %lt3A_127 : i1 to i32
    %cond3A_129 = arith.constant 0 : i32
    %cond3A_130 = arith.cmpi ne, %convert_element_type3A_128, %cond3A_129 : i32
    scf.if %cond3A_130 {
      %mul3A_145 = arith.constant 200 : i32
      %mul3A_146 = arith.muli %add3A_125, %mul3A_145 : i32
      "tpu.region"() ({
        %run_scoped3A = tpu.sem_alloc : memref<!tpu.dma_semaphore, #tpu.memory_space<semaphore_mem>>
        %dma_start3A_147 = arith.constant 0 : i32
        %dma_start3A_148 = tpu.memref_slice %arg5[%arg0, %mul3A_146, %dma_start3A_147] : memref<2x10000x128xf32, #tpu.memory_space<hbm>> -> memref<1x200x128xf32, #tpu.memory_space<hbm>>
        %dma_start3A_149 = tpu.memref_squeeze %dma_start3A_148 : memref<1x200x128xf32, #tpu.memory_space<hbm>> -> memref<200x128xf32, #tpu.memory_space<hbm>>
        %dma_start3A_150 = arith.constant 0 : i32
        %dma_start3A_151 = tpu.memref_slice %arg13[%mul3A_146, %dma_start3A_150] : memref<10000x128xf32, #tpu.memory_space<vmem_shared>> -> memref<200x128xf32, #tpu.memory_space<vmem_shared>>
        tpu.enqueue_dma source(%dma_start3A_151 : memref<200x128xf32, #tpu.memory_space<vmem_shared>>) target(%dma_start3A_149 : memref<200x128xf32, #tpu.memory_space<hbm>>) target_semaphore(%run_scoped3A : memref<!tpu.dma_semaphore, #tpu.memory_space<semaphore_mem>>)
        %dma_wait3A_152 = arith.constant 0 : i32
        %dma_wait3A_153 = tpu.memref_slice %arg5[%arg0, %mul3A_146, %dma_wait3A_152] : memref<2x10000x128xf32, #tpu.memory_space<hbm>> -> memref<1x200x128xf32, #tpu.memory_space<hbm>>
        %dma_wait3A_154 = tpu.memref_squeeze %dma_wait3A_153 : memref<1x200x128xf32, #tpu.memory_space<hbm>> -> memref<200x128xf32, #tpu.memory_space<hbm>>
        %dma_wait3A_155 = arith.constant 0 : i32
        %dma_wait3A_156 = tpu.memref_slice %arg13[%mul3A_146, %dma_wait3A_155] : memref<10000x128xf32, #tpu.memory_space<vmem_shared>> -> memref<200x128xf32, #tpu.memory_space<vmem_shared>>
        tpu.wait_dma2 semaphore(%run_scoped3A : memref<!tpu.dma_semaphore, #tpu.memory_space<semaphore_mem>>) src(%dma_wait3A_156 : memref<200x128xf32, #tpu.memory_space<vmem_shared>>) dst(%dma_wait3A_154 : memref<200x128xf32, #tpu.memory_space<hbm>>)
        tpu.yield
      }) : () -> ()
    } else {
    }
    %add3A_131 = arith.constant 32 : i32
    %add3A_132 = arith.addi %arg1, %add3A_131 : i32
    %lt3A_133 = arith.constant 50 : i32
    %lt3A_134 = arith.cmpi slt, %add3A_132, %lt3A_133 : i32
    %convert_element_type3A_135 = arith.extui %lt3A_134 : i1 to i32
    %cond3A_136 = arith.constant 0 : i32
    %cond3A_137 = arith.cmpi ne, %convert_element_type3A_135, %cond3A_136 : i32
    scf.if %cond3A_137 {
      %mul3A_145 = arith.constant 200 : i32
      %mul3A_146 = arith.muli %add3A_132, %mul3A_145 : i32
      "tpu.region"() ({
        %run_scoped3A = tpu.sem_alloc : memref<!tpu.dma_semaphore, #tpu.memory_space<semaphore_mem>>
        %dma_start3A_147 = arith.constant 0 : i32
        %dma_start3A_148 = tpu.memref_slice %arg5[%arg0, %mul3A_146, %dma_start3A_147] : memref<2x10000x128xf32, #tpu.memory_space<hbm>> -> memref<1x200x128xf32, #tpu.memory_space<hbm>>
        %dma_start3A_149 = tpu.memref_squeeze %dma_start3A_148 : memref<1x200x128xf32, #tpu.memory_space<hbm>> -> memref<200x128xf32, #tpu.memory_space<hbm>>
        %dma_start3A_150 = arith.constant 0 : i32
        %dma_start3A_151 = tpu.memref_slice %arg13[%mul3A_146, %dma_start3A_150] : memref<10000x128xf32, #tpu.memory_space<vmem_shared>> -> memref<200x128xf32, #tpu.memory_space<vmem_shared>>
        tpu.enqueue_dma source(%dma_start3A_151 : memref<200x128xf32, #tpu.memory_space<vmem_shared>>) target(%dma_start3A_149 : memref<200x128xf32, #tpu.memory_space<hbm>>) target_semaphore(%run_scoped3A : memref<!tpu.dma_semaphore, #tpu.memory_space<semaphore_mem>>)
        %dma_wait3A_152 = arith.constant 0 : i32
        %dma_wait3A_153 = tpu.memref_slice %arg5[%arg0, %mul3A_146, %dma_wait3A_152] : memref<2x10000x128xf32, #tpu.memory_space<hbm>> -> memref<1x200x128xf32, #tpu.memory_space<hbm>>
        %dma_wait3A_154 = tpu.memref_squeeze %dma_wait3A_153 : memref<1x200x128xf32, #tpu.memory_space<hbm>> -> memref<200x128xf32, #tpu.memory_space<hbm>>
        %dma_wait3A_155 = arith.constant 0 : i32
        %dma_wait3A_156 = tpu.memref_slice %arg13[%mul3A_146, %dma_wait3A_155] : memref<10000x128xf32, #tpu.memory_space<vmem_shared>> -> memref<200x128xf32, #tpu.memory_space<vmem_shared>>
        tpu.wait_dma2 semaphore(%run_scoped3A : memref<!tpu.dma_semaphore, #tpu.memory_space<semaphore_mem>>) src(%dma_wait3A_156 : memref<200x128xf32, #tpu.memory_space<vmem_shared>>) dst(%dma_wait3A_154 : memref<200x128xf32, #tpu.memory_space<hbm>>)
        tpu.yield
      }) : () -> ()
    } else {
    }
    %add3A_138 = arith.constant 48 : i32
    %add3A_139 = arith.addi %arg1, %add3A_138 : i32
    %lt3A_140 = arith.constant 50 : i32
    %lt3A_141 = arith.cmpi slt, %add3A_139, %lt3A_140 : i32
    %convert_element_type3A_142 = arith.extui %lt3A_141 : i1 to i32
    %cond3A_143 = arith.constant 0 : i32
    %cond3A_144 = arith.cmpi ne, %convert_element_type3A_142, %cond3A_143 : i32
    scf.if %cond3A_144 {
      %mul3A_145 = arith.constant 200 : i32
      %mul3A_146 = arith.muli %add3A_139, %mul3A_145 : i32
      "tpu.region"() ({
        %run_scoped3A = tpu.sem_alloc : memref<!tpu.dma_semaphore, #tpu.memory_space<semaphore_mem>>
        %dma_start3A_147 = arith.constant 0 : i32
        %dma_start3A_148 = tpu.memref_slice %arg5[%arg0, %mul3A_146, %dma_start3A_147] : memref<2x10000x128xf32, #tpu.memory_space<hbm>> -> memref<1x200x128xf32, #tpu.memory_space<hbm>>
        %dma_start3A_149 = tpu.memref_squeeze %dma_start3A_148 : memref<1x200x128xf32, #tpu.memory_space<hbm>> -> memref<200x128xf32, #tpu.memory_space<hbm>>
        %dma_start3A_150 = arith.constant 0 : i32
        %dma_start3A_151 = tpu.memref_slice %arg13[%mul3A_146, %dma_start3A_150] : memref<10000x128xf32, #tpu.memory_space<vmem_shared>> -> memref<200x128xf32, #tpu.memory_space<vmem_shared>>
        tpu.enqueue_dma source(%dma_start3A_151 : memref<200x128xf32, #tpu.memory_space<vmem_shared>>) target(%dma_start3A_149 : memref<200x128xf32, #tpu.memory_space<hbm>>) target_semaphore(%run_scoped3A : memref<!tpu.dma_semaphore, #tpu.memory_space<semaphore_mem>>)
        %dma_wait3A_152 = arith.constant 0 : i32
        %dma_wait3A_153 = tpu.memref_slice %arg5[%arg0, %mul3A_146, %dma_wait3A_152] : memref<2x10000x128xf32, #tpu.memory_space<hbm>> -> memref<1x200x128xf32, #tpu.memory_space<hbm>>
        %dma_wait3A_154 = tpu.memref_squeeze %dma_wait3A_153 : memref<1x200x128xf32, #tpu.memory_space<hbm>> -> memref<200x128xf32, #tpu.memory_space<hbm>>
        %dma_wait3A_155 = arith.constant 0 : i32
        %dma_wait3A_156 = tpu.memref_slice %arg13[%mul3A_146, %dma_wait3A_155] : memref<10000x128xf32, #tpu.memory_space<vmem_shared>> -> memref<200x128xf32, #tpu.memory_space<vmem_shared>>
        tpu.wait_dma2 semaphore(%run_scoped3A : memref<!tpu.dma_semaphore, #tpu.memory_space<semaphore_mem>>) src(%dma_wait3A_156 : memref<200x128xf32, #tpu.memory_space<vmem_shared>>) dst(%dma_wait3A_154 : memref<200x128xf32, #tpu.memory_space<hbm>>)
        tpu.yield
      }) : () -> ()
    } else {
    }
    return
  }
}

module attributes {stable_mosaic.version = 14 : i64} {
  func.func @_tc1_body(%arg0: i32, %arg1: memref<2000x128xf32, #tpu.memory_space<vmem>>, %arg2: memref<128x128xf32, #tpu.memory_space<vmem>>, %arg3: memref<2000x2xf32, #tpu.memory_space<vmem>>, %arg4: memref<2000x128xf32, #tpu.memory_space<vmem>>) attributes {dimension_semantics = [#tpu.dimension_semantics<arbitrary>], iteration_bounds = array<i64: 5>, scalar_prefetch = 0 : i64, scratch_operands = 0 : i64, tpu.core_type = #tpu.core_type<tc>, window_params = [{transform_indices = @transform_0, window_bounds = array<i64: 2000, 128>}, {pipeline_mode = #tpu.pipeline_mode<synchronous>, transform_indices = @transform_1, window_bounds = array<i64: 128, 128>}, {transform_indices = @transform_2, window_bounds = array<i64: 2000, 2>}, {transform_indices = @transform_3, window_bounds = array<i64: 2000, 128>}]} {
    %get3A = arith.constant 0 : index
    %get3A_0 = arith.constant 0 : index
    %get3A_1 = vector.load %arg1[%get3A, %get3A_0] : memref<2000x128xf32, #tpu.memory_space<vmem>>, vector<2000x128xf32>
    %get3A_2 = arith.constant 0 : index
    %get3A_3 = arith.constant 0 : index
    %get3A_4 = vector.load %arg2[%get3A_2, %get3A_3] : memref<128x128xf32, #tpu.memory_space<vmem>>, vector<128x128xf32>
    %dot_general3A = arith.constant dense<0.000000e+00> : vector<2000x128xf32>
    %dot_general3A_5 = tpu.matmul %get3A_1, %get3A_4, %dot_general3A {dimension_numbers = #tpu.dot_dimension_numbers<[1], [0], [0], [1], [0, 0, 1, 1], [], []>, transpose_lhs_hint = false} : vector<2000x128xf32>, vector<128x128xf32>, vector<2000x128xf32> -> vector<2000x128xf32>
    %get3A_6 = arith.constant 0 : index
    %get3A_7 = arith.constant 0 : index
    %get3A_8 = vector.load %arg3[%get3A_6, %get3A_7] : memref<2000x2xf32, #tpu.memory_space<vmem>>, vector<2000x1xf32>
    %get3A_9 = arith.constant 0 : index
    %get3A_10 = arith.constant 1 : index
    %get3A_11 = vector.load %arg3[%get3A_9, %get3A_10] : memref<2000x2xf32, #tpu.memory_space<vmem>>, vector<2000x1xf32>
    %add3A = arith.addf %get3A_8, %get3A_11 : vector<2000x1xf32>
    %add3A_12 = arith.constant 1.000000e+00 : f32
    %add3A_13 = vector.broadcast %add3A_12 : f32 to vector<2000x1xf32>
    %add3A_14 = arith.addf %add3A, %add3A_13 : vector<2000x1xf32>
    %rsqrt3A = math.rsqrt %add3A_14 : vector<2000x1xf32>
    %mul3A = vector.broadcast %rsqrt3A : vector<2000x1xf32> to vector<2000x128xf32>
    %mul3A_15 = arith.mulf %dot_general3A_5, %mul3A : vector<2000x128xf32>
    %swap3A = arith.constant 0 : index
    %swap3A_16 = arith.constant 0 : index
    %swap3A_17 = vector.load %arg4[%swap3A, %swap3A_16] : memref<2000x128xf32, #tpu.memory_space<vmem>>, vector<2000x128xf32>
    tpu.vector_store %arg4[%swap3A, %swap3A_16], %mul3A_15 {strides = array<i32>} : memref<2000x128xf32, #tpu.memory_space<vmem>>, vector<2000x128xf32>,
    return
  }
  func.func @transform_0(%arg0: i32) -> (i32, i32) {
    %c0_i32 = arith.constant 0 : i32
    %c0_i32_0 = arith.constant 0 : i32
    return %arg0, %c0_i32 : i32, i32
  }
  func.func @transform_1(%arg0: i32) -> (i32, i32) {
    %c0_i32 = arith.constant 0 : i32
    %c0_i32_0 = arith.constant 0 : i32
    %c0_i32_1 = arith.constant 0 : i32
    return %c0_i32, %c0_i32_0 : i32, i32
  }
  func.func @transform_2(%arg0: i32) -> (i32, i32) {
    %c0_i32 = arith.constant 0 : i32
    %c0_i32_0 = arith.constant 0 : i32
    return %arg0, %c0_i32 : i32, i32
  }
  func.func @transform_3(%arg0: i32) -> (i32, i32) {
    %c0_i32 = arith.constant 0 : i32
    %c0_i32_0 = arith.constant 0 : i32
    return %arg0, %c0_i32 : i32, i32
  }
}

module attributes {stable_mosaic.version = 14 : i64} {
  func.func @_tc2_body(%arg0: i32, %arg1: memref<2x2000x128xf32, #tpu.memory_space<vmem>>, %arg2: memref<2000x128xf32, #tpu.memory_space<vmem>>, %arg3: memref<2000x2xf32, #tpu.memory_space<vmem>>, %arg4: memref<1x128xf32, #tpu.memory_space<vmem>>, %arg5: memref<1x128xf32, #tpu.memory_space<vmem>>, %arg6: memref<1x128xf32, #tpu.memory_space<vmem>>, %arg7: memref<128x128xf32, #tpu.memory_space<vmem>>, %arg8: memref<2000x128xf32, #tpu.memory_space<vmem>>) attributes {dimension_semantics = [#tpu.dimension_semantics<arbitrary>], iteration_bounds = array<i64: 5>, scalar_prefetch = 0 : i64, scratch_operands = 0 : i64, tpu.core_type = #tpu.core_type<tc>, window_params = [{transform_indices = @transform_0, window_bounds = array<i64: 2, 2000, 128>}, {transform_indices = @transform_1, window_bounds = array<i64: 2000, 128>}, {transform_indices = @transform_2, window_bounds = array<i64: 2000, 2>}, {pipeline_mode = #tpu.pipeline_mode<synchronous>, transform_indices = @transform_3, window_bounds = array<i64: 1, 128>}, {pipeline_mode = #tpu.pipeline_mode<synchronous>, transform_indices = @transform_4, window_bounds = array<i64: 1, 128>}, {pipeline_mode = #tpu.pipeline_mode<synchronous>, transform_indices = @transform_5, window_bounds = array<i64: 1, 128>}, {pipeline_mode = #tpu.pipeline_mode<synchronous>, transform_indices = @transform_6, window_bounds = array<i64: 128, 128>}, {transform_indices = @transform_7, window_bounds = array<i64: 2000, 128>}]} {
    %get3A = arith.constant 0 : index
    %get3A_0 = arith.constant 0 : index
    %get3A_1 = vector.load %arg3[%get3A, %get3A_0] : memref<2000x2xf32, #tpu.memory_space<vmem>>, vector<2000x1xf32>
    %get3A_2 = arith.constant 0 : index
    %get3A_3 = arith.constant 1 : index
    %get3A_4 = vector.load %arg3[%get3A_2, %get3A_3] : memref<2000x2xf32, #tpu.memory_space<vmem>>, vector<2000x1xf32>
    %add3A = arith.addf %get3A_1, %get3A_4 : vector<2000x1xf32>
    %add3A_5 = arith.constant 1.000000e+00 : f32
    %add3A_6 = vector.broadcast %add3A_5 : f32 to vector<2000x1xf32>
    %add3A_7 = arith.addf %add3A, %add3A_6 : vector<2000x1xf32>
    %rsqrt3A = math.rsqrt %add3A_7 : vector<2000x1xf32>
    %get3A_8 = arith.constant 0 : index
    %get3A_9 = arith.constant 0 : index
    %get3A_10 = arith.constant 0 : index
    %get3A_11 = vector.load %arg1[%get3A_8, %get3A_9, %get3A_10] : memref<2x2000x128xf32, #tpu.memory_space<vmem>>, vector<1x2000x128xf32>
    %get3A_12 = vector.shape_cast %get3A_11 : vector<1x2000x128xf32> to vector<2000x128xf32>
    %get3A_13 = arith.constant 1 : index
    %get3A_14 = arith.constant 0 : index
    %get3A_15 = arith.constant 0 : index
    %get3A_16 = vector.load %arg1[%get3A_13, %get3A_14, %get3A_15] : memref<2x2000x128xf32, #tpu.memory_space<vmem>>, vector<1x2000x128xf32>
    %get3A_17 = vector.shape_cast %get3A_16 : vector<1x2000x128xf32> to vector<2000x128xf32>
    %add3A_18 = arith.addf %get3A_12, %get3A_17 : vector<2000x128xf32>
    %get3A_19 = arith.constant 0 : index
    %get3A_20 = arith.constant 0 : index
    %get3A_21 = vector.load %arg2[%get3A_19, %get3A_20] : memref<2000x128xf32, #tpu.memory_space<vmem>>, vector<2000x128xf32>
    %sub3A = arith.subf %add3A_18, %get3A_21 : vector<2000x128xf32>
    %mul3A = vector.broadcast %rsqrt3A : vector<2000x1xf32> to vector<2000x128xf32>
    %mul3A_22 = arith.mulf %sub3A, %mul3A : vector<2000x128xf32>
    %get3A_23 = arith.constant 0 : index
    %get3A_24 = arith.constant 0 : index
    %get3A_25 = vector.load %arg4[%get3A_23, %get3A_24] : memref<1x128xf32, #tpu.memory_space<vmem>>, vector<1x128xf32>
    %add3A_26 = vector.broadcast %get3A_25 : vector<1x128xf32> to vector<2000x128xf32>
    %add3A_27 = arith.addf %mul3A_22, %add3A_26 : vector<2000x128xf32>
    %reduce_sum3A = arith.constant dense<0.000000e+00> : vector<2000xf32>
    %reduce_sum3A_28 = vector.multi_reduction <add>, %add3A_27, %reduce_sum3A [1] : vector<2000x128xf32> to vector<2000xf32>
    %broadcast_in_dim3A = vector.shape_cast %reduce_sum3A_28 : vector<2000xf32> to vector<2000x1xf32>
    %div3A = arith.constant 1.280000e+02 : f32
    %div3A_29 = vector.broadcast %div3A : f32 to vector<2000x1xf32>
    %div3A_30 = arith.divf %broadcast_in_dim3A, %div3A_29 : vector<2000x1xf32>
    %sub3A_31 = vector.broadcast %div3A_30 : vector<2000x1xf32> to vector<2000x128xf32>
    %sub3A_32 = arith.subf %add3A_27, %sub3A_31 : vector<2000x128xf32>
    %integer_pow3A = arith.mulf %sub3A_32, %sub3A_32 : vector<2000x128xf32>
    %reduce_sum3A_33 = arith.constant dense<0.000000e+00> : vector<2000xf32>
    %reduce_sum3A_34 = vector.multi_reduction <add>, %integer_pow3A, %reduce_sum3A_33 [1] : vector<2000x128xf32> to vector<2000xf32>
    %broadcast_in_dim3A_35 = vector.shape_cast %reduce_sum3A_34 : vector<2000xf32> to vector<2000x1xf32>
    %div3A_36 = arith.constant 1.280000e+02 : f32
    %div3A_37 = vector.broadcast %div3A_36 : f32 to vector<2000x1xf32>
    %div3A_38 = arith.divf %broadcast_in_dim3A_35, %div3A_37 : vector<2000x1xf32>
    %sub3A_39 = vector.broadcast %div3A_30 : vector<2000x1xf32> to vector<2000x128xf32>
    %sub3A_40 = arith.subf %add3A_27, %sub3A_39 : vector<2000x128xf32>
    %add3A_41 = arith.constant 9.99999974E-6 : f32
    %add3A_42 = vector.broadcast %add3A_41 : f32 to vector<2000x1xf32>
    %add3A_43 = arith.addf %div3A_38, %add3A_42 : vector<2000x1xf32>
    %rsqrt3A_44 = math.rsqrt %add3A_43 : vector<2000x1xf32>
    %mul3A_45 = vector.broadcast %rsqrt3A_44 : vector<2000x1xf32> to vector<2000x128xf32>
    %mul3A_46 = arith.mulf %sub3A_40, %mul3A_45 : vector<2000x128xf32>
    %get3A_47 = arith.constant 0 : index
    %get3A_48 = arith.constant 0 : index
    %get3A_49 = vector.load %arg5[%get3A_47, %get3A_48] : memref<1x128xf32, #tpu.memory_space<vmem>>, vector<1x128xf32>
    %mul3A_50 = vector.broadcast %get3A_49 : vector<1x128xf32> to vector<2000x128xf32>
    %mul3A_51 = arith.mulf %mul3A_46, %mul3A_50 : vector<2000x128xf32>
    %get3A_52 = arith.constant 0 : index
    %get3A_53 = arith.constant 0 : index
    %get3A_54 = vector.load %arg6[%get3A_52, %get3A_53] : memref<1x128xf32, #tpu.memory_space<vmem>>, vector<1x128xf32>
    %add3A_55 = vector.broadcast %get3A_54 : vector<1x128xf32> to vector<2000x128xf32>
    %add3A_56 = arith.addf %mul3A_51, %add3A_55 : vector<2000x128xf32>
    %max3A = arith.constant 0.000000e+00 : f32
    %max3A_57 = vector.broadcast %max3A : f32 to vector<2000x128xf32>
    %max3A_58 = arith.maximumf %add3A_56, %max3A_57 : vector<2000x128xf32>
    %get3A_59 = arith.constant 0 : index
    %get3A_60 = arith.constant 0 : index
    %get3A_61 = vector.load %arg7[%get3A_59, %get3A_60] : memref<128x128xf32, #tpu.memory_space<vmem>>, vector<128x128xf32>
    %dot_general3A = arith.constant dense<0.000000e+00> : vector<2000x128xf32>
    %dot_general3A_62 = tpu.matmul %max3A_58, %get3A_61, %dot_general3A {dimension_numbers = #tpu.dot_dimension_numbers<[1], [0], [0], [1], [0, 0, 1, 1], [], []>, transpose_lhs_hint = false} : vector<2000x128xf32>, vector<128x128xf32>, vector<2000x128xf32> -> vector<2000x128xf32>
    %mul3A_63 = vector.broadcast %rsqrt3A : vector<2000x1xf32> to vector<2000x128xf32>
    %mul3A_64 = arith.mulf %dot_general3A_62, %mul3A_63 : vector<2000x128xf32>
    %swap3A = arith.constant 0 : index
    %swap3A_65 = arith.constant 0 : index
    %swap3A_66 = vector.load %arg8[%swap3A, %swap3A_65] : memref<2000x128xf32, #tpu.memory_space<vmem>>, vector<2000x128xf32>
    tpu.vector_store %arg8[%swap3A, %swap3A_65], %mul3A_64 {strides = array<i32>} : memref<2000x128xf32, #tpu.memory_space<vmem>>, vector<2000x128xf32>,
    return
  }
  func.func @transform_0(%arg0: i32) -> (i32, i32, i32) {
    %c0_i32 = arith.constant 0 : i32
    %c0_i32_0 = arith.constant 0 : i32
    %c0_i32_1 = arith.constant 0 : i32
    return %c0_i32, %arg0, %c0_i32_0 : i32, i32, i32
  }
  func.func @transform_1(%arg0: i32) -> (i32, i32) {
    %c0_i32 = arith.constant 0 : i32
    %c0_i32_0 = arith.constant 0 : i32
    return %arg0, %c0_i32 : i32, i32
  }
  func.func @transform_2(%arg0: i32) -> (i32, i32) {
    %c0_i32 = arith.constant 0 : i32
    %c0_i32_0 = arith.constant 0 : i32
    return %arg0, %c0_i32 : i32, i32
  }
  func.func @transform_3(%arg0: i32) -> (i32, i32) {
    %c0_i32 = arith.constant 0 : i32
    %c0_i32_0 = arith.constant 0 : i32
    %c0_i32_1 = arith.constant 0 : i32
    return %c0_i32, %c0_i32_0 : i32, i32
  }
  func.func @transform_4(%arg0: i32) -> (i32, i32) {
    %c0_i32 = arith.constant 0 : i32
    %c0_i32_0 = arith.constant 0 : i32
    %c0_i32_1 = arith.constant 0 : i32
    return %c0_i32, %c0_i32_0 : i32, i32
  }
  func.func @transform_5(%arg0: i32) -> (i32, i32) {
    %c0_i32 = arith.constant 0 : i32
    %c0_i32_0 = arith.constant 0 : i32
    %c0_i32_1 = arith.constant 0 : i32
    return %c0_i32, %c0_i32_0 : i32, i32
  }
  func.func @transform_6(%arg0: i32) -> (i32, i32) {
    %c0_i32 = arith.constant 0 : i32
    %c0_i32_0 = arith.constant 0 : i32
    %c0_i32_1 = arith.constant 0 : i32
    return %c0_i32, %c0_i32_0 : i32, i32
  }
  func.func @transform_7(%arg0: i32) -> (i32, i32) {
    %c0_i32 = arith.constant 0 : i32
    %c0_i32_0 = arith.constant 0 : i32
    return %arg0, %c0_i32 : i32, i32
  }
}

module attributes {stable_mosaic.version = 14 : i64} {
  func.func @_tc3_body(%arg0: i32, %arg1: memref<2x2000x128xf32, #tpu.memory_space<vmem>>, %arg2: memref<2000x128xf32, #tpu.memory_space<vmem>>, %arg3: memref<2000x2xf32, #tpu.memory_space<vmem>>, %arg4: memref<1x128xf32, #tpu.memory_space<vmem>>, %arg5: memref<2000x128xf32, #tpu.memory_space<vmem>>) attributes {dimension_semantics = [#tpu.dimension_semantics<arbitrary>], iteration_bounds = array<i64: 5>, scalar_prefetch = 0 : i64, scratch_operands = 0 : i64, tpu.core_type = #tpu.core_type<tc>, window_params = [{transform_indices = @transform_0, window_bounds = array<i64: 2, 2000, 128>}, {transform_indices = @transform_1, window_bounds = array<i64: 2000, 128>}, {transform_indices = @transform_2, window_bounds = array<i64: 2000, 2>}, {pipeline_mode = #tpu.pipeline_mode<synchronous>, transform_indices = @transform_3, window_bounds = array<i64: 1, 128>}, {transform_indices = @transform_4, window_bounds = array<i64: 2000, 128>}]} {
    %get3A = arith.constant 0 : index
    %get3A_0 = arith.constant 0 : index
    %get3A_1 = arith.constant 0 : index
    %get3A_2 = vector.load %arg1[%get3A, %get3A_0, %get3A_1] : memref<2x2000x128xf32, #tpu.memory_space<vmem>>, vector<1x2000x128xf32>
    %get3A_3 = vector.shape_cast %get3A_2 : vector<1x2000x128xf32> to vector<2000x128xf32>
    %get3A_4 = arith.constant 1 : index
    %get3A_5 = arith.constant 0 : index
    %get3A_6 = arith.constant 0 : index
    %get3A_7 = vector.load %arg1[%get3A_4, %get3A_5, %get3A_6] : memref<2x2000x128xf32, #tpu.memory_space<vmem>>, vector<1x2000x128xf32>
    %get3A_8 = vector.shape_cast %get3A_7 : vector<1x2000x128xf32> to vector<2000x128xf32>
    %add3A = arith.addf %get3A_3, %get3A_8 : vector<2000x128xf32>
    %get3A_9 = arith.constant 0 : index
    %get3A_10 = arith.constant 0 : index
    %get3A_11 = vector.load %arg2[%get3A_9, %get3A_10] : memref<2000x128xf32, #tpu.memory_space<vmem>>, vector<2000x128xf32>
    %sub3A = arith.subf %add3A, %get3A_11 : vector<2000x128xf32>
    %get3A_12 = arith.constant 0 : index
    %get3A_13 = arith.constant 0 : index
    %get3A_14 = vector.load %arg3[%get3A_12, %get3A_13] : memref<2000x2xf32, #tpu.memory_space<vmem>>, vector<2000x1xf32>
    %get3A_15 = arith.constant 0 : index
    %get3A_16 = arith.constant 1 : index
    %get3A_17 = vector.load %arg3[%get3A_15, %get3A_16] : memref<2000x2xf32, #tpu.memory_space<vmem>>, vector<2000x1xf32>
    %add3A_18 = arith.addf %get3A_14, %get3A_17 : vector<2000x1xf32>
    %add3A_19 = arith.constant 1.000000e+00 : f32
    %add3A_20 = vector.broadcast %add3A_19 : f32 to vector<2000x1xf32>
    %add3A_21 = arith.addf %add3A_18, %add3A_20 : vector<2000x1xf32>
    %rsqrt3A = math.rsqrt %add3A_21 : vector<2000x1xf32>
    %mul3A = vector.broadcast %rsqrt3A : vector<2000x1xf32> to vector<2000x128xf32>
    %mul3A_22 = arith.mulf %sub3A, %mul3A : vector<2000x128xf32>
    %get3A_23 = arith.constant 0 : index
    %get3A_24 = arith.constant 0 : index
    %get3A_25 = vector.load %arg4[%get3A_23, %get3A_24] : memref<1x128xf32, #tpu.memory_space<vmem>>, vector<1x128xf32>
    %add3A_26 = vector.broadcast %get3A_25 : vector<1x128xf32> to vector<2000x128xf32>
    %add3A_27 = arith.addf %mul3A_22, %add3A_26 : vector<2000x128xf32>
    %swap3A = arith.constant 0 : index
    %swap3A_28 = arith.constant 0 : index
    %swap3A_29 = vector.load %arg5[%swap3A, %swap3A_28] : memref<2000x128xf32, #tpu.memory_space<vmem>>, vector<2000x128xf32>
    tpu.vector_store %arg5[%swap3A, %swap3A_28], %add3A_27 {strides = array<i32>} : memref<2000x128xf32, #tpu.memory_space<vmem>>, vector<2000x128xf32>,
    return
  }
  func.func @transform_0(%arg0: i32) -> (i32, i32, i32) {
    %c0_i32 = arith.constant 0 : i32
    %c0_i32_0 = arith.constant 0 : i32
    %c0_i32_1 = arith.constant 0 : i32
    return %c0_i32, %arg0, %c0_i32_0 : i32, i32, i32
  }
  func.func @transform_1(%arg0: i32) -> (i32, i32) {
    %c0_i32 = arith.constant 0 : i32
    %c0_i32_0 = arith.constant 0 : i32
    return %arg0, %c0_i32 : i32, i32
  }
  func.func @transform_2(%arg0: i32) -> (i32, i32) {
    %c0_i32 = arith.constant 0 : i32
    %c0_i32_0 = arith.constant 0 : i32
    return %arg0, %c0_i32 : i32, i32
  }
  func.func @transform_3(%arg0: i32) -> (i32, i32) {
    %c0_i32 = arith.constant 0 : i32
    %c0_i32_0 = arith.constant 0 : i32
    %c0_i32_1 = arith.constant 0 : i32
    return %c0_i32, %c0_i32_0 : i32, i32
  }
  func.func @transform_4(%arg0: i32) -> (i32, i32) {
    %c0_i32 = arith.constant 0 : i32
    %c0_i32_0 = arith.constant 0 : i32
    return %arg0, %c0_i32 : i32, i32
  }
}

</mosaic_0001>

<sc_bundles>
// kernel: kernel.11.cloned.1.call-start
scs
__scs_entry_jumppad:
0x0: {  	(pc) =	sbr.rel $0x88, $3  }
0x1: {  	(tag) =	ssettag $0x0;
	lr =	simm.s32 $0x1  }
0x2: {  	[smem:$0x3F99] =	sst lr;
	_ =	strace $0xD0000000  }
0x3: {  	_ = 	snop  }
0x4: {  	_ = 	snop  }
0x5: {  	_ = 	snop  }
0x6: {  	_ = 	snop  }
0x7: {  	_ = 	snop  }
__scs_overlays_trampoline_lowered:
0x8: {  	[smem:$0x3FA8] =	sst s0  }
0x9: {  	[smem:$0x3FA9] =	sst s1  }
0xa: {  	[smem:$0x3FAA] =	sst s2  }
0xb: {  	[smem:$0x3FAB] =	sst s3  }
0xc: {  	[smem:$0x3FAC] =	sst s4  }
0xd: {  	[smem:$0x3FAD] =	sst s5  }
0xe: {  	[smem:$0x3FAE] =	sst s6  }
0xf: {  	[smem:$0x3FAF] =	sst s7  }
0x10: {  	[smem:$0x3FB0] =	sst s8  }
0x11: {  	[smem:$0x3FB1] =	sst s9;
	s0 =	simm.s32 @!p0 $0x0  }
0x12: {  	s1 =	sld [smem:$0x3F97];
	s0 =	simm.s32 @p0 $0x1  }
0x13: {  	[smem:$0x3FB2] =	sst s0;
	s0 =	simm.s32 @!p1 $0x0  }
0x14: {  	s2 =	sld [smem:$0x3F96];
	s0 =	simm.s32 @p1 $0x1  }
0x15: {  	[smem:$0x3FB3] =	sst s0;
	s0 =	simm.s32 @!p2 $0x0  }
0x16: {  	s3 =	sld [smem:$0x3FDB];
	s0 =	simm.s32 @p2 $0x1  }
0x17: {  	s4 =	simm.s32 $0x1BF5;
	[smem:$0x3FB5] =	sst s0  }
0x18: {  	s0 =	sld [smem:$0x3F98];
	_ =	swait.ge [sflag:s4], $0x0  }
0x19: {  	s7 =	sld [smem:$0x3F99]  }
0x1a: {  	s8 =	sadd.s32 $0xFFFFE003, lr  }
0x1b: {  	s9 =	sadd.s32 $0xFFFFFEF7, lr;
	s5 =	simm.s32 $0xFFFFFFFF;
	p2 =	slt.u32 s8, $0xFFFFF086  }
0x1c: {  	p1 =	slt.u32 s9, $0xF7A;
	s5 =	simm.s32 @!p2 $0x0  }
0x1d: {  	s5 =	simm.s32 @p1 $0x1;
	p0 =	seq.s32 s7, s2  }
0x1e: {  	s7 =	smul.u32 @!p0 $0xF7A, s2;
	p2 =	seq.s32 @!p0 s5, $0x0  }
0x1f: {  	s9 =	smul.u32 $0xF7A, s1;
	s8 =	simm.s32 @!p0 $0x1BF5;
	p2 =	por !p2, p0  }
0x20: {  	[sflag:s8] =	ssyncset.s32 @!p0 $0xFFFFF086;
	s6 =	sadd.s32 @!p0 s3, s7;
	s7 =	simm.s32 @!p0 $0x108  }
0x21: {  	s3 =	sadd.s32 s3, s9;
	s6 =	sadd.s32 @!p0 $0x88, s6;
	s7 =	simm.s32 @p2 $0x1082  }
0x22: {  	[simem:s7], [sflag:s8] =	dma.local @!p0 [hbm:s6], $0xF7A  }
0x23: {  	s9 =	sor.u32 $0xD0000000, s2;
	s6 =	simm.s32 $0x108;
	_ =	swait.ge @!p0 [sflag:s8], $0x0  }
0x24: {  	s3 =	sadd.s32 $0x88, s3;
	s6 =	simm.s32 @!p1 $0x1082;
	[sflag:s4] =	ssyncset.s32 $0xFFFFF086  }
0x25: {  	[simem:s6], [sflag:s4] =	dma.local [hbm:s3], $0xF7A  }
0x26: {  	[smem:$0x3F99] =	sst s1;
	(tag) =	ssettag s2;
	_ =	strace s9  }
0x27: {  	s1 =	sld [smem:$0x3FA9]  }
0x28: {  	s2 =	sld [smem:$0x3FAA]  }
0x29: {  	s4 =	sld [smem:$0x3FAC]  }
0x2a: {  	p0 =	seq.s32 s5, $0x0;
	s5 =	sld [smem:$0x3FAD]  }
0x2b: {  	s6 =	sld [smem:$0x3FAE]  }
0x2c: {  	s7 =	sld [smem:$0x3FAF]  }
0x2d: {  	s3 =	simm.s32 $0x108;
	s8 =	sld [smem:$0x3FB0]  }
0x2e: {  	s3 =	simm.s32 @!p0 $0x1082;
	s9 =	sld [smem:$0x3FB1]  }
0x2f: {  	lr =	sadd.s32 s0, s3;
	s0 =	sld [smem:$0x3FA8]  }
0x30: {  	s3 =	sld [smem:$0x3FAB]  }
0x31: {  	[smem:$0x3FB4] =	sst s10  }
0x32: {  	s10 =	sld [smem:$0x3FB2];
	_ =	sdelay $0x3  }
0x33: {  	p0 =	seq.s32 s10, $0x1;
	s10 =	sld [smem:$0x3FB4];
	_ =	sdelay $0x3  }
0x34: {  	[smem:$0x3FB4] =	sst s10  }
0x35: {  	s10 =	sld [smem:$0x3FB3];
	_ =	sdelay $0x3  }
0x36: {  	p1 =	seq.s32 s10, $0x1;
	s10 =	sld [smem:$0x3FB4];
	_ =	sdelay $0x3  }
0x37: {  	[smem:$0x3FB4] =	sst s10  }
0x38: {  	s10 =	sld [smem:$0x3FB5]  }
0x39: {  	_ = 	snop;
	(pc) =	sbr.ind lr, $3  }
0x3a: {  	_ = 	snop  }
0x3b: {  	_ = 	snop  }
0x3c: {  	p2 =	seq.s32 s10, $0x1;
	s10 =	sld [smem:$0x3FB4]  }
0x3d: {  	_ =	shalt  }
0x3e: {  	_ =	shalt  }
0x3f: {  	_ =	shalt  }
0x40: {  	_ =	shalt  }
0x41: {  	_ =	shalt  }
0x42: {  	_ =	shalt  }
0x43: {  	_ =	shalt  }
0x44: {  	_ =	shalt  }
0x45: {  	_ =	shalt  }
0x46: {  	_ =	shalt  }
0x47: {  	_ =	shalt  }
0x48: {  	_ =	shalt  }
0x49: {  	_ =	shalt  }
0x4a: {  	_ =	shalt  }
0x4b: {  	_ =	shalt  }
0x4c: {  	_ =	shalt  }
0x4d: {  	_ =	shalt  }
0x4e: {  	_ =	shalt  }
0x4f: {  	_ =	shalt  }
0x50: {  	_ =	shalt  }
0x51: {  	_ =	shalt  }
0x52: {  	_ =	shalt  }
0x53: {  	_ =	shalt  }
0x54: {  	_ =	shalt  }
0x55: {  	_ =	shalt  }
0x56: {  	_ =	shalt  }
0x57: {  	_ =	shalt  }
0x58: {  	_ =	shalt  }
0x59: {  	_ =	shalt  }
0x5a: {  	_ =	shalt  }
0x5b: {  	_ =	shalt  }
0x5c: {  	_ =	shalt  }
0x5d: {  	_ =	shalt  }
0x5e: {  	_ =	shalt  }
0x5f: {  	_ =	shalt  }
0x60: {  	_ =	shalt  }
0x61: {  	_ =	shalt  }
0x62: {  	_ =	shalt  }
0x63: {  	_ =	shalt  }
0x64: {  	_ =	shalt  }
0x65: {  	_ =	shalt  }
0x66: {  	_ =	shalt  }
0x67: {  	_ =	shalt  }
0x68: {  	_ =	shalt  }
0x69: {  	_ =	shalt  }
0x6a: {  	_ =	shalt  }
0x6b: {  	_ =	shalt  }
0x6c: {  	_ =	shalt  }
0x6d: {  	_ =	shalt  }
0x6e: {  	_ =	shalt  }
0x6f: {  	_ =	shalt  }
0x70: {  	_ =	shalt  }
0x71: {  	_ =	shalt  }
0x72: {  	_ =	shalt  }
0x73: {  	_ =	shalt  }
0x74: {  	_ =	shalt  }
0x75: {  	_ =	shalt  }
0x76: {  	_ =	shalt  }
0x77: {  	_ =	shalt  }
0x78: {  	_ =	shalt  }
0x79: {  	_ =	shalt  }
0x7a: {  	_ =	shalt  }
0x7b: {  	_ =	shalt  }
0x7c: {  	_ =	shalt  }
0x7d: {  	_ =	shalt  }
0x7e: {  	_ =	shalt  }
0x7f: {  	_ =	shalt  }
0x80: {  	_ =	shalt  }
0x81: {  	_ =	shalt  }
0x82: {  	_ =	shalt  }
0x83: {  	_ =	shalt  }
0x84: {  	_ =	shalt  }
0x85: {  	_ =	shalt  }
0x86: {  	_ =	shalt  }
0x87: {  	_ =	shalt  }
.Lfunc_end0:
.L_simem_size_0:
called_computation.1_lowered:
.L_overlay_start_0:
0x88: {  	s2 =	sld [smem:$0x3FD9]  }
0x89: {  	s3 =	sld [smem:$0x3FFE];
	_ =	sdelay $0x1  }
0x8a: {  	s1 =	srdreg.scid  }
0x8b: {  	s0 =	sand.u32 $0x1, s1  }
0x8c: {  	s17 =	sshll.u32 s0, $0xA;
	s2 =	sadd.s32 s3, s2  }
0x8d: {  	s2 =	sadd.s32 s2, s17  }
0x8e: {  	[smem:$0x3FC0] =	sst s2  }
0x8f: {  	_ = 	snop  }
0x90: {  	s2 =	sld [smem:$0x3FD0];
	(tm) =	ssettm $0x1  }
0x91: {  	s18 =	sld [smem:$0x3FFB];
	_ =	sdelay $0x3  }
0x92: {  	_ =	strace s18  }
0x93: {  	s3 =	sld [smem:$0x3FFC];
	_ =	sdelay $0x3  }
0x94: {  	_ =	strace s3  }
0x95: {  	s3 =	sld [smem:$0x3FFD];
	_ =	sdelay $0x3  }
0x96: {  	_ =	strace s3  }
0x97: {  	_ =	strace $0x8FFFFFFF  }
0x98: {  	s19 =	sld [smem:$0x3FDB];
	_ =	sdelay $0x1  }
0x99: {  	s4 =	simm.s32 $_scs_section_size  }
0x9a: {  	s5 =	simm.s32 $_size__tile_overlayer_lowered;
	s6 =	simm.s32 $_tile_overlayer_lowered  }
0x9b: {  	s22 =	simm.s32 $0x1BFF;
	s21 =	sshll.u32 s6, $0x1;
	s3 =	sadd.s32 s4, s19  }
0x9c: {  	s7 =	simm.s32 $0x0;
	s20 =	sshll.u32 s5, $0x1;
	s5 =	sadd.s32 s21, s3  }
0x9d: {  	[timem:s7], [sflag:s22] =	dma.local [hbm:s5], s20  }
0x9e: {  	_ =	swait.ge [sflag:s22], s20  }
0x9f: {  	s4 =	ssub.s32 $0x0, s20;
	[sflag:s22] =	ssyncset.done $0x0  }
0xa0: {  	[sflag:s22] =	ssyncadd.s32 s4;
	_ =	sdelay $0x1  }
0xa1: {  	s23 =	simm.s32 $0x1B8B  }
0xa2: {  	_ =	swait.ge [sflag:s23], $0x1  }
0xa3: {  	[sflag:s23] =	ssyncset.done $0x0  }
0xa4: {  	s25 =	simm.s32 $0x1B8E;
	s24 =	sld [smem:$0x3FFE];
	[sflag:s23] =	ssyncadd.s32 $0xFFFFFFFF  }
0xa5: {  	s26 =	simm.s32 $execute0_lowered;
	[smem:$0x3FD2] =	sst s25  }
0xa6: {  	s5 =	sshll.u32 s26, $0x1;
	_ =	strace $0x80000049;
	[dreg:$0x1] =	wrdreg $0xFFFFFFFF  }
0xa7: {  	s28 =	simm.s32 $_size_execute0_lowered;
	s3 =	sadd.s32 s3, s5;
	[dreg:$0x0] =	wrdreg $0x0  }
0xa8: {  	s5 =	sshll.u32 s28, $0x1;
	[dreg:$0x2] =	wrdreg s3  }
0xa9: {  	[dreg:$0x3] =	wrdreg s5  }
0xaa: {  	[dreg:$0x4] =	wrdreg $0xC0  }
0xab: {  	_ =	task [dreg:s7], $0x5FFFF  }
0xac: {  	[dreg:$0x1] =	wrdreg $0xFFFFFFFF  }
0xad: {  	[dreg:$0x0] =	wrdreg $0x60  }
0xae: {  	[dreg:$0x2] =	wrdreg s24  }
0xaf: {  	[dreg:$0x3] =	wrdreg s2  }
0xb0: {  	[dreg:$0x4] =	wrdreg $0xB9800  }
0xb1: {  	[dreg:$0x5] =	wrdreg $0x9  }
0xb2: {  	_ =	task.clear_ibuf [dreg:s7], $0x6FFFF;
	_ =	strace $0x90000049  }
0xb3: {  	s29 =	simm.s32 $0x9;
	_ =	strace $0x8000004B  }
0xb4: {  	_ =	swait.ge [sflag:s29], $0x1  }
0xb5: {  	[sflag:s29] =	ssyncadd.s32 $0xFFFFFFFF  }
0xb6: {  	_ =	strace $0x9000004B  }
0xb7: {  	_ =	sfence  }
0xb8: {  	s30 =	sld [smem:$0x0];
	_ =	sdelay $0x2  }
0xb9: {  	s31 =	sshll.u32 s1, $0xD;
	s1 =	sshrl.u32 s1, $0x2  }
0xba: {  	s3 =	sand.u32 $0x4000, s31;
	s1 =	sadd.s32 s1, s30  }
0xbb: {  	s0 =	sor.u32 s3, s0;
	s1 =	sshll.u32 s1, $0x11  }
0xbc: {  	s0 =	sor.u32 s1, s0  }
0xbd: {  	s0 =	sadd.s32 $0x8F2B, s0  }
0xbe: {  	[sflag:s0] =	ssyncadd.remote.s32 $0x1  }
0xbf: {  	_ =	sfence.sel $0xFFFF  }
0xc0: {  	[dreg:$0x0] =	wrdreg $0xFFFFFFFF;
	(pc) =	sbr.abs _section_cstart, $3  }
0xc1: {  	[dreg:$0x1] =	wrdreg $0xFFFFFFFF  }
0xc2: {  	_ =	task.clear_ibuf [dreg:s7], $0x2FFFF;
	_ =	strace $0x9FFFFFFF  }
0xc3: {  	(tm) =	ssettm $0x7FFFFFFF  }
tec
execute0_lowered:
.L_overlay_start_1:
0x0: {  	(tag) =	ssettag $0x1  }
0x1: {  	s18 =	stileid.u32  }
0x2: {  	s8 =	smul.u32 $0x19000, s18  }
0x3: {  	s0 =	rddreg [dreg:$0x0];
	s10 =	smul.u32 $0xC80, s18  }
0x4: {  	s1 =	rddreg [dreg:$0x1];
	s11 =	sor.u32 $0x10, s18;
	s23 =	smul.u32 $0x6400, s18  }
0x5: {  	s2 =	rddreg [dreg:$0x2];
	s13 =	smul.u32 $0x19000, s11  }
0x6: {  	s3 =	srdreg.scid;
	s15 =	sor.u32 $0x20, s18;
	s14 =	smul.u32 $0xC80, s11  }
0x7: {  	s4 =	simm.s32 $0x0;
	s30 =	simm.s32 $0xA;
	s25 =	smul.u32 $0x19000, s15  }
0x8: {  	s31 =	simm.s32 $0x4000;
	s16 =	sor.u32 $0x30, s18;
	s28 =	smul.u32 $0xC80, s15  }
0x9: {  	s3 =	sand.u32 $0x1, s3;
	[smem:$0x7FF] =	sst s4;
	s17 =	smul.u32 $0x19000, s16  }
0xa: {  	s29 =	sshll.u32 s18, $0x6;
	p0 =	sgt.u32 s18, $0x1;
	s19 =	smul.u32 $0xC80, s16  }
0xb: {  	s5 =	sshll.u32 s3, $0x4;
	_ =	strace $0x8000004A;
	s21 =	smul.u32 $0x138800, s3  }
0xc: {  	s9 =	ssub.s32 $0x2, s3;
	s3 =	smul.u32 $0x3E800, s3;
	s6 =	sor.u32 s18, s5  }
0xd: {  	s12 =	sshrl.u32 s9, $0x1;
	s8 =	sshrl.u32 s8, $0x2;
	s26 =	sadd.s32 s1, s10  }
0xe: {  	s5 =	sshll.u32 s6, $0xB;
	s9 =	ssub.s32 s9, s12;
	s8 =	sadd.s32 s8, s2  }
0xf: {  	[dreg:$0x5] =	wrdreg s26;
	s13 =	sshrl.u32 s13, $0x2;
	s6 =	smul.u32 $0x3E80, s6  }
0x10: {  	s14 =	sadd.s32 s1, s14;
	s12 =	sshrl.u32 s25, $0x2;
	s25 =	smul.u32 $0x6400, s11  }
0x11: {  	s20 =	sshrl.u32 s17, $0x2;
	s10 =	sadd.s32 s1, s28;
	s26 =	smul.u32 $0x6400, s15  }
0x12: {  	s24 =	sadd.s32 s1, s19;
	s15 =	smul.u32 $0x3E80, s18;
	s11 =	simm.s32 $0x1  }
0x13: {  	s18 =	simm.s32 $0x3;
	s7 =	sadd.s32 s5, s0;
	[dreg:$0x4] =	wrdreg s8  }
0x14: {  	s5 =	sadd.s32 $0x2E00, s0;
	s0 =	sadd.s32 $0x22800, s0;
	[dreg:$0x7] =	wrdreg s14  }
0x15: {  	s8 =	sor.u32 $0x1C0A, s29;
	s13 =	sadd.s32 s13, s2;
	[dreg:$0x9] =	wrdreg s10  }
0x16: {  	s12 =	sadd.s32 s12, s2;
	s22 =	sadd.s32 s20, s2;
	[dreg:$0xb] =	wrdreg s24  }
0x17: {  	s10 =	sadd.s32 s23, s21;
	s29 =	smul.u32 $0x6400, s16;
	[dreg:$0x6] =	wrdreg s13  }
0x18: {  	s23 =	smax.u32 s9, $0x1;
	s9 =	simm.s32 $0x4100;
	[dreg:$0x8] =	wrdreg s12  }
0x19: {  	s14 =	simm.s32 $0x2;
	[dreg:$0xa] =	wrdreg s22;
	s7 =	sadd.s32 $0x12800, s7  }
0x1a: {  	s6 =	sshrl.u32 s6, $0x3;
	s28 =	sshrl.u32 s10, $0x3;
	s13 =	sadd.s32 s21, s26  }
0x1b: {  	s3 =	sadd.s32 s15, s3;
	[dreg:$0x13] =	wrdreg s23;
	s10 =	simm.s32 $0x9180  }
0x1c: {  	s15 =	simm.s32 $0x5;
	[dreg:$0xc] =	wrdreg s7;
	s12 =	sadd.s32 s5, s6  }
0x1d: {  	s6 =	sadd.s32 s0, s28;
	s7 =	sadd.s32 s21, s25;
	s16 =	sshrl.u32 s13, $0x3  }
0x1e: {  	s17 =	sadd.s32 s21, s29;
	s25 =	sadd.s32 $0x180, s3;
	[dreg:$0xe] =	wrdreg s6  }
0x1f: {  	s20 =	sadd.s32 $0x280, s3;
	s21 =	sadd.s32 $0x200, s3;
	[dreg:$0x16] =	wrdreg s25  }
0x20: {  	s3 =	simm.s32 $0x4180;
	s22 =	sadd.s32 $0x10, s12;
	[dreg:$0xd] =	wrdreg s12  }
0x21: {  	s13 =	simm.s32 $0x7;
	s26 =	sadd.s32 $0x20, s12;
	[dreg:$0x12] =	wrdreg s22  }
0x22: {  	s6 =	sshrl.u32 s7, $0x3;
	s28 =	sadd.s32 $0x7B0, s12;
	[dreg:$0x17] =	wrdreg s26  }
0x23: {  	s19 =	sshrl.u32 s17, $0x3;
	s29 =	sadd.s32 $0x7C0, s12;
	[dreg:$0x18] =	wrdreg s28  }
0x24: {  	s7 =	simm.s32 $0x6980;
	s6 =	sadd.s32 s0, s6;
	[dreg:$0x19] =	wrdreg s29  }
0x25: {  	s12 =	simm.s32 $0x4;
	[dreg:$0xf] =	wrdreg s6;
	s6 =	sadd.s32 s0, s16  }
0x26: {  	s17 =	simm.s32 $0x8;
	s0 =	sadd.s32 s0, s19;
	[dreg:$0x10] =	wrdreg s6  }
0x27: {  	s19 =	simm.s32 $0x6;
	[dreg:$0x11] =	wrdreg s0;
	s0 =	sshrl.u32 s20, $0x3  }
0x28: {  	s6 =	sshrl.u32 s21, $0x3;
	s20 =	simm.s32 $0x9;
	s0 =	sadd.s32 s0, s5  }
0x29: {  	s21 =	simm.s32 $0x0;
	s24 =	sadd.s32 s6, s5;
	[dreg:$0x14] =	wrdreg s0  }
0x2a: {  	s6 =	simm.s32 $0x4080;
	[dreg:$0x15] =	wrdreg s24;
	s0 =	simm.s32 $0x50  }
.LBB2_1:
0x2b: {  	s16 =	rddreg [dreg:$0x4]  }
0x2c: {  	s23 =	rddreg [dreg:$0x5];
	s22 =	sshrl.u32 s16, $0x3  }
0x2d: {  	[dreg:$0x1a] =	wrdreg s22  }
0x2e: {  	[spmem:s22], [sflag:s8] =	dma.local [hbm:s23], $0xC80  }
0x2f: {  	_ =	swait.ge [sflag:s30], $0xC80  }
0x30: {  	s24 =	rddreg [dreg:$0x6]  }
0x31: {  	[sflag:s30] =	ssyncset.done $0x0;
	s26 =	rddreg [dreg:$0x7];
	s25 =	sshrl.u32 s24, $0x3  }
0x32: {  	[sflag:s30] =	ssyncadd.s32 $0xFFFFF380;
	[dreg:$0x1b] =	wrdreg s25  }
0x33: {  	[spmem:s25], [sflag:s8] =	dma.local [hbm:s26], $0xC80  }
0x34: {  	_ =	swait.ge [sflag:s30], $0xC80  }
0x35: {  	[sflag:s30] =	ssyncset.done $0x0;
	s22 =	rddreg [dreg:$0x8]  }
0x36: {  	s23 =	rddreg [dreg:$0x9];
	[sflag:s30] =	ssyncadd.s32 $0xFFFFF380;
	s28 =	sshrl.u32 s22, $0x3  }
0x37: {  	[spmem:s28], [sflag:s8] =	dma.local [hbm:s23], $0xC80  }
0x38: {  	_ =	swait.ge [sflag:s30], $0xC80  }
0x39: {  	[sflag:s30] =	ssyncset.done $0x0;
	s16 =	rddreg [dreg:$0xa]  }
0x3a: {  	[sflag:s30] =	ssyncadd.s32 $0xFFFFF380;
	s29 =	sshrl.u32 @!p0 s16, $0x3;
	s16 =	rddreg [dreg:$0xb]  }
0x3b: {  	[spmem:s29], [sflag:s8] =	dma.local @!p0 [hbm:s16], $0xC80  }
0x3c: {  	s16 =	simm.s32 @!p0 $0xA  }
0x3d: {  	_ =	swait.ge @!p0 [sflag:s16], $0xC80  }
0x3e: {  	[sflag:s16] =	ssyncset.done @!p0 $0x0  }
0x3f: {  	s24 =	rddreg [dreg:$0xc];
	[sflag:s16] =	ssyncadd.s32 @!p0 $0xFFFFF380  }
0x40: {  	[tilespmem:s4], [sflag:$0xA] =	stream.linear.gather [hbm4b:s24+s4], $0x3E80, $0x38;
	[tilespmem:$0x1F200] =	vst v63  }
0x41: {  	_ =	swait.ge [sflag:s30], $0x3E80  }
0x42: {  	[sflag:s30] =	ssyncset.done $0x0  }
0x43: {  	[sflag:s30] =	ssyncadd.s32 $0xFFFFC180  }
0x44: {  	[bflag:$0x0] =	sbarrier.arrive $0xFFFF  }
0x45: {  	s25 =	rddreg [dreg:$0xd]  }
0x46: {  	[tilespmem:s31], [sflag:$0x1] =	stream.linear.gather [hbm4b:s25+s4], $0x80, $0x38;
	[tilespmem:$0x1F200] =	vst v63  }
0x47: {  	_ = 	snop  }
0x48: {  	[tilespmem:s3], [sflag:$0x4] =	stream.indirect.gather [hbm4b:s1+s0], $0x80, s4, s0, $0xb8;
	[tilespmem:$0x1F200] =	vst v63  }
0x49: {  	s26 =	rddreg [dreg:$0x12]  }
0x4a: {  	[tilespmem:s6], [sflag:$0x2] =	stream.linear.gather [hbm4b:s26+s4], $0x80, $0x38;
	[tilespmem:$0x1F200] =	vst v63  }
0x4b: {  	s22 =	simm.s32 $0x80  }
0x4c: {  	[tilespmem:s7], [sflag:$0x5] =	stream.indirect.gather [hbm4b:s1+s0], $0x80, s22, s0, $0xb8;
	[tilespmem:$0x1F200] =	vst v63  }
0x4d: {  	s23 =	rddreg [dreg:$0x17]  }
0x4e: {  	[tilespmem:s9], [sflag:$0x3] =	stream.linear.gather [hbm4b:s23+s4], $0x80, $0x38;
	[tilespmem:$0x1F200] =	vst v63  }
0x4f: {  	s24 =	simm.s32 $0x100  }
0x50: {  	[tilespmem:s10], [sflag:$0x6] =	stream.indirect.gather [hbm4b:s1+s0], $0x80, s24, s0, $0xb8;
	[tilespmem:$0x1F200] =	vst v63  }
0x51: {  	_ =	swait.ge [sflag:s11], $0x80  }
0x52: {  	[sflag:s11] =	ssyncset.done $0x0  }
0x53: {  	[sflag:s11] =	ssyncadd.s32 $0xFFFFFF80  }
0x54: {  	_ =	swait.ge [sflag:s12], $0x2800  }
0x55: {  	[sflag:s12] =	ssyncset.done $0x0  }
0x56: {  	[sflag:s12] =	ssyncadd.s32 $0xFFFFD800  }
0x57: {  	[spmem:s2] =	stream.indirect.scatter.add.f32 [tilespmem:s3], [sflag:$0x7], $0x80, s31, s0, $0xb8;
	[tilespmem:$0x1F200] =	vst v63  }
0x58: {  	_ =	swait.ge [sflag:s13], $0x2800  }
0x59: {  	s23 =	rddreg [dreg:$0x16]  }
0x5a: {  	[sflag:s13] =	ssyncset.done $0x0;
	s25 =	sshrl.u32 s23, $0x3  }
0x5b: {  	[sflag:s13] =	ssyncadd.s32 $0xFFFFD800;
	s16 =	sadd.s32 s5, s25  }
0x5c: {  	[tilespmem:s31], [sflag:$0x1] =	stream.linear.gather [hbm4b:s16+s4], $0x80, $0x38;
	[tilespmem:$0x1F200] =	vst v63  }
0x5d: {  	s26 =	simm.s32 $0x180  }
0x5e: {  	[tilespmem:s3], [sflag:$0x4] =	stream.indirect.gather [hbm4b:s1+s0], $0x80, s26, s0, $0xb8;
	[tilespmem:$0x1F200] =	vst v63  }
0x5f: {  	_ =	swait.ge [sflag:s14], $0x80  }
0x60: {  	[sflag:s14] =	ssyncset.done $0x0  }
0x61: {  	[sflag:s14] =	ssyncadd.s32 $0xFFFFFF80  }
0x62: {  	_ =	swait.ge [sflag:s15], $0x2800  }
0x63: {  	[sflag:s15] =	ssyncset.done $0x0  }
0x64: {  	[sflag:s15] =	ssyncadd.s32 $0xFFFFD800  }
0x65: {  	[spmem:s2] =	stream.indirect.scatter.add.f32 [tilespmem:s7], [sflag:$0x8], $0x80, s6, s0, $0xb8;
	[tilespmem:$0x1F200] =	vst v63  }
0x66: {  	_ =	swait.ge [sflag:s17], $0x2800  }
0x67: {  	[sflag:s17] =	ssyncset.done $0x0  }
0x68: {  	s25 =	rddreg [dreg:$0x15];
	[sflag:s17] =	ssyncadd.s32 $0xFFFFD800  }
0x69: {  	[tilespmem:s6], [sflag:$0x2] =	stream.linear.gather [hbm4b:s25+s4], $0x80, $0x38;
	[tilespmem:$0x1F200] =	vst v63  }
0x6a: {  	s22 =	simm.s32 $0x200  }
0x6b: {  	[tilespmem:s7], [sflag:$0x5] =	stream.indirect.gather [hbm4b:s1+s0], $0x80, s22, s0, $0xb8;
	[tilespmem:$0x1F200] =	vst v63  }
0x6c: {  	_ =	swait.ge [sflag:s18], $0x80  }
0x6d: {  	[sflag:s18] =	ssyncset.done $0x0  }
0x6e: {  	[sflag:s18] =	ssyncadd.s32 $0xFFFFFF80  }
0x6f: {  	_ =	swait.ge [sflag:s19], $0x2800  }
0x70: {  	[sflag:s19] =	ssyncset.done $0x0  }
0x71: {  	[sflag:s19] =	ssyncadd.s32 $0xFFFFD800  }
0x72: {  	[spmem:s2] =	stream.indirect.scatter.add.f32 [tilespmem:s10], [sflag:$0x9], $0x80, s9, s0, $0xb8;
	[tilespmem:$0x1F200] =	vst v63  }
0x73: {  	_ =	swait.ge [sflag:s20], $0x2800  }
0x74: {  	[sflag:s20] =	ssyncset.done $0x0  }
0x75: {  	s24 =	rddreg [dreg:$0x14];
	[sflag:s20] =	ssyncadd.s32 $0xFFFFD800  }
0x76: {  	[tilespmem:s9], [sflag:$0x3] =	stream.linear.gather [hbm4b:s24+s4], $0x80, $0x38;
	[tilespmem:$0x1F200] =	vst v63  }
0x77: {  	s26 =	simm.s32 $0x280  }
0x78: {  	[tilespmem:s10], [sflag:$0x6] =	stream.indirect.gather [hbm4b:s1+s0], $0x80, s26, s0, $0xb8;
	[tilespmem:$0x1F200] =	vst v63  }
0x79: {  	_ =	swait.ge [sflag:s11], $0x80  }
0x7a: {  	[sflag:s11] =	ssyncset.done $0x0  }
0x7b: {  	[sflag:s11] =	ssyncadd.s32 $0xFFFFFF80  }
0x7c: {  	_ =	swait.ge [sflag:s12], $0x2800  }
0x7d: {  	s23 =	sadd.s32 $0x180, s23;
	s16 =	simm.s32 $0x600;
	[sflag:s12] =	ssyncset.done $0x0  }
0x7e: {  	s25 =	sadd.s32 $0x30, s25;
	s24 =	sadd.s32 $0x30, s24;
	[sflag:s12] =	ssyncadd.s32 $0xFFFFD800  }
.LBB2_2:
0x7f: {  	[spmem:s2] =	stream.indirect.scatter.add.f32 [tilespmem:s3], [sflag:$0x7], $0x80, s31, s0, $0xb8;
	[tilespmem:$0x1F200] =	vst v63  }
0x80: {  	s22 =	smov.u32 s16  }
0x81: {  	p1 =	sne.s32 s16, $0xEA00;
	s16 =	sadd.s32 $0x600, s16;
	_ =	swait.ge [sflag:s13], $0x2800  }
0x82: {  	s26 =	sshrl.u32 s23, $0x3;
	[sflag:s13] =	ssyncset.done $0x0  }
0x83: {  	s26 =	sadd.s32 s5, s26;
	s22 =	sshra.s32 s22, $0x2;
	[sflag:s13] =	ssyncadd.s32 $0xFFFFD800  }
0x84: {  	[tilespmem:s31], [sflag:$0x1] =	stream.linear.gather [hbm4b:s26+s4], $0x80, $0x38;
	[tilespmem:$0x1F200] =	vst v63  }
0x85: {  	s26 =	sadd.s32 $0x180, s22  }
0x86: {  	[tilespmem:s3], [sflag:$0x4] =	stream.indirect.gather [hbm4b:s1+s0], $0x80, s26, s0, $0xb8;
	[tilespmem:$0x1F200] =	vst v63  }
0x87: {  	_ =	swait.ge [sflag:s14], $0x80  }
0x88: {  	[sflag:s14] =	ssyncset.done $0x0  }
0x89: {  	[sflag:s14] =	ssyncadd.s32 $0xFFFFFF80  }
0x8a: {  	_ =	swait.ge [sflag:s15], $0x2800  }
0x8b: {  	[sflag:s15] =	ssyncset.done $0x0  }
0x8c: {  	[sflag:s15] =	ssyncadd.s32 $0xFFFFD800  }
0x8d: {  	[spmem:s2] =	stream.indirect.scatter.add.f32 [tilespmem:s7], [sflag:$0x8], $0x80, s6, s0, $0xb8;
	[tilespmem:$0x1F200] =	vst v63  }
0x8e: {  	_ =	swait.ge [sflag:s17], $0x2800  }
0x8f: {  	[sflag:s17] =	ssyncset.done $0x0  }
0x90: {  	[sflag:s17] =	ssyncadd.s32 $0xFFFFD800  }
0x91: {  	[tilespmem:s6], [sflag:$0x2] =	stream.linear.gather [hbm4b:s25+s4], $0x80, $0x38;
	[tilespmem:$0x1F200] =	vst v63  }
0x92: {  	s26 =	sadd.s32 $0x200, s22  }
0x93: {  	[tilespmem:s7], [sflag:$0x5] =	stream.indirect.gather [hbm4b:s1+s0], $0x80, s26, s0, $0xb8;
	[tilespmem:$0x1F200] =	vst v63  }
0x94: {  	_ =	swait.ge [sflag:s18], $0x80  }
0x95: {  	[sflag:s18] =	ssyncset.done $0x0  }
0x96: {  	[sflag:s18] =	ssyncadd.s32 $0xFFFFFF80  }
0x97: {  	_ =	swait.ge [sflag:s19], $0x2800  }
0x98: {  	[sflag:s19] =	ssyncset.done $0x0  }
0x99: {  	[sflag:s19] =	ssyncadd.s32 $0xFFFFD800  }
0x9a: {  	[spmem:s2] =	stream.indirect.scatter.add.f32 [tilespmem:s10], [sflag:$0x9], $0x80, s9, s0, $0xb8;
	[tilespmem:$0x1F200] =	vst v63  }
0x9b: {  	_ =	swait.ge [sflag:s20], $0x2800  }
0x9c: {  	[sflag:s20] =	ssyncset.done $0x0  }
0x9d: {  	[sflag:s20] =	ssyncadd.s32 $0xFFFFD800  }
0x9e: {  	[tilespmem:s9], [sflag:$0x3] =	stream.linear.gather [hbm4b:s24+s4], $0x80, $0x38;
	[tilespmem:$0x1F200] =	vst v63  }
0x9f: {  	s22 =	sadd.s32 $0x280, s22  }
0xa0: {  	[tilespmem:s10], [sflag:$0x6] =	stream.indirect.gather [hbm4b:s1+s0], $0x80, s22, s0, $0xb8;
	[tilespmem:$0x1F200] =	vst v63  }
0xa1: {  	_ =	swait.ge [sflag:s11], $0x80  }
.Ltmp0:
0xa2: {  	[sflag:s11] =	ssyncset.done $0x0;
	(pc) =	sbr.rel @p1 .LBB2_2-.Ltmp0, $4  }
0xa3: {  	[sflag:s11] =	ssyncadd.s32 $0xFFFFFF80  }
0xa4: {  	_ =	swait.ge [sflag:s12], $0x2800  }
0xa5: {  	s23 =	sadd.s32 $0x180, s23;
	[sflag:s12] =	ssyncset.done $0x0  }
0xa6: {  	s25 =	sadd.s32 $0x30, s25;
	s24 =	sadd.s32 $0x30, s24;
	[sflag:s12] =	ssyncadd.s32 $0xFFFFD800  }
0xa7: {  	[spmem:s2] =	stream.indirect.scatter.add.f32 [tilespmem:s3], [sflag:$0x7], $0x80, s31, s0, $0xb8;
	[tilespmem:$0x1F200] =	vst v63  }
0xa8: {  	_ =	swait.ge [sflag:s13], $0x2800  }
0xa9: {  	[sflag:s13] =	ssyncset.done $0x0  }
0xaa: {  	s16 =	rddreg [dreg:$0x18];
	[sflag:s13] =	ssyncadd.s32 $0xFFFFD800  }
0xab: {  	[tilespmem:s31], [sflag:$0x1] =	stream.linear.gather [hbm4b:s16+s4], $0x80, $0x38;
	[tilespmem:$0x1F200] =	vst v63  }
0xac: {  	s25 =	simm.s32 $0x3D80  }
0xad: {  	[tilespmem:s3], [sflag:$0x4] =	stream.indirect.gather [hbm4b:s1+s0], $0x80, s25, s0, $0xb8;
	[tilespmem:$0x1F200] =	vst v63  }
0xae: {  	_ =	swait.ge [sflag:s14], $0x80  }
0xaf: {  	[sflag:s14] =	ssyncset.done $0x0  }
0xb0: {  	[sflag:s14] =	ssyncadd.s32 $0xFFFFFF80  }
0xb1: {  	_ =	swait.ge [sflag:s15], $0x2800  }
0xb2: {  	[sflag:s15] =	ssyncset.done $0x0  }
0xb3: {  	[sflag:s15] =	ssyncadd.s32 $0xFFFFD800  }
0xb4: {  	[spmem:s2] =	stream.indirect.scatter.add.f32 [tilespmem:s7], [sflag:$0x8], $0x80, s6, s0, $0xb8;
	[tilespmem:$0x1F200] =	vst v63  }
0xb5: {  	_ =	swait.ge [sflag:s17], $0x2800  }
0xb6: {  	[sflag:s17] =	ssyncset.done $0x0  }
0xb7: {  	s26 =	rddreg [dreg:$0x19];
	[sflag:s17] =	ssyncadd.s32 $0xFFFFD800  }
0xb8: {  	[tilespmem:s6], [sflag:$0x2] =	stream.linear.gather [hbm4b:s26+s4], $0x80, $0x38;
	[tilespmem:$0x1F200] =	vst v63  }
0xb9: {  	s22 =	simm.s32 $0x3E00  }
0xba: {  	[tilespmem:s7], [sflag:$0x5] =	stream.indirect.gather [hbm4b:s1+s0], $0x80, s22, s0, $0xb8;
	[tilespmem:$0x1F200] =	vst v63  }
0xbb: {  	_ =	swait.ge [sflag:s18], $0x80  }
0xbc: {  	[sflag:s18] =	ssyncset.done $0x0  }
0xbd: {  	[sflag:s18] =	ssyncadd.s32 $0xFFFFFF80  }
0xbe: {  	_ =	swait.ge [sflag:s19], $0x2800  }
0xbf: {  	[sflag:s19] =	ssyncset.done $0x0  }
0xc0: {  	[sflag:s19] =	ssyncadd.s32 $0xFFFFD800  }
0xc1: {  	[spmem:s2] =	stream.indirect.scatter.add.f32 [tilespmem:s10], [sflag:$0x9], $0x80, s9, s0, $0xb8;
	[tilespmem:$0x1F200] =	vst v63  }
0xc2: {  	_ =	swait.ge [sflag:s20], $0x2800  }
0xc3: {  	[sflag:s20] =	ssyncset.done $0x0  }
0xc4: {  	[sflag:s20] =	ssyncadd.s32 $0xFFFFD800  }
0xc5: {  	_ =	swait.ge [sflag:s11], $0x80  }
0xc6: {  	[sflag:s11] =	ssyncset.done $0x0  }
0xc7: {  	[sflag:s11] =	ssyncadd.s32 $0xFFFFFF80  }
0xc8: {  	_ =	swait.ge [sflag:s12], $0x2800  }
0xc9: {  	[sflag:s12] =	ssyncset.done $0x0  }
0xca: {  	[sflag:s12] =	ssyncadd.s32 $0xFFFFD800  }
0xcb: {  	[spmem:s2] =	stream.indirect.scatter.add.f32 [tilespmem:s3], [sflag:$0x7], $0x80, s31, s0, $0xb8;
	[tilespmem:$0x1F200] =	vst v63  }
0xcc: {  	_ =	swait.ge [sflag:s13], $0x2800  }
0xcd: {  	[sflag:s13] =	ssyncset.done $0x0  }
0xce: {  	[sflag:s13] =	ssyncadd.s32 $0xFFFFD800  }
0xcf: {  	_ =	swait.ge [sflag:s14], $0x80  }
0xd0: {  	[sflag:s14] =	ssyncset.done $0x0  }
0xd1: {  	[sflag:s14] =	ssyncadd.s32 $0xFFFFFF80  }
0xd2: {  	_ =	swait.ge [sflag:s15], $0x2800  }
0xd3: {  	[sflag:s15] =	ssyncset.done $0x0  }
0xd4: {  	[sflag:s15] =	ssyncadd.s32 $0xFFFFD800  }
0xd5: {  	[spmem:s2] =	stream.indirect.scatter.add.f32 [tilespmem:s7], [sflag:$0x8], $0x80, s6, s0, $0xb8;
	[tilespmem:$0x1F200] =	vst v63  }
0xd6: {  	_ =	swait.ge [sflag:s17], $0x2800  }
0xd7: {  	[sflag:s17] =	ssyncset.done $0x0  }
0xd8: {  	[sflag:s17] =	ssyncadd.s32 $0xFFFFD800  }
0xd9: {  	[bflag:$0x0] =	sbarrier.arrive $0xFFFF  }
0xda: {  	s23 =	rddreg [dreg:$0xe]  }
0xdb: {  	s22 =	rddreg [dreg:$0x1a]  }
0xdc: {  	[hbm:s23], [sflag:s8] =	dma.local [spmem:s22], $0xC80  }
0xdd: {  	_ =	swait.ge [sflag:s30], $0xC80  }
0xde: {  	[sflag:s30] =	ssyncset.done $0x0;
	s24 =	rddreg [dreg:$0xf]  }
0xdf: {  	s25 =	rddreg [dreg:$0x1b];
	[sflag:s30] =	ssyncadd.s32 $0xFFFFF380  }
0xe0: {  	[hbm:s24], [sflag:s8] =	dma.local [spmem:s25], $0xC80  }
0xe1: {  	_ =	swait.ge [sflag:s30], $0xC80  }
0xe2: {  	[sflag:s30] =	ssyncset.done $0x0  }
0xe3: {  	s26 =	rddreg [dreg:$0x10];
	[sflag:s30] =	ssyncadd.s32 $0xFFFFF380  }
0xe4: {  	[hbm:s26], [sflag:s8] =	dma.local [spmem:s28], $0xC80  }
0xe5: {  	_ =	swait.ge [sflag:s30], $0xC80  }
0xe6: {  	[sflag:s30] =	ssyncset.done $0x0  }
0xe7: {  	s16 =	rddreg [dreg:$0x11];
	[sflag:s30] =	ssyncadd.s32 $0xFFFFF380  }
0xe8: {  	[hbm:s16], [sflag:s8] =	dma.local @!p0 [spmem:s29], $0xC80  }
0xe9: {  	s16 =	simm.s32 @!p0 $0xA  }
0xea: {  	_ =	swait.ge @!p0 [sflag:s16], $0xC80  }
0xeb: {  	s21 =	sadd.s32 $0x1, s21;
	s29 =	rddreg [dreg:$0x13]  }
0xec: {  	p1 =	sne.s32 s21, s29  }
.Ltmp1:
0xed: {  	_ = 	snop;
	(pc) =	sbr.rel @p1 .LBB2_1-.Ltmp1, $3  }
0xee: {  	_ =	sdelay $0x1  }
0xef: {  	[sflag:s16] =	ssyncset.done @!p0 $0x0  }
0xf0: {  	[sflag:s16] =	ssyncadd.s32 @!p0 $0xFFFFF380  }
0xf1: {  	_ =	sfence.sel $0x180000  }
0xf2: {  	[bflag:$0x0] =	sbarrier.arrive $0xFFFF  }
0xf3: {  	_ =	strace $0x9000004A  }
0xf4: {  	s0 =	stileid.u32;
	[bflag:$0x2] =	sbarrier.arrive $0xFFFF  }
0xf5: {  	p0 =	sne.s32 s0, $0x0;
	s0 =	rddreg [dreg:$0x3]  }
0xf6: {  	s0 =	sadd.s32 @!p0 $0x100000, s0  }
0xf7: {  	[sflag:s0] =	ssyncadd.tile.s32 @!p0 $0x1;
	_ =	shalt  }
.Lfunc_end2:
_tile_overlayer_lowered:
.L_overlay_start_2:
0xf8: {  	(tag) =	ssettag $0x2  }
0xf9: {  	s0 =	rddreg [dreg:$0x0];
	s2 =	stileid.u32  }
0xfa: {  	s1 =	rddreg [dreg:$0x1];
	p0 =	sne.s32 s2, $0x0  }
0xfb: {  	s3 =	rddreg [dreg:$0x2];
	[bflag:$0x3] =	sbarrier.arrive $0xFFFF;
	s2 =	simm.s32 @!p0 $0x1C0A  }
0xfc: {  	[timem:s3], [sflag:s2] =	dma.local @!p0 [hbm:s0], s1  }
0xfd: {  	s0 =	simm.s32 @!p0 $0xA  }
0xfe: {  	_ =	swait.ge @!p0 [sflag:s0], s1  }
0xff: {  	s1 =	ssub.s32 @!p0 $0x0, s1;
	[sflag:s0] =	ssyncset.done @!p0 $0x0  }
0x100: {  	[sflag:s0] =	ssyncadd.s32 @!p0 s1  }
0x101: {  	[bflag:$0x3] =	sbarrier.arrive $0xFFFF  }
0x102: {  	_ =	shalt  }

// kernel: kernel.14.cloned.1.call-start
scs
__scs_entry_jumppad:
0x0: {  	(pc) =	sbr.rel $0x88, $3  }
0x1: {  	(tag) =	ssettag $0x0;
	lr =	simm.s32 $0x1  }
0x2: {  	[smem:$0x3F99] =	sst lr;
	_ =	strace $0xD0000000  }
0x3: {  	_ = 	snop  }
0x4: {  	_ = 	snop  }
0x5: {  	_ = 	snop  }
0x6: {  	_ = 	snop  }
0x7: {  	_ = 	snop  }
__scs_overlays_trampoline_lowered:
0x8: {  	[smem:$0x3FA8] =	sst s0  }
0x9: {  	[smem:$0x3FA9] =	sst s1  }
0xa: {  	[smem:$0x3FAA] =	sst s2  }
0xb: {  	[smem:$0x3FAB] =	sst s3  }
0xc: {  	[smem:$0x3FAC] =	sst s4  }
0xd: {  	[smem:$0x3FAD] =	sst s5  }
0xe: {  	[smem:$0x3FAE] =	sst s6  }
0xf: {  	[smem:$0x3FAF] =	sst s7  }
0x10: {  	[smem:$0x3FB0] =	sst s8  }
0x11: {  	[smem:$0x3FB1] =	sst s9;
	s0 =	simm.s32 @!p0 $0x0  }
0x12: {  	s1 =	sld [smem:$0x3F97];
	s0 =	simm.s32 @p0 $0x1  }
0x13: {  	[smem:$0x3FB2] =	sst s0;
	s0 =	simm.s32 @!p1 $0x0  }
0x14: {  	s2 =	sld [smem:$0x3F96];
	s0 =	simm.s32 @p1 $0x1  }
0x15: {  	[smem:$0x3FB3] =	sst s0;
	s0 =	simm.s32 @!p2 $0x0  }
0x16: {  	s3 =	sld [smem:$0x3FDB];
	s0 =	simm.s32 @p2 $0x1  }
0x17: {  	s4 =	simm.s32 $0x1BF5;
	[smem:$0x3FB5] =	sst s0  }
0x18: {  	s0 =	sld [smem:$0x3F98];
	_ =	swait.ge [sflag:s4], $0x0  }
0x19: {  	s7 =	sld [smem:$0x3F99]  }
0x1a: {  	s8 =	sadd.s32 $0xFFFFE003, lr  }
0x1b: {  	s9 =	sadd.s32 $0xFFFFFEF7, lr;
	s5 =	simm.s32 $0xFFFFFFFF;
	p2 =	slt.u32 s8, $0xFFFFF086  }
0x1c: {  	p1 =	slt.u32 s9, $0xF7A;
	s5 =	simm.s32 @!p2 $0x0  }
0x1d: {  	s5 =	simm.s32 @p1 $0x1;
	p0 =	seq.s32 s7, s2  }
0x1e: {  	s7 =	smul.u32 @!p0 $0xF7A, s2;
	p2 =	seq.s32 @!p0 s5, $0x0  }
0x1f: {  	s9 =	smul.u32 $0xF7A, s1;
	s8 =	simm.s32 @!p0 $0x1BF5;
	p2 =	por !p2, p0  }
0x20: {  	[sflag:s8] =	ssyncset.s32 @!p0 $0xFFFFF086;
	s6 =	sadd.s32 @!p0 s3, s7;
	s7 =	simm.s32 @!p0 $0x108  }
0x21: {  	s3 =	sadd.s32 s3, s9;
	s6 =	sadd.s32 @!p0 $0x88, s6;
	s7 =	simm.s32 @p2 $0x1082  }
0x22: {  	[simem:s7], [sflag:s8] =	dma.local @!p0 [hbm:s6], $0xF7A  }
0x23: {  	s9 =	sor.u32 $0xD0000000, s2;
	s6 =	simm.s32 $0x108;
	_ =	swait.ge @!p0 [sflag:s8], $0x0  }
0x24: {  	s3 =	sadd.s32 $0x88, s3;
	s6 =	simm.s32 @!p1 $0x1082;
	[sflag:s4] =	ssyncset.s32 $0xFFFFF086  }
0x25: {  	[simem:s6], [sflag:s4] =	dma.local [hbm:s3], $0xF7A  }
0x26: {  	[smem:$0x3F99] =	sst s1;
	(tag) =	ssettag s2;
	_ =	strace s9  }
0x27: {  	s1 =	sld [smem:$0x3FA9]  }
0x28: {  	s2 =	sld [smem:$0x3FAA]  }
0x29: {  	s4 =	sld [smem:$0x3FAC]  }
0x2a: {  	p0 =	seq.s32 s5, $0x0;
	s5 =	sld [smem:$0x3FAD]  }
0x2b: {  	s6 =	sld [smem:$0x3FAE]  }
0x2c: {  	s7 =	sld [smem:$0x3FAF]  }
0x2d: {  	s3 =	simm.s32 $0x108;
	s8 =	sld [smem:$0x3FB0]  }
0x2e: {  	s3 =	simm.s32 @!p0 $0x1082;
	s9 =	sld [smem:$0x3FB1]  }
0x2f: {  	lr =	sadd.s32 s0, s3;
	s0 =	sld [smem:$0x3FA8]  }
0x30: {  	s3 =	sld [smem:$0x3FAB]  }
0x31: {  	[smem:$0x3FB4] =	sst s10  }
0x32: {  	s10 =	sld [smem:$0x3FB2];
	_ =	sdelay $0x3  }
0x33: {  	p0 =	seq.s32 s10, $0x1;
	s10 =	sld [smem:$0x3FB4];
	_ =	sdelay $0x3  }
0x34: {  	[smem:$0x3FB4] =	sst s10  }
0x35: {  	s10 =	sld [smem:$0x3FB3];
	_ =	sdelay $0x3  }
0x36: {  	p1 =	seq.s32 s10, $0x1;
	s10 =	sld [smem:$0x3FB4];
	_ =	sdelay $0x3  }
0x37: {  	[smem:$0x3FB4] =	sst s10  }
0x38: {  	s10 =	sld [smem:$0x3FB5]  }
0x39: {  	_ = 	snop;
	(pc) =	sbr.ind lr, $3  }
0x3a: {  	_ = 	snop  }
0x3b: {  	_ = 	snop  }
0x3c: {  	p2 =	seq.s32 s10, $0x1;
	s10 =	sld [smem:$0x3FB4]  }
0x3d: {  	_ =	shalt  }
0x3e: {  	_ =	shalt  }
0x3f: {  	_ =	shalt  }
0x40: {  	_ =	shalt  }
0x41: {  	_ =	shalt  }
0x42: {  	_ =	shalt  }
0x43: {  	_ =	shalt  }
0x44: {  	_ =	shalt  }
0x45: {  	_ =	shalt  }
0x46: {  	_ =	shalt  }
0x47: {  	_ =	shalt  }
0x48: {  	_ =	shalt  }
0x49: {  	_ =	shalt  }
0x4a: {  	_ =	shalt  }
0x4b: {  	_ =	shalt  }
0x4c: {  	_ =	shalt  }
0x4d: {  	_ =	shalt  }
0x4e: {  	_ =	shalt  }
0x4f: {  	_ =	shalt  }
0x50: {  	_ =	shalt  }
0x51: {  	_ =	shalt  }
0x52: {  	_ =	shalt  }
0x53: {  	_ =	shalt  }
0x54: {  	_ =	shalt  }
0x55: {  	_ =	shalt  }
0x56: {  	_ =	shalt  }
0x57: {  	_ =	shalt  }
0x58: {  	_ =	shalt  }
0x59: {  	_ =	shalt  }
0x5a: {  	_ =	shalt  }
0x5b: {  	_ =	shalt  }
0x5c: {  	_ =	shalt  }
0x5d: {  	_ =	shalt  }
0x5e: {  	_ =	shalt  }
0x5f: {  	_ =	shalt  }
0x60: {  	_ =	shalt  }
0x61: {  	_ =	shalt  }
0x62: {  	_ =	shalt  }
0x63: {  	_ =	shalt  }
0x64: {  	_ =	shalt  }
0x65: {  	_ =	shalt  }
0x66: {  	_ =	shalt  }
0x67: {  	_ =	shalt  }
0x68: {  	_ =	shalt  }
0x69: {  	_ =	shalt  }
0x6a: {  	_ =	shalt  }
0x6b: {  	_ =	shalt  }
0x6c: {  	_ =	shalt  }
0x6d: {  	_ =	shalt  }
0x6e: {  	_ =	shalt  }
0x6f: {  	_ =	shalt  }
0x70: {  	_ =	shalt  }
0x71: {  	_ =	shalt  }
0x72: {  	_ =	shalt  }
0x73: {  	_ =	shalt  }
0x74: {  	_ =	shalt  }
0x75: {  	_ =	shalt  }
0x76: {  	_ =	shalt  }
0x77: {  	_ =	shalt  }
0x78: {  	_ =	shalt  }
0x79: {  	_ =	shalt  }
0x7a: {  	_ =	shalt  }
0x7b: {  	_ =	shalt  }
0x7c: {  	_ =	shalt  }
0x7d: {  	_ =	shalt  }
0x7e: {  	_ =	shalt  }
0x7f: {  	_ =	shalt  }
0x80: {  	_ =	shalt  }
0x81: {  	_ =	shalt  }
0x82: {  	_ =	shalt  }
0x83: {  	_ =	shalt  }
0x84: {  	_ =	shalt  }
0x85: {  	_ =	shalt  }
0x86: {  	_ =	shalt  }
0x87: {  	_ =	shalt  }
.Lfunc_end0:
.L_simem_size_0:
called_computation.2_lowered:
.L_overlay_start_0:
0x88: {  	s2 =	sld [smem:$0x3FD9]  }
0x89: {  	s3 =	sld [smem:$0x3FFE];
	_ =	sdelay $0x1  }
0x8a: {  	s1 =	srdreg.scid  }
0x8b: {  	s0 =	sand.u32 $0x1, s1  }
0x8c: {  	s17 =	sshll.u32 s0, $0xA;
	s2 =	sadd.s32 s3, s2  }
0x8d: {  	s2 =	sadd.s32 s2, s17  }
0x8e: {  	[smem:$0x3FC0] =	sst s2  }
0x8f: {  	_ = 	snop  }
0x90: {  	s2 =	sld [smem:$0x3FD0];
	(tm) =	ssettm $0x1  }
0x91: {  	s18 =	sld [smem:$0x3FFB];
	_ =	sdelay $0x3  }
0x92: {  	_ =	strace s18  }
0x93: {  	s3 =	sld [smem:$0x3FFC];
	_ =	sdelay $0x3  }
0x94: {  	_ =	strace s3  }
0x95: {  	s3 =	sld [smem:$0x3FFD];
	_ =	sdelay $0x3  }
0x96: {  	_ =	strace s3  }
0x97: {  	_ =	strace $0x8FFFFFFF  }
0x98: {  	s19 =	sld [smem:$0x3FDB];
	_ =	sdelay $0x1  }
0x99: {  	s4 =	simm.s32 $_scs_section_size  }
0x9a: {  	s5 =	simm.s32 $_size__tile_overlayer_lowered;
	s6 =	simm.s32 $_tile_overlayer_lowered  }
0x9b: {  	s22 =	simm.s32 $0x1BFF;
	s21 =	sshll.u32 s6, $0x1;
	s3 =	sadd.s32 s4, s19  }
0x9c: {  	s7 =	simm.s32 $0x0;
	s20 =	sshll.u32 s5, $0x1;
	s5 =	sadd.s32 s21, s3  }
0x9d: {  	[timem:s7], [sflag:s22] =	dma.local [hbm:s5], s20  }
0x9e: {  	_ =	swait.ge [sflag:s22], s20  }
0x9f: {  	s4 =	ssub.s32 $0x0, s20;
	[sflag:s22] =	ssyncset.done $0x0  }
0xa0: {  	[sflag:s22] =	ssyncadd.s32 s4;
	_ =	sdelay $0x1  }
0xa1: {  	s23 =	simm.s32 $0x1B8B  }
0xa2: {  	_ =	swait.ge [sflag:s23], $0x1  }
0xa3: {  	[sflag:s23] =	ssyncset.done $0x0  }
0xa4: {  	s25 =	simm.s32 $0x1B8E;
	s24 =	sld [smem:$0x3FFE];
	[sflag:s23] =	ssyncadd.s32 $0xFFFFFFFF  }
0xa5: {  	s26 =	simm.s32 $execute0_lowered;
	[smem:$0x3FD2] =	sst s25  }
0xa6: {  	s5 =	sshll.u32 s26, $0x1;
	_ =	strace $0x8000004C;
	[dreg:$0x1] =	wrdreg $0xFFFFFFFF  }
0xa7: {  	s28 =	simm.s32 $_size_execute0_lowered;
	s3 =	sadd.s32 s3, s5;
	[dreg:$0x0] =	wrdreg $0x0  }
0xa8: {  	s5 =	sshll.u32 s28, $0x1;
	[dreg:$0x2] =	wrdreg s3  }
0xa9: {  	[dreg:$0x3] =	wrdreg s5  }
0xaa: {  	[dreg:$0x4] =	wrdreg $0xC0  }
0xab: {  	_ =	task [dreg:s7], $0x5FFFF  }
0xac: {  	[dreg:$0x1] =	wrdreg $0xFFFFFFFF  }
0xad: {  	[dreg:$0x0] =	wrdreg $0x60  }
0xae: {  	[dreg:$0x2] =	wrdreg s24  }
0xaf: {  	[dreg:$0x3] =	wrdreg s2  }
0xb0: {  	[dreg:$0x4] =	wrdreg $0xB9800  }
0xb1: {  	[dreg:$0x5] =	wrdreg $0x9  }
0xb2: {  	_ =	task.clear_ibuf [dreg:s7], $0x6FFFF;
	_ =	strace $0x9000004C  }
0xb3: {  	s29 =	simm.s32 $0x9;
	_ =	strace $0x8000004E  }
0xb4: {  	_ =	swait.ge [sflag:s29], $0x1  }
0xb5: {  	[sflag:s29] =	ssyncadd.s32 $0xFFFFFFFF  }
0xb6: {  	_ =	strace $0x9000004E  }
0xb7: {  	_ =	sfence  }
0xb8: {  	s30 =	sld [smem:$0x0];
	_ =	sdelay $0x2  }
0xb9: {  	s31 =	sshll.u32 s1, $0xD;
	s1 =	sshrl.u32 s1, $0x2  }
0xba: {  	s3 =	sand.u32 $0x4000, s31;
	s1 =	sadd.s32 s1, s30  }
0xbb: {  	s0 =	sor.u32 s3, s0;
	s1 =	sshll.u32 s1, $0x11  }
0xbc: {  	s0 =	sor.u32 s1, s0  }
0xbd: {  	s0 =	sadd.s32 $0x8F2B, s0  }
0xbe: {  	[sflag:s0] =	ssyncadd.remote.s32 $0x1  }
0xbf: {  	_ =	sfence.sel $0xFFFF  }
0xc0: {  	[dreg:$0x0] =	wrdreg $0xFFFFFFFF;
	(pc) =	sbr.abs _section_cstart, $3  }
0xc1: {  	[dreg:$0x1] =	wrdreg $0xFFFFFFFF  }
0xc2: {  	_ =	task.clear_ibuf [dreg:s7], $0x2FFFF;
	_ =	strace $0x9FFFFFFF  }
0xc3: {  	(tm) =	ssettm $0x7FFFFFFF  }
tec
execute0_lowered:
.L_overlay_start_1:
0x0: {  	(tag) =	ssettag $0x1  }
0x1: {  	s18 =	stileid.u32  }
0x2: {  	s8 =	smul.u32 $0x19000, s18  }
0x3: {  	s0 =	rddreg [dreg:$0x0];
	s10 =	smul.u32 $0xC80, s18  }
0x4: {  	s1 =	rddreg [dreg:$0x1];
	s11 =	sor.u32 $0x10, s18;
	s23 =	smul.u32 $0x6400, s18  }
0x5: {  	s2 =	rddreg [dreg:$0x2];
	s13 =	smul.u32 $0x19000, s11  }
0x6: {  	s3 =	srdreg.scid;
	s15 =	sor.u32 $0x20, s18;
	s14 =	smul.u32 $0xC80, s11  }
0x7: {  	s4 =	simm.s32 $0x0;
	s30 =	simm.s32 $0xA;
	s25 =	smul.u32 $0x19000, s15  }
0x8: {  	s31 =	simm.s32 $0x4000;
	s16 =	sor.u32 $0x30, s18;
	s28 =	smul.u32 $0xC80, s15  }
0x9: {  	s3 =	sand.u32 $0x1, s3;
	[smem:$0x7FF] =	sst s4;
	s17 =	smul.u32 $0x19000, s16  }
0xa: {  	s29 =	sshll.u32 s18, $0x6;
	p0 =	sgt.u32 s18, $0x1;
	s19 =	smul.u32 $0xC80, s16  }
0xb: {  	s5 =	sshll.u32 s3, $0x4;
	_ =	strace $0x8000004D;
	s21 =	smul.u32 $0x138800, s3  }
0xc: {  	s9 =	ssub.s32 $0x2, s3;
	s3 =	smul.u32 $0x3E800, s3;
	s6 =	sor.u32 s18, s5  }
0xd: {  	s12 =	sshrl.u32 s9, $0x1;
	s8 =	sshrl.u32 s8, $0x2;
	s26 =	sadd.s32 s1, s10  }
0xe: {  	s5 =	sshll.u32 s6, $0xB;
	s9 =	ssub.s32 s9, s12;
	s8 =	sadd.s32 s8, s2  }
0xf: {  	[dreg:$0x5] =	wrdreg s26;
	s13 =	sshrl.u32 s13, $0x2;
	s6 =	smul.u32 $0x3E80, s6  }
0x10: {  	s14 =	sadd.s32 s1, s14;
	s12 =	sshrl.u32 s25, $0x2;
	s25 =	smul.u32 $0x6400, s11  }
0x11: {  	s20 =	sshrl.u32 s17, $0x2;
	s10 =	sadd.s32 s1, s28;
	s26 =	smul.u32 $0x6400, s15  }
0x12: {  	s24 =	sadd.s32 s1, s19;
	s15 =	smul.u32 $0x3E80, s18;
	s11 =	simm.s32 $0x1  }
0x13: {  	s18 =	simm.s32 $0x3;
	s7 =	sadd.s32 s5, s0;
	[dreg:$0x4] =	wrdreg s8  }
0x14: {  	s5 =	sadd.s32 $0x2E00, s0;
	s0 =	sadd.s32 $0x22800, s0;
	[dreg:$0x7] =	wrdreg s14  }
0x15: {  	s8 =	sor.u32 $0x1C0A, s29;
	s13 =	sadd.s32 s13, s2;
	[dreg:$0x9] =	wrdreg s10  }
0x16: {  	s12 =	sadd.s32 s12, s2;
	s22 =	sadd.s32 s20, s2;
	[dreg:$0xb] =	wrdreg s24  }
0x17: {  	s10 =	sadd.s32 s23, s21;
	s29 =	smul.u32 $0x6400, s16;
	[dreg:$0x6] =	wrdreg s13  }
0x18: {  	s23 =	smax.u32 s9, $0x1;
	s9 =	simm.s32 $0x4100;
	[dreg:$0x8] =	wrdreg s12  }
0x19: {  	s14 =	simm.s32 $0x2;
	[dreg:$0xa] =	wrdreg s22;
	s7 =	sadd.s32 $0x12800, s7  }
0x1a: {  	s6 =	sshrl.u32 s6, $0x3;
	s28 =	sshrl.u32 s10, $0x3;
	s13 =	sadd.s32 s21, s26  }
0x1b: {  	s3 =	sadd.s32 s15, s3;
	[dreg:$0x13] =	wrdreg s23;
	s10 =	simm.s32 $0x9180  }
0x1c: {  	s15 =	simm.s32 $0x5;
	[dreg:$0xc] =	wrdreg s7;
	s12 =	sadd.s32 s5, s6  }
0x1d: {  	s6 =	sadd.s32 s0, s28;
	s7 =	sadd.s32 s21, s25;
	s16 =	sshrl.u32 s13, $0x3  }
0x1e: {  	s17 =	sadd.s32 s21, s29;
	s25 =	sadd.s32 $0x180, s3;
	[dreg:$0xe] =	wrdreg s6  }
0x1f: {  	s20 =	sadd.s32 $0x280, s3;
	s21 =	sadd.s32 $0x200, s3;
	[dreg:$0x16] =	wrdreg s25  }
0x20: {  	s3 =	simm.s32 $0x4180;
	s22 =	sadd.s32 $0x10, s12;
	[dreg:$0xd] =	wrdreg s12  }
0x21: {  	s13 =	simm.s32 $0x7;
	s26 =	sadd.s32 $0x20, s12;
	[dreg:$0x12] =	wrdreg s22  }
0x22: {  	s6 =	sshrl.u32 s7, $0x3;
	s28 =	sadd.s32 $0x7B0, s12;
	[dreg:$0x17] =	wrdreg s26  }
0x23: {  	s19 =	sshrl.u32 s17, $0x3;
	s29 =	sadd.s32 $0x7C0, s12;
	[dreg:$0x18] =	wrdreg s28  }
0x24: {  	s7 =	simm.s32 $0x6980;
	s6 =	sadd.s32 s0, s6;
	[dreg:$0x19] =	wrdreg s29  }
0x25: {  	s12 =	simm.s32 $0x4;
	[dreg:$0xf] =	wrdreg s6;
	s6 =	sadd.s32 s0, s16  }
0x26: {  	s17 =	simm.s32 $0x8;
	s0 =	sadd.s32 s0, s19;
	[dreg:$0x10] =	wrdreg s6  }
0x27: {  	s19 =	simm.s32 $0x6;
	[dreg:$0x11] =	wrdreg s0;
	s0 =	sshrl.u32 s20, $0x3  }
0x28: {  	s6 =	sshrl.u32 s21, $0x3;
	s20 =	simm.s32 $0x9;
	s0 =	sadd.s32 s0, s5  }
0x29: {  	s21 =	simm.s32 $0x0;
	s24 =	sadd.s32 s6, s5;
	[dreg:$0x14] =	wrdreg s0  }
0x2a: {  	s6 =	simm.s32 $0x4080;
	[dreg:$0x15] =	wrdreg s24;
	s0 =	simm.s32 $0x50  }
.LBB2_1:
0x2b: {  	s16 =	rddreg [dreg:$0x4]  }
0x2c: {  	s23 =	rddreg [dreg:$0x5];
	s22 =	sshrl.u32 s16, $0x3  }
0x2d: {  	[dreg:$0x1a] =	wrdreg s22  }
0x2e: {  	[spmem:s22], [sflag:s8] =	dma.local [hbm:s23], $0xC80  }
0x2f: {  	_ =	swait.ge [sflag:s30], $0xC80  }
0x30: {  	s24 =	rddreg [dreg:$0x6]  }
0x31: {  	[sflag:s30] =	ssyncset.done $0x0;
	s26 =	rddreg [dreg:$0x7];
	s25 =	sshrl.u32 s24, $0x3  }
0x32: {  	[sflag:s30] =	ssyncadd.s32 $0xFFFFF380;
	[dreg:$0x1b] =	wrdreg s25  }
0x33: {  	[spmem:s25], [sflag:s8] =	dma.local [hbm:s26], $0xC80  }
0x34: {  	_ =	swait.ge [sflag:s30], $0xC80  }
0x35: {  	[sflag:s30] =	ssyncset.done $0x0;
	s22 =	rddreg [dreg:$0x8]  }
0x36: {  	s23 =	rddreg [dreg:$0x9];
	[sflag:s30] =	ssyncadd.s32 $0xFFFFF380;
	s28 =	sshrl.u32 s22, $0x3  }
0x37: {  	[spmem:s28], [sflag:s8] =	dma.local [hbm:s23], $0xC80  }
0x38: {  	_ =	swait.ge [sflag:s30], $0xC80  }
0x39: {  	[sflag:s30] =	ssyncset.done $0x0;
	s16 =	rddreg [dreg:$0xa]  }
0x3a: {  	[sflag:s30] =	ssyncadd.s32 $0xFFFFF380;
	s29 =	sshrl.u32 @!p0 s16, $0x3;
	s16 =	rddreg [dreg:$0xb]  }
0x3b: {  	[spmem:s29], [sflag:s8] =	dma.local @!p0 [hbm:s16], $0xC80  }
0x3c: {  	s16 =	simm.s32 @!p0 $0xA  }
0x3d: {  	_ =	swait.ge @!p0 [sflag:s16], $0xC80  }
0x3e: {  	[sflag:s16] =	ssyncset.done @!p0 $0x0  }
0x3f: {  	s24 =	rddreg [dreg:$0xc];
	[sflag:s16] =	ssyncadd.s32 @!p0 $0xFFFFF380  }
0x40: {  	[tilespmem:s4], [sflag:$0xA] =	stream.linear.gather [hbm4b:s24+s4], $0x3E80, $0x38;
	[tilespmem:$0x1F200] =	vst v63  }
0x41: {  	_ =	swait.ge [sflag:s30], $0x3E80  }
0x42: {  	[sflag:s30] =	ssyncset.done $0x0  }
0x43: {  	[sflag:s30] =	ssyncadd.s32 $0xFFFFC180  }
0x44: {  	[bflag:$0x0] =	sbarrier.arrive $0xFFFF  }
0x45: {  	s25 =	rddreg [dreg:$0xd]  }
0x46: {  	[tilespmem:s31], [sflag:$0x1] =	stream.linear.gather [hbm4b:s25+s4], $0x80, $0x38;
	[tilespmem:$0x1F200] =	vst v63  }
0x47: {  	_ = 	snop  }
0x48: {  	[tilespmem:s3], [sflag:$0x4] =	stream.indirect.gather [hbm4b:s1+s0], $0x80, s4, s0, $0xb8;
	[tilespmem:$0x1F200] =	vst v63  }
0x49: {  	s26 =	rddreg [dreg:$0x12]  }
0x4a: {  	[tilespmem:s6], [sflag:$0x2] =	stream.linear.gather [hbm4b:s26+s4], $0x80, $0x38;
	[tilespmem:$0x1F200] =	vst v63  }
0x4b: {  	s22 =	simm.s32 $0x80  }
0x4c: {  	[tilespmem:s7], [sflag:$0x5] =	stream.indirect.gather [hbm4b:s1+s0], $0x80, s22, s0, $0xb8;
	[tilespmem:$0x1F200] =	vst v63  }
0x4d: {  	s23 =	rddreg [dreg:$0x17]  }
0x4e: {  	[tilespmem:s9], [sflag:$0x3] =	stream.linear.gather [hbm4b:s23+s4], $0x80, $0x38;
	[tilespmem:$0x1F200] =	vst v63  }
0x4f: {  	s24 =	simm.s32 $0x100  }
0x50: {  	[tilespmem:s10], [sflag:$0x6] =	stream.indirect.gather [hbm4b:s1+s0], $0x80, s24, s0, $0xb8;
	[tilespmem:$0x1F200] =	vst v63  }
0x51: {  	_ =	swait.ge [sflag:s11], $0x80  }
0x52: {  	[sflag:s11] =	ssyncset.done $0x0  }
0x53: {  	[sflag:s11] =	ssyncadd.s32 $0xFFFFFF80  }
0x54: {  	_ =	swait.ge [sflag:s12], $0x2800  }
0x55: {  	[sflag:s12] =	ssyncset.done $0x0  }
0x56: {  	[sflag:s12] =	ssyncadd.s32 $0xFFFFD800  }
0x57: {  	[spmem:s2] =	stream.indirect.scatter.add.f32 [tilespmem:s3], [sflag:$0x7], $0x80, s31, s0, $0xb8;
	[tilespmem:$0x1F200] =	vst v63  }
0x58: {  	_ =	swait.ge [sflag:s13], $0x2800  }
0x59: {  	s23 =	rddreg [dreg:$0x16]  }
0x5a: {  	[sflag:s13] =	ssyncset.done $0x0;
	s25 =	sshrl.u32 s23, $0x3  }
0x5b: {  	[sflag:s13] =	ssyncadd.s32 $0xFFFFD800;
	s16 =	sadd.s32 s5, s25  }
0x5c: {  	[tilespmem:s31], [sflag:$0x1] =	stream.linear.gather [hbm4b:s16+s4], $0x80, $0x38;
	[tilespmem:$0x1F200] =	vst v63  }
0x5d: {  	s26 =	simm.s32 $0x180  }
0x5e: {  	[tilespmem:s3], [sflag:$0x4] =	stream.indirect.gather [hbm4b:s1+s0], $0x80, s26, s0, $0xb8;
	[tilespmem:$0x1F200] =	vst v63  }
0x5f: {  	_ =	swait.ge [sflag:s14], $0x80  }
0x60: {  	[sflag:s14] =	ssyncset.done $0x0  }
0x61: {  	[sflag:s14] =	ssyncadd.s32 $0xFFFFFF80  }
0x62: {  	_ =	swait.ge [sflag:s15], $0x2800  }
0x63: {  	[sflag:s15] =	ssyncset.done $0x0  }
0x64: {  	[sflag:s15] =	ssyncadd.s32 $0xFFFFD800  }
0x65: {  	[spmem:s2] =	stream.indirect.scatter.add.f32 [tilespmem:s7], [sflag:$0x8], $0x80, s6, s0, $0xb8;
	[tilespmem:$0x1F200] =	vst v63  }
0x66: {  	_ =	swait.ge [sflag:s17], $0x2800  }
0x67: {  	[sflag:s17] =	ssyncset.done $0x0  }
0x68: {  	s25 =	rddreg [dreg:$0x15];
	[sflag:s17] =	ssyncadd.s32 $0xFFFFD800  }
0x69: {  	[tilespmem:s6], [sflag:$0x2] =	stream.linear.gather [hbm4b:s25+s4], $0x80, $0x38;
	[tilespmem:$0x1F200] =	vst v63  }
0x6a: {  	s22 =	simm.s32 $0x200  }
0x6b: {  	[tilespmem:s7], [sflag:$0x5] =	stream.indirect.gather [hbm4b:s1+s0], $0x80, s22, s0, $0xb8;
	[tilespmem:$0x1F200] =	vst v63  }
0x6c: {  	_ =	swait.ge [sflag:s18], $0x80  }
0x6d: {  	[sflag:s18] =	ssyncset.done $0x0  }
0x6e: {  	[sflag:s18] =	ssyncadd.s32 $0xFFFFFF80  }
0x6f: {  	_ =	swait.ge [sflag:s19], $0x2800  }
0x70: {  	[sflag:s19] =	ssyncset.done $0x0  }
0x71: {  	[sflag:s19] =	ssyncadd.s32 $0xFFFFD800  }
0x72: {  	[spmem:s2] =	stream.indirect.scatter.add.f32 [tilespmem:s10], [sflag:$0x9], $0x80, s9, s0, $0xb8;
	[tilespmem:$0x1F200] =	vst v63  }
0x73: {  	_ =	swait.ge [sflag:s20], $0x2800  }
0x74: {  	[sflag:s20] =	ssyncset.done $0x0  }
0x75: {  	s24 =	rddreg [dreg:$0x14];
	[sflag:s20] =	ssyncadd.s32 $0xFFFFD800  }
0x76: {  	[tilespmem:s9], [sflag:$0x3] =	stream.linear.gather [hbm4b:s24+s4], $0x80, $0x38;
	[tilespmem:$0x1F200] =	vst v63  }
0x77: {  	s26 =	simm.s32 $0x280  }
0x78: {  	[tilespmem:s10], [sflag:$0x6] =	stream.indirect.gather [hbm4b:s1+s0], $0x80, s26, s0, $0xb8;
	[tilespmem:$0x1F200] =	vst v63  }
0x79: {  	_ =	swait.ge [sflag:s11], $0x80  }
0x7a: {  	[sflag:s11] =	ssyncset.done $0x0  }
0x7b: {  	[sflag:s11] =	ssyncadd.s32 $0xFFFFFF80  }
0x7c: {  	_ =	swait.ge [sflag:s12], $0x2800  }
0x7d: {  	s23 =	sadd.s32 $0x180, s23;
	s16 =	simm.s32 $0x600;
	[sflag:s12] =	ssyncset.done $0x0  }
0x7e: {  	s25 =	sadd.s32 $0x30, s25;
	s24 =	sadd.s32 $0x30, s24;
	[sflag:s12] =	ssyncadd.s32 $0xFFFFD800  }
.LBB2_2:
0x7f: {  	[spmem:s2] =	stream.indirect.scatter.add.f32 [tilespmem:s3], [sflag:$0x7], $0x80, s31, s0, $0xb8;
	[tilespmem:$0x1F200] =	vst v63  }
0x80: {  	s22 =	smov.u32 s16  }
0x81: {  	p1 =	sne.s32 s16, $0xEA00;
	s16 =	sadd.s32 $0x600, s16;
	_ =	swait.ge [sflag:s13], $0x2800  }
0x82: {  	s26 =	sshrl.u32 s23, $0x3;
	[sflag:s13] =	ssyncset.done $0x0  }
0x83: {  	s26 =	sadd.s32 s5, s26;
	s22 =	sshra.s32 s22, $0x2;
	[sflag:s13] =	ssyncadd.s32 $0xFFFFD800  }
0x84: {  	[tilespmem:s31], [sflag:$0x1] =	stream.linear.gather [hbm4b:s26+s4], $0x80, $0x38;
	[tilespmem:$0x1F200] =	vst v63  }
0x85: {  	s26 =	sadd.s32 $0x180, s22  }
0x86: {  	[tilespmem:s3], [sflag:$0x4] =	stream.indirect.gather [hbm4b:s1+s0], $0x80, s26, s0, $0xb8;
	[tilespmem:$0x1F200] =	vst v63  }
0x87: {  	_ =	swait.ge [sflag:s14], $0x80  }
0x88: {  	[sflag:s14] =	ssyncset.done $0x0  }
0x89: {  	[sflag:s14] =	ssyncadd.s32 $0xFFFFFF80  }
0x8a: {  	_ =	swait.ge [sflag:s15], $0x2800  }
0x8b: {  	[sflag:s15] =	ssyncset.done $0x0  }
0x8c: {  	[sflag:s15] =	ssyncadd.s32 $0xFFFFD800  }
0x8d: {  	[spmem:s2] =	stream.indirect.scatter.add.f32 [tilespmem:s7], [sflag:$0x8], $0x80, s6, s0, $0xb8;
	[tilespmem:$0x1F200] =	vst v63  }
0x8e: {  	_ =	swait.ge [sflag:s17], $0x2800  }
0x8f: {  	[sflag:s17] =	ssyncset.done $0x0  }
0x90: {  	[sflag:s17] =	ssyncadd.s32 $0xFFFFD800  }
0x91: {  	[tilespmem:s6], [sflag:$0x2] =	stream.linear.gather [hbm4b:s25+s4], $0x80, $0x38;
	[tilespmem:$0x1F200] =	vst v63  }
0x92: {  	s26 =	sadd.s32 $0x200, s22  }
0x93: {  	[tilespmem:s7], [sflag:$0x5] =	stream.indirect.gather [hbm4b:s1+s0], $0x80, s26, s0, $0xb8;
	[tilespmem:$0x1F200] =	vst v63  }
0x94: {  	_ =	swait.ge [sflag:s18], $0x80  }
0x95: {  	[sflag:s18] =	ssyncset.done $0x0  }
0x96: {  	[sflag:s18] =	ssyncadd.s32 $0xFFFFFF80  }
0x97: {  	_ =	swait.ge [sflag:s19], $0x2800  }
0x98: {  	[sflag:s19] =	ssyncset.done $0x0  }
0x99: {  	[sflag:s19] =	ssyncadd.s32 $0xFFFFD800  }
0x9a: {  	[spmem:s2] =	stream.indirect.scatter.add.f32 [tilespmem:s10], [sflag:$0x9], $0x80, s9, s0, $0xb8;
	[tilespmem:$0x1F200] =	vst v63  }
0x9b: {  	_ =	swait.ge [sflag:s20], $0x2800  }
0x9c: {  	[sflag:s20] =	ssyncset.done $0x0  }
0x9d: {  	[sflag:s20] =	ssyncadd.s32 $0xFFFFD800  }
0x9e: {  	[tilespmem:s9], [sflag:$0x3] =	stream.linear.gather [hbm4b:s24+s4], $0x80, $0x38;
	[tilespmem:$0x1F200] =	vst v63  }
0x9f: {  	s22 =	sadd.s32 $0x280, s22  }
0xa0: {  	[tilespmem:s10], [sflag:$0x6] =	stream.indirect.gather [hbm4b:s1+s0], $0x80, s22, s0, $0xb8;
	[tilespmem:$0x1F200] =	vst v63  }
0xa1: {  	_ =	swait.ge [sflag:s11], $0x80  }
.Ltmp0:
0xa2: {  	[sflag:s11] =	ssyncset.done $0x0;
	(pc) =	sbr.rel @p1 .LBB2_2-.Ltmp0, $4  }
0xa3: {  	[sflag:s11] =	ssyncadd.s32 $0xFFFFFF80  }
0xa4: {  	_ =	swait.ge [sflag:s12], $0x2800  }
0xa5: {  	s23 =	sadd.s32 $0x180, s23;
	[sflag:s12] =	ssyncset.done $0x0  }
0xa6: {  	s25 =	sadd.s32 $0x30, s25;
	s24 =	sadd.s32 $0x30, s24;
	[sflag:s12] =	ssyncadd.s32 $0xFFFFD800  }
0xa7: {  	[spmem:s2] =	stream.indirect.scatter.add.f32 [tilespmem:s3], [sflag:$0x7], $0x80, s31, s0, $0xb8;
	[tilespmem:$0x1F200] =	vst v63  }
0xa8: {  	_ =	swait.ge [sflag:s13], $0x2800  }
0xa9: {  	[sflag:s13] =	ssyncset.done $0x0  }
0xaa: {  	s16 =	rddreg [dreg:$0x18];
	[sflag:s13] =	ssyncadd.s32 $0xFFFFD800  }
0xab: {  	[tilespmem:s31], [sflag:$0x1] =	stream.linear.gather [hbm4b:s16+s4], $0x80, $0x38;
	[tilespmem:$0x1F200] =	vst v63  }
0xac: {  	s25 =	simm.s32 $0x3D80  }
0xad: {  	[tilespmem:s3], [sflag:$0x4] =	stream.indirect.gather [hbm4b:s1+s0], $0x80, s25, s0, $0xb8;
	[tilespmem:$0x1F200] =	vst v63  }
0xae: {  	_ =	swait.ge [sflag:s14], $0x80  }
0xaf: {  	[sflag:s14] =	ssyncset.done $0x0  }
0xb0: {  	[sflag:s14] =	ssyncadd.s32 $0xFFFFFF80  }
0xb1: {  	_ =	swait.ge [sflag:s15], $0x2800  }
0xb2: {  	[sflag:s15] =	ssyncset.done $0x0  }
0xb3: {  	[sflag:s15] =	ssyncadd.s32 $0xFFFFD800  }
0xb4: {  	[spmem:s2] =	stream.indirect.scatter.add.f32 [tilespmem:s7], [sflag:$0x8], $0x80, s6, s0, $0xb8;
	[tilespmem:$0x1F200] =	vst v63  }
0xb5: {  	_ =	swait.ge [sflag:s17], $0x2800  }
0xb6: {  	[sflag:s17] =	ssyncset.done $0x0  }
0xb7: {  	s26 =	rddreg [dreg:$0x19];
	[sflag:s17] =	ssyncadd.s32 $0xFFFFD800  }
0xb8: {  	[tilespmem:s6], [sflag:$0x2] =	stream.linear.gather [hbm4b:s26+s4], $0x80, $0x38;
	[tilespmem:$0x1F200] =	vst v63  }
0xb9: {  	s22 =	simm.s32 $0x3E00  }
0xba: {  	[tilespmem:s7], [sflag:$0x5] =	stream.indirect.gather [hbm4b:s1+s0], $0x80, s22, s0, $0xb8;
	[tilespmem:$0x1F200] =	vst v63  }
0xbb: {  	_ =	swait.ge [sflag:s18], $0x80  }
0xbc: {  	[sflag:s18] =	ssyncset.done $0x0  }
0xbd: {  	[sflag:s18] =	ssyncadd.s32 $0xFFFFFF80  }
0xbe: {  	_ =	swait.ge [sflag:s19], $0x2800  }
0xbf: {  	[sflag:s19] =	ssyncset.done $0x0  }
0xc0: {  	[sflag:s19] =	ssyncadd.s32 $0xFFFFD800  }
0xc1: {  	[spmem:s2] =	stream.indirect.scatter.add.f32 [tilespmem:s10], [sflag:$0x9], $0x80, s9, s0, $0xb8;
	[tilespmem:$0x1F200] =	vst v63  }
0xc2: {  	_ =	swait.ge [sflag:s20], $0x2800  }
0xc3: {  	[sflag:s20] =	ssyncset.done $0x0  }
0xc4: {  	[sflag:s20] =	ssyncadd.s32 $0xFFFFD800  }
0xc5: {  	_ =	swait.ge [sflag:s11], $0x80  }
0xc6: {  	[sflag:s11] =	ssyncset.done $0x0  }
0xc7: {  	[sflag:s11] =	ssyncadd.s32 $0xFFFFFF80  }
0xc8: {  	_ =	swait.ge [sflag:s12], $0x2800  }
0xc9: {  	[sflag:s12] =	ssyncset.done $0x0  }
0xca: {  	[sflag:s12] =	ssyncadd.s32 $0xFFFFD800  }
0xcb: {  	[spmem:s2] =	stream.indirect.scatter.add.f32 [tilespmem:s3], [sflag:$0x7], $0x80, s31, s0, $0xb8;
	[tilespmem:$0x1F200] =	vst v63  }
0xcc: {  	_ =	swait.ge [sflag:s13], $0x2800  }
0xcd: {  	[sflag:s13] =	ssyncset.done $0x0  }
0xce: {  	[sflag:s13] =	ssyncadd.s32 $0xFFFFD800  }
0xcf: {  	_ =	swait.ge [sflag:s14], $0x80  }
0xd0: {  	[sflag:s14] =	ssyncset.done $0x0  }
0xd1: {  	[sflag:s14] =	ssyncadd.s32 $0xFFFFFF80  }
0xd2: {  	_ =	swait.ge [sflag:s15], $0x2800  }
0xd3: {  	[sflag:s15] =	ssyncset.done $0x0  }
0xd4: {  	[sflag:s15] =	ssyncadd.s32 $0xFFFFD800  }
0xd5: {  	[spmem:s2] =	stream.indirect.scatter.add.f32 [tilespmem:s7], [sflag:$0x8], $0x80, s6, s0, $0xb8;
	[tilespmem:$0x1F200] =	vst v63  }
0xd6: {  	_ =	swait.ge [sflag:s17], $0x2800  }
0xd7: {  	[sflag:s17] =	ssyncset.done $0x0  }
0xd8: {  	[sflag:s17] =	ssyncadd.s32 $0xFFFFD800  }
0xd9: {  	[bflag:$0x0] =	sbarrier.arrive $0xFFFF  }
0xda: {  	s23 =	rddreg [dreg:$0xe]  }
0xdb: {  	s22 =	rddreg [dreg:$0x1a]  }
0xdc: {  	[hbm:s23], [sflag:s8] =	dma.local [spmem:s22], $0xC80  }
0xdd: {  	_ =	swait.ge [sflag:s30], $0xC80  }
0xde: {  	[sflag:s30] =	ssyncset.done $0x0;
	s24 =	rddreg [dreg:$0xf]  }
0xdf: {  	s25 =	rddreg [dreg:$0x1b];
	[sflag:s30] =	ssyncadd.s32 $0xFFFFF380  }
0xe0: {  	[hbm:s24], [sflag:s8] =	dma.local [spmem:s25], $0xC80  }
0xe1: {  	_ =	swait.ge [sflag:s30], $0xC80  }
0xe2: {  	[sflag:s30] =	ssyncset.done $0x0  }
0xe3: {  	s26 =	rddreg [dreg:$0x10];
	[sflag:s30] =	ssyncadd.s32 $0xFFFFF380  }
0xe4: {  	[hbm:s26], [sflag:s8] =	dma.local [spmem:s28], $0xC80  }
0xe5: {  	_ =	swait.ge [sflag:s30], $0xC80  }
0xe6: {  	[sflag:s30] =	ssyncset.done $0x0  }
0xe7: {  	s16 =	rddreg [dreg:$0x11];
	[sflag:s30] =	ssyncadd.s32 $0xFFFFF380  }
0xe8: {  	[hbm:s16], [sflag:s8] =	dma.local @!p0 [spmem:s29], $0xC80  }
0xe9: {  	s16 =	simm.s32 @!p0 $0xA  }
0xea: {  	_ =	swait.ge @!p0 [sflag:s16], $0xC80  }
0xeb: {  	s21 =	sadd.s32 $0x1, s21;
	s29 =	rddreg [dreg:$0x13]  }
0xec: {  	p1 =	sne.s32 s21, s29  }
.Ltmp1:
0xed: {  	_ = 	snop;
	(pc) =	sbr.rel @p1 .LBB2_1-.Ltmp1, $3  }
0xee: {  	_ =	sdelay $0x1  }
0xef: {  	[sflag:s16] =	ssyncset.done @!p0 $0x0  }
0xf0: {  	[sflag:s16] =	ssyncadd.s32 @!p0 $0xFFFFF380  }
0xf1: {  	_ =	sfence.sel $0x180000  }
0xf2: {  	[bflag:$0x0] =	sbarrier.arrive $0xFFFF  }
0xf3: {  	_ =	strace $0x9000004D  }
0xf4: {  	s0 =	stileid.u32;
	[bflag:$0x2] =	sbarrier.arrive $0xFFFF  }
0xf5: {  	p0 =	sne.s32 s0, $0x0;
	s0 =	rddreg [dreg:$0x3]  }
0xf6: {  	s0 =	sadd.s32 @!p0 $0x100000, s0  }
0xf7: {  	[sflag:s0] =	ssyncadd.tile.s32 @!p0 $0x1;
	_ =	shalt  }
.Lfunc_end2:
_tile_overlayer_lowered:
.L_overlay_start_2:
0xf8: {  	(tag) =	ssettag $0x2  }
0xf9: {  	s0 =	rddreg [dreg:$0x0];
	s2 =	stileid.u32  }
0xfa: {  	s1 =	rddreg [dreg:$0x1];
	p0 =	sne.s32 s2, $0x0  }
0xfb: {  	s3 =	rddreg [dreg:$0x2];
	[bflag:$0x3] =	sbarrier.arrive $0xFFFF;
	s2 =	simm.s32 @!p0 $0x1C0A  }
0xfc: {  	[timem:s3], [sflag:s2] =	dma.local @!p0 [hbm:s0], s1  }
0xfd: {  	s0 =	simm.s32 @!p0 $0xA  }
0xfe: {  	_ =	swait.ge @!p0 [sflag:s0], s1  }
0xff: {  	s1 =	ssub.s32 @!p0 $0x0, s1;
	[sflag:s0] =	ssyncset.done @!p0 $0x0  }
0x100: {  	[sflag:s0] =	ssyncadd.s32 @!p0 s1  }
0x101: {  	[bflag:$0x3] =	sbarrier.arrive $0xFFFF  }
0x102: {  	_ =	shalt  }

// kernel: kernel.8.cloned.1.call-start
scs
__scs_entry_jumppad:
0x0: {  	(pc) =	sbr.rel $0x88, $3  }
0x1: {  	(tag) =	ssettag $0x0;
	lr =	simm.s32 $0x1  }
0x2: {  	[smem:$0x3F99] =	sst lr;
	_ =	strace $0xD0000000  }
0x3: {  	_ = 	snop  }
0x4: {  	_ = 	snop  }
0x5: {  	_ = 	snop  }
0x6: {  	_ = 	snop  }
0x7: {  	_ = 	snop  }
__scs_overlays_trampoline_lowered:
0x8: {  	[smem:$0x3FA8] =	sst s0  }
0x9: {  	[smem:$0x3FA9] =	sst s1  }
0xa: {  	[smem:$0x3FAA] =	sst s2  }
0xb: {  	[smem:$0x3FAB] =	sst s3  }
0xc: {  	[smem:$0x3FAC] =	sst s4  }
0xd: {  	[smem:$0x3FAD] =	sst s5  }
0xe: {  	[smem:$0x3FAE] =	sst s6  }
0xf: {  	[smem:$0x3FAF] =	sst s7  }
0x10: {  	[smem:$0x3FB0] =	sst s8  }
0x11: {  	[smem:$0x3FB1] =	sst s9;
	s0 =	simm.s32 @!p0 $0x0  }
0x12: {  	s1 =	sld [smem:$0x3F97];
	s0 =	simm.s32 @p0 $0x1  }
0x13: {  	[smem:$0x3FB2] =	sst s0;
	s0 =	simm.s32 @!p1 $0x0  }
0x14: {  	s2 =	sld [smem:$0x3F96];
	s0 =	simm.s32 @p1 $0x1  }
0x15: {  	[smem:$0x3FB3] =	sst s0;
	s0 =	simm.s32 @!p2 $0x0  }
0x16: {  	s3 =	sld [smem:$0x3FDB];
	s0 =	simm.s32 @p2 $0x1  }
0x17: {  	s4 =	simm.s32 $0x1BF5;
	[smem:$0x3FB5] =	sst s0  }
0x18: {  	s0 =	sld [smem:$0x3F98];
	_ =	swait.ge [sflag:s4], $0x0  }
0x19: {  	s7 =	sld [smem:$0x3F99]  }
0x1a: {  	s8 =	sadd.s32 $0xFFFFE003, lr  }
0x1b: {  	s9 =	sadd.s32 $0xFFFFFEF7, lr;
	s5 =	simm.s32 $0xFFFFFFFF;
	p2 =	slt.u32 s8, $0xFFFFF086  }
0x1c: {  	p1 =	slt.u32 s9, $0xF7A;
	s5 =	simm.s32 @!p2 $0x0  }
0x1d: {  	s5 =	simm.s32 @p1 $0x1;
	p0 =	seq.s32 s7, s2  }
0x1e: {  	s7 =	smul.u32 @!p0 $0xF7A, s2;
	p2 =	seq.s32 @!p0 s5, $0x0  }
0x1f: {  	s9 =	smul.u32 $0xF7A, s1;
	s8 =	simm.s32 @!p0 $0x1BF5;
	p2 =	por !p2, p0  }
0x20: {  	[sflag:s8] =	ssyncset.s32 @!p0 $0xFFFFF086;
	s6 =	sadd.s32 @!p0 s3, s7;
	s7 =	simm.s32 @!p0 $0x108  }
0x21: {  	s3 =	sadd.s32 s3, s9;
	s6 =	sadd.s32 @!p0 $0x88, s6;
	s7 =	simm.s32 @p2 $0x1082  }
0x22: {  	[simem:s7], [sflag:s8] =	dma.local @!p0 [hbm:s6], $0xF7A  }
0x23: {  	s9 =	sor.u32 $0xD0000000, s2;
	s6 =	simm.s32 $0x108;
	_ =	swait.ge @!p0 [sflag:s8], $0x0  }
0x24: {  	s3 =	sadd.s32 $0x88, s3;
	s6 =	simm.s32 @!p1 $0x1082;
	[sflag:s4] =	ssyncset.s32 $0xFFFFF086  }
0x25: {  	[simem:s6], [sflag:s4] =	dma.local [hbm:s3], $0xF7A  }
0x26: {  	[smem:$0x3F99] =	sst s1;
	(tag) =	ssettag s2;
	_ =	strace s9  }
0x27: {  	s1 =	sld [smem:$0x3FA9]  }
0x28: {  	s2 =	sld [smem:$0x3FAA]  }
0x29: {  	s4 =	sld [smem:$0x3FAC]  }
0x2a: {  	p0 =	seq.s32 s5, $0x0;
	s5 =	sld [smem:$0x3FAD]  }
0x2b: {  	s6 =	sld [smem:$0x3FAE]  }
0x2c: {  	s7 =	sld [smem:$0x3FAF]  }
0x2d: {  	s3 =	simm.s32 $0x108;
	s8 =	sld [smem:$0x3FB0]  }
0x2e: {  	s3 =	simm.s32 @!p0 $0x1082;
	s9 =	sld [smem:$0x3FB1]  }
0x2f: {  	lr =	sadd.s32 s0, s3;
	s0 =	sld [smem:$0x3FA8]  }
0x30: {  	s3 =	sld [smem:$0x3FAB]  }
0x31: {  	[smem:$0x3FB4] =	sst s10  }
0x32: {  	s10 =	sld [smem:$0x3FB2];
	_ =	sdelay $0x3  }
0x33: {  	p0 =	seq.s32 s10, $0x1;
	s10 =	sld [smem:$0x3FB4];
	_ =	sdelay $0x3  }
0x34: {  	[smem:$0x3FB4] =	sst s10  }
0x35: {  	s10 =	sld [smem:$0x3FB3];
	_ =	sdelay $0x3  }
0x36: {  	p1 =	seq.s32 s10, $0x1;
	s10 =	sld [smem:$0x3FB4];
	_ =	sdelay $0x3  }
0x37: {  	[smem:$0x3FB4] =	sst s10  }
0x38: {  	s10 =	sld [smem:$0x3FB5]  }
0x39: {  	_ = 	snop;
	(pc) =	sbr.ind lr, $3  }
0x3a: {  	_ = 	snop  }
0x3b: {  	_ = 	snop  }
0x3c: {  	p2 =	seq.s32 s10, $0x1;
	s10 =	sld [smem:$0x3FB4]  }
0x3d: {  	_ =	shalt  }
0x3e: {  	_ =	shalt  }
0x3f: {  	_ =	shalt  }
0x40: {  	_ =	shalt  }
0x41: {  	_ =	shalt  }
0x42: {  	_ =	shalt  }
0x43: {  	_ =	shalt  }
0x44: {  	_ =	shalt  }
0x45: {  	_ =	shalt  }
0x46: {  	_ =	shalt  }
0x47: {  	_ =	shalt  }
0x48: {  	_ =	shalt  }
0x49: {  	_ =	shalt  }
0x4a: {  	_ =	shalt  }
0x4b: {  	_ =	shalt  }
0x4c: {  	_ =	shalt  }
0x4d: {  	_ =	shalt  }
0x4e: {  	_ =	shalt  }
0x4f: {  	_ =	shalt  }
0x50: {  	_ =	shalt  }
0x51: {  	_ =	shalt  }
0x52: {  	_ =	shalt  }
0x53: {  	_ =	shalt  }
0x54: {  	_ =	shalt  }
0x55: {  	_ =	shalt  }
0x56: {  	_ =	shalt  }
0x57: {  	_ =	shalt  }
0x58: {  	_ =	shalt  }
0x59: {  	_ =	shalt  }
0x5a: {  	_ =	shalt  }
0x5b: {  	_ =	shalt  }
0x5c: {  	_ =	shalt  }
0x5d: {  	_ =	shalt  }
0x5e: {  	_ =	shalt  }
0x5f: {  	_ =	shalt  }
0x60: {  	_ =	shalt  }
0x61: {  	_ =	shalt  }
0x62: {  	_ =	shalt  }
0x63: {  	_ =	shalt  }
0x64: {  	_ =	shalt  }
0x65: {  	_ =	shalt  }
0x66: {  	_ =	shalt  }
0x67: {  	_ =	shalt  }
0x68: {  	_ =	shalt  }
0x69: {  	_ =	shalt  }
0x6a: {  	_ =	shalt  }
0x6b: {  	_ =	shalt  }
0x6c: {  	_ =	shalt  }
0x6d: {  	_ =	shalt  }
0x6e: {  	_ =	shalt  }
0x6f: {  	_ =	shalt  }
0x70: {  	_ =	shalt  }
0x71: {  	_ =	shalt  }
0x72: {  	_ =	shalt  }
0x73: {  	_ =	shalt  }
0x74: {  	_ =	shalt  }
0x75: {  	_ =	shalt  }
0x76: {  	_ =	shalt  }
0x77: {  	_ =	shalt  }
0x78: {  	_ =	shalt  }
0x79: {  	_ =	shalt  }
0x7a: {  	_ =	shalt  }
0x7b: {  	_ =	shalt  }
0x7c: {  	_ =	shalt  }
0x7d: {  	_ =	shalt  }
0x7e: {  	_ =	shalt  }
0x7f: {  	_ =	shalt  }
0x80: {  	_ =	shalt  }
0x81: {  	_ =	shalt  }
0x82: {  	_ =	shalt  }
0x83: {  	_ =	shalt  }
0x84: {  	_ =	shalt  }
0x85: {  	_ =	shalt  }
0x86: {  	_ =	shalt  }
0x87: {  	_ =	shalt  }
.Lfunc_end0:
.L_simem_size_0:
called_computation_lowered:
.L_overlay_start_0:
0x88: {  	s2 =	sld [smem:$0x3FD9]  }
0x89: {  	s3 =	sld [smem:$0x3FFE];
	_ =	sdelay $0x1  }
0x8a: {  	s1 =	srdreg.scid  }
0x8b: {  	s0 =	sand.u32 $0x1, s1  }
0x8c: {  	s17 =	sshll.u32 s0, $0xA;
	s2 =	sadd.s32 s3, s2  }
0x8d: {  	s2 =	sadd.s32 s2, s17  }
0x8e: {  	[smem:$0x3FC0] =	sst s2  }
0x8f: {  	_ = 	snop  }
0x90: {  	s2 =	sld [smem:$0x3FD0];
	(tm) =	ssettm $0x1  }
0x91: {  	s18 =	sld [smem:$0x3FFB];
	_ =	sdelay $0x3  }
0x92: {  	_ =	strace s18  }
0x93: {  	s3 =	sld [smem:$0x3FFC];
	_ =	sdelay $0x3  }
0x94: {  	_ =	strace s3  }
0x95: {  	s3 =	sld [smem:$0x3FFD];
	_ =	sdelay $0x3  }
0x96: {  	_ =	strace s3  }
0x97: {  	_ =	strace $0x8FFFFFFF  }
0x98: {  	s19 =	sld [smem:$0x3FDB];
	_ =	sdelay $0x1  }
0x99: {  	s4 =	simm.s32 $_scs_section_size  }
0x9a: {  	s5 =	simm.s32 $_size__tile_overlayer_lowered;
	s6 =	simm.s32 $_tile_overlayer_lowered  }
0x9b: {  	s22 =	simm.s32 $0x1BFF;
	s21 =	sshll.u32 s6, $0x1;
	s3 =	sadd.s32 s4, s19  }
0x9c: {  	s7 =	simm.s32 $0x0;
	s20 =	sshll.u32 s5, $0x1;
	s5 =	sadd.s32 s21, s3  }
0x9d: {  	[timem:s7], [sflag:s22] =	dma.local [hbm:s5], s20  }
0x9e: {  	_ =	swait.ge [sflag:s22], s20  }
0x9f: {  	s4 =	ssub.s32 $0x0, s20;
	[sflag:s22] =	ssyncset.done $0x0  }
0xa0: {  	[sflag:s22] =	ssyncadd.s32 s4;
	_ =	sdelay $0x1  }
0xa1: {  	s23 =	simm.s32 $0x1B8B  }
0xa2: {  	_ =	swait.ge [sflag:s23], $0x1  }
0xa3: {  	[sflag:s23] =	ssyncset.done $0x0  }
0xa4: {  	s25 =	simm.s32 $0x1B8E;
	s24 =	sld [smem:$0x3FFE];
	[sflag:s23] =	ssyncadd.s32 $0xFFFFFFFF  }
0xa5: {  	s26 =	simm.s32 $execute0_lowered;
	[smem:$0x3FD2] =	sst s25  }
0xa6: {  	s5 =	sshll.u32 s26, $0x1;
	_ =	strace $0x80000046;
	[dreg:$0x1] =	wrdreg $0xFFFFFFFF  }
0xa7: {  	s28 =	simm.s32 $_size_execute0_lowered;
	s3 =	sadd.s32 s3, s5;
	[dreg:$0x0] =	wrdreg $0x0  }
0xa8: {  	s5 =	sshll.u32 s28, $0x1;
	[dreg:$0x2] =	wrdreg s3  }
0xa9: {  	[dreg:$0x3] =	wrdreg s5  }
0xaa: {  	[dreg:$0x4] =	wrdreg $0xC0  }
0xab: {  	_ =	task [dreg:s7], $0x5FFFF  }
0xac: {  	[dreg:$0x1] =	wrdreg $0xFFFFFFFF  }
0xad: {  	[dreg:$0x0] =	wrdreg $0x60  }
0xae: {  	[dreg:$0x2] =	wrdreg s2  }
0xaf: {  	[dreg:$0x3] =	wrdreg s24  }
0xb0: {  	[dreg:$0x4] =	wrdreg $0x43000  }
0xb1: {  	[dreg:$0x5] =	wrdreg $0x9  }
0xb2: {  	_ =	task.clear_ibuf [dreg:s7], $0x6FFFF;
	_ =	strace $0x90000046  }
0xb3: {  	s29 =	simm.s32 $0x9;
	_ =	strace $0x80000048  }
0xb4: {  	_ =	swait.ge [sflag:s29], $0x1  }
0xb5: {  	[sflag:s29] =	ssyncadd.s32 $0xFFFFFFFF  }
0xb6: {  	_ =	strace $0x90000048  }
0xb7: {  	_ =	sfence  }
0xb8: {  	s30 =	sld [smem:$0x0];
	_ =	sdelay $0x2  }
0xb9: {  	s31 =	sshll.u32 s1, $0xD;
	s1 =	sshrl.u32 s1, $0x2  }
0xba: {  	s3 =	sand.u32 $0x4000, s31;
	s1 =	sadd.s32 s1, s30  }
0xbb: {  	s0 =	sor.u32 s3, s0;
	s1 =	sshll.u32 s1, $0x11  }
0xbc: {  	s0 =	sor.u32 s1, s0  }
0xbd: {  	s0 =	sadd.s32 $0x8F2B, s0  }
0xbe: {  	[sflag:s0] =	ssyncadd.remote.s32 $0x1  }
0xbf: {  	_ =	sfence.sel $0xFFFF  }
0xc0: {  	[dreg:$0x0] =	wrdreg $0xFFFFFFFF;
	(pc) =	sbr.abs _section_cstart, $3  }
0xc1: {  	[dreg:$0x1] =	wrdreg $0xFFFFFFFF  }
0xc2: {  	_ =	task.clear_ibuf [dreg:s7], $0x2FFFF;
	_ =	strace $0x9FFFFFFF  }
0xc3: {  	(tm) =	ssettm $0x7FFFFFFF  }
tec
execute0_lowered:
.L_overlay_start_1:
0x0: {  	(tag) =	ssettag $0x1  }
0x1: {  	s5 =	rddreg [dreg:$0x0];
	s1 =	srdreg.scid  }
0x2: {  	s0 =	stileid.u32;
	s4 =	rddreg [dreg:$0x1]  }
0x3: {  	s2 =	rddreg [dreg:$0x2];
	s3 =	simm.s32 $0x0;
	s11 =	simm.s32 $0x4000  }
0x4: {  	s12 =	simm.s32 $0x1;
	s6 =	sand.u32 $0x1, s1;
	s1 =	rddreg [dreg:$0x3]  }
0x5: {  	s15 =	simm.s32 $0x0;
	s7 =	smul.u32 $0x280, s0;
	[smem:$0x7FF] =	sst s3  }
0x6: {  	s31 =	sshll.u32 s0, $0xB;
	s13 =	sshll.u32 s0, $0x6;
	s8 =	smul.u32 $0x2800, s6  }
0x7: {  	s9 =	ssub.s32 $0x2, s6;
	_ =	strace $0x80000047;
	s6 =	sshll.u32 s6, $0xF  }
0x8: {  	s5 =	sadd.s32 s5, s31;
	s13 =	sor.u32 $0x1C02, s13;
	s8 =	sadd.s32 s7, s8  }
0x9: {  	s10 =	sshrl.u32 s9, $0x1;
	s5 =	sadd.s32 s6, s5;
	s8 =	sshrl.u32 s8, $0x3  }
0xa: {  	s9 =	ssub.s32 s9, s10;
	s10 =	simm.s32 $0x50;
	s8 =	sadd.s32 s8, s4  }
0xb: {  	s4 =	sadd.s32 s7, s2;
	s7 =	smax.u32 s9, $0x1;
	s9 =	simm.s32 $0x2  }
0xc: {  	v0 =	vimm.f32 $1.000000000e+00;
	v1 =	vimm.f32 $0.0e+00;
	s6 =	sadd.s32 $0x2400, s8;
	s8 =	simm.s32 $0x4080;
	s14 =	sshrl.u32 s4, $0x3  }
.LBB2_1:
0xd: {  	[tilespmem:$0x4000] =	vst v0  }
0xe: {  	[tilespmem:$0x4010] =	vst v0  }
0xf: {  	[tilespmem:$0x4020] =	vst v0  }
0x10: {  	[tilespmem:$0x4030] =	vst v0  }
0x11: {  	[tilespmem:$0x4040] =	vst v0  }
0x12: {  	[tilespmem:$0x4080] =	vst v1  }
0x13: {  	[tilespmem:$0x4090] =	vst v1  }
0x14: {  	[tilespmem:$0x40A0] =	vst v1  }
0x15: {  	[tilespmem:$0x40B0] =	vst v1  }
0x16: {  	[tilespmem:$0x40C0] =	vst v1  }
0x17: {  	[tilespmem:$0x40D0] =	vst v1  }
0x18: {  	[tilespmem:$0x40E0] =	vst v1  }
0x19: {  	[tilespmem:$0x40F0] =	vst v1  }
0x1a: {  	[tilespmem:$0x4100] =	vst v1  }
0x1b: {  	[tilespmem:$0x4110] =	vst v1  }
0x1c: {  	[tilespmem:$0x4120] =	vst v1  }
0x1d: {  	[tilespmem:$0x4130] =	vst v1  }
0x1e: {  	[tilespmem:$0x4140] =	vst v1  }
0x1f: {  	[tilespmem:$0x4150] =	vst v1  }
0x20: {  	[tilespmem:$0x4160] =	vst v1  }
0x21: {  	[tilespmem:$0x4170] =	vst v1  }
0x22: {  	[tilespmem:$0x4180] =	vst v1  }
0x23: {  	[tilespmem:$0x4190] =	vst v1  }
0x24: {  	[tilespmem:$0x41A0] =	vst v1  }
0x25: {  	[tilespmem:$0x41B0] =	vst v1  }
0x26: {  	[tilespmem:$0x41C0] =	vst v1  }
0x27: {  	[tilespmem:$0x41D0] =	vst v1  }
0x28: {  	[tilespmem:$0x41E0] =	vst v1  }
0x29: {  	[tilespmem:$0x41F0] =	vst v1  }
0x2a: {  	[tilespmem:$0x4200] =	vst v1  }
0x2b: {  	[tilespmem:$0x4210] =	vst v1  }
0x2c: {  	[tilespmem:$0x4220] =	vst v1  }
0x2d: {  	[tilespmem:$0x4230] =	vst v1  }
0x2e: {  	[tilespmem:$0x4240] =	vst v1  }
0x2f: {  	[tilespmem:$0x4250] =	vst v1  }
0x30: {  	[tilespmem:$0x4260] =	vst v1  }
0x31: {  	[tilespmem:$0x4270] =	vst v1  }
0x32: {  	[tilespmem:$0x4280] =	vst v1  }
0x33: {  	[tilespmem:$0x4290] =	vst v1  }
0x34: {  	[tilespmem:$0x42A0] =	vst v1  }
0x35: {  	[tilespmem:$0x42B0] =	vst v1  }
0x36: {  	[tilespmem:$0x42C0] =	vst v1  }
0x37: {  	[tilespmem:$0x42D0] =	vst v1  }
0x38: {  	[tilespmem:$0x42E0] =	vst v1  }
0x39: {  	[tilespmem:$0x42F0] =	vst v1  }
0x3a: {  	[spmem:s4] =	stream.linear.scatter [tilespmem:s8], [sflag:$0x2], $0x280, $0x38;
	[tilespmem:$0x4580] =	vst v63  }
0x3b: {  	_ =	swait.ge [sflag:s9], $0x280  }
0x3c: {  	[sflag:s9] =	ssyncset.done $0x0  }
0x3d: {  	[sflag:s9] =	ssyncadd.s32 $0xFFFFFD80  }
0x3e: {  	[tilespmem:s3], [sflag:$0x2] =	stream.linear.gather [hbm4b:s5+s3], $0x3E80, $0x38;
	[tilespmem:$0x4580] =	vst v63  }
0x3f: {  	_ =	swait.ge [sflag:s9], $0x3E80  }
0x40: {  	[sflag:s9] =	ssyncset.done $0x0  }
0x41: {  	[sflag:s9] =	ssyncadd.s32 $0xFFFFC180  }
0x42: {  	s16 =	simm.s32 $0x0;
	[bflag:$0x0] =	sbarrier.arrive $0xFFFF  }
.LBB2_2:
0x43: {  	p0 =	sne.s32 s16, $0xF800  }
.Ltmp0:
0x44: {  	_ = 	snop;
	(pc) =	sbr.rel @p0 .LBB2_2-.Ltmp0, $3  }
0x45: {  	_ =	sdelay $0x1  }
0x46: {  	s17 =	sshra.s32 s16, $0x2;
	s16 =	sadd.s32 $0x200, s16  }
0x47: {  	[spmem:s2] =	stream.indirect.scatter.add.f32 [tilespmem:s11], [sflag:$0x1], $0x1, s17, s10, $0xb8;
	[tilespmem:$0x4580] =	vst v63  }
0x48: {  	_ =	swait.ge [sflag:s12], $0x50  }
0x49: {  	s16 =	simm.s32 $0x7C;
	[sflag:s12] =	ssyncset.done $0x0  }
.LBB2_4:
0x4a: {  	p0 =	sne.s32 s16, $0x1;
	s16 =	sadd.s32 $0xFFFFFFFF, s16;
	[sflag:s12] =	ssyncadd.s32 $0xFFFFFFB0  }
.Ltmp1:
0x4b: {  	(pc) =	sbr.rel @p0 .LBB2_4-.Ltmp1, $3  }
0x4c: {  	_ =	sdelay $0x1  }
0x4d: {  	_ =	swait.ge [sflag:s12], $0x50  }
0x4e: {  	[sflag:s12] =	ssyncset.done $0x0  }
0x4f: {  	s15 =	sadd.s32 $0x1, s15  }
0x50: {  	[sflag:s12] =	ssyncadd.s32 $0xFFFFFFB0;
	p0 =	sne.s32 s15, s7  }
.Ltmp2:
0x51: {  	[bflag:$0x0] =	sbarrier.arrive $0xFFFF;
	(pc) =	sbr.rel @p0 .LBB2_1-.Ltmp2, $4  }
0x52: {  	[hbm:s6], [sflag:s13] =	dma.local [spmem:s14], $0x50  }
0x53: {  	_ =	swait.ge [sflag:s9], $0x50  }
0x54: {  	[sflag:s9] =	ssyncset.done $0x0  }
0x55: {  	[sflag:s9] =	ssyncadd.s32 $0xFFFFFFB0  }
0x56: {  	_ =	sfence.sel $0x180000  }
0x57: {  	[bflag:$0x0] =	sbarrier.arrive $0xFFFF  }
0x58: {  	p0 =	sne.s32 s0, $0x0;
	_ =	strace $0x90000047  }
0x59: {  	s0 =	sadd.s32 @!p0 $0x100000, s1;
	[bflag:$0x2] =	sbarrier.arrive $0xFFFF  }
0x5a: {  	[sflag:s0] =	ssyncadd.tile.s32 @!p0 $0x1;
	_ =	shalt  }
.Lfunc_end2:
_tile_overlayer_lowered:
.L_overlay_start_2:
0x5b: {  	(tag) =	ssettag $0x2  }
0x5c: {  	s0 =	rddreg [dreg:$0x0];
	s2 =	stileid.u32  }
0x5d: {  	s1 =	rddreg [dreg:$0x1];
	p0 =	sne.s32 s2, $0x0  }
0x5e: {  	s3 =	rddreg [dreg:$0x2];
	[bflag:$0x3] =	sbarrier.arrive $0xFFFF;
	s2 =	simm.s32 @!p0 $0x1C02  }
0x5f: {  	[timem:s3], [sflag:s2] =	dma.local @!p0 [hbm:s0], s1  }
0x60: {  	s0 =	simm.s32 @!p0 $0x2  }
0x61: {  	_ =	swait.ge @!p0 [sflag:s0], s1  }
0x62: {  	s1 =	ssub.s32 @!p0 $0x0, s1;
	[sflag:s0] =	ssyncset.done @!p0 $0x0  }
0x63: {  	[sflag:s0] =	ssyncadd.s32 @!p0 s1  }
0x64: {  	[bflag:$0x3] =	sbarrier.arrive $0xFFFF  }
0x65: {  	_ =	shalt  }

</sc_bundles>
